<compile_context>
chip_gen: v7x
topology: tpu7x:2x2x1
jax: 0.10.2.dev20260603
libtpu: 0.0.44.dev20260713+nightly
codegen_flags: <defaults>
</compile_context>

<pallas_src>
import functools

import jax
import jax.numpy as jnp
from jax import lax
from jax.experimental import pallas as pl
from jax.experimental.pallas import tpu as pltpu
from jax.experimental.pallas import tpu_sc as plsc

N_NODES = 10000
N2 = 20000
DIM = 128
HALF = 64
LAYERS = 3
NGRAPH = 64
TEMP = 0.1
BN_EPS = 1e-5

E2 = 640000
CH = 128
EPAD = 655360
CHPT = 320
ACCROWS = 20096
TRASH = 20000
GPAD = 12288
ROWS_PT = 1250

_f32 = jnp.float32


def _sc_mesh():
    return plsc.VectorSubcoreMesh(
        core_axis_name="c", subcore_axis_name="s", num_cores=2, num_subcores=16)


_SC_PARAMS = pltpu.CompilerParams(use_tc_tiling_on_sc=False)


def _scatter_body(znA, znB, srcp, dstp, zinit, aggA, aggB,
                  sidx, didx, rows, acc, sem):
    c = lax.axis_index("c")
    s = lax.axis_index("s")

    pltpu.sync_copy(zinit, acc.at[pl.ds(s * 1256, 1256)])
    plsc.subcore_barrier()

    def make_chunk(tab):
        def chunk(i, _):
            off = (s * CHPT + i) * CH
            pltpu.sync_copy(srcp.at[pl.ds(off, CH)], sidx)
            pltpu.sync_copy(dstp.at[pl.ds(off, CH)], didx.at[0])
            pltpu.async_copy(tab.at[sidx], rows, sem).wait()
            pltpu.sync_copy(rows, acc.at[didx.at[0]], add=True)
            return 0
        return chunk

    @pl.when(c == 0)
    def _():
        lax.fori_loop(0, CHPT, make_chunk(znA), 0)

    @pl.when(c == 1)
    def _():
        lax.fori_loop(0, CHPT, make_chunk(znB), 0)

    plsc.subcore_barrier()

    @pl.when(c == 0)
    def _():
        pltpu.sync_copy(acc.at[pl.ds(s * ROWS_PT, ROWS_PT)],
                        aggA.at[pl.ds(s * ROWS_PT, ROWS_PT)])

    @pl.when(c == 1)
    def _():
        pltpu.sync_copy(acc.at[pl.ds(s * ROWS_PT, ROWS_PT)],
                        aggB.at[pl.ds(s * ROWS_PT, ROWS_PT)])


def _sc_scatter(znA, znB, srcp, dstp, zinit):
    return pl.kernel(
        _scatter_body,
        out_type=(jax.ShapeDtypeStruct((N2, HALF), _f32),
                  jax.ShapeDtypeStruct((N2, HALF), _f32)),
        mesh=_sc_mesh(),
        scratch_types=[
            pltpu.VMEM((CH,), jnp.int32),
            pltpu.VMEM((1, CH), jnp.int32),
            pltpu.VMEM((CH, HALF), _f32),
            pltpu.VMEM_SHARED((ACCROWS, HALF), _f32),
            pltpu.SemaphoreType.DMA,
        ],
        compiler_params=_SC_PARAMS,
    )(znA, znB, srcp, dstp, zinit)


def _gather_body(hA, hB, gidx, negA, negB, sidx, rows, sem):
    c = lax.axis_index("c")
    s = lax.axis_index("s")

    def make_chunk(tab, out):
        def chunk(i, _):
            off = (s * 6 + i) * CH
            pltpu.sync_copy(gidx.at[pl.ds(off, CH)], sidx)
            pltpu.async_copy(tab.at[sidx], rows, sem).wait()
            pltpu.sync_copy(rows, out.at[pl.ds(off, CH)])
            return 0
        return chunk

    @pl.when(c == 0)
    def _():
        lax.fori_loop(0, 6, make_chunk(hA, negA), 0)

    @pl.when(c == 1)
    def _():
        lax.fori_loop(0, 6, make_chunk(hB, negB), 0)


def _sc_gather_neg(hA, hB, gidx):
    return pl.kernel(
        _gather_body,
        out_type=(jax.ShapeDtypeStruct((GPAD, HALF), _f32),
                  jax.ShapeDtypeStruct((GPAD, HALF), _f32)),
        mesh=_sc_mesh(),
        scratch_types=[
            pltpu.VMEM((CH,), jnp.int32),
            pltpu.VMEM((CH, HALF), _f32),
            pltpu.SemaphoreType.DMA,
        ],
        compiler_params=_SC_PARAMS,
    )(hA, hB, gidx)


def _ini_body(x_ref, w1_ref, b1_ref, w2_ref, b2_ref, a_ref, b_ref):
    a = jnp.maximum(
        jnp.dot(x_ref[...], w1_ref[...], preferred_element_type=_f32)
        + b1_ref[...], 0.0)
    h = jnp.dot(a, w2_ref[...], preferred_element_type=_f32) + b2_ref[...]
    a_ref[...] = h[:, :HALF]
    b_ref[...] = h[:, HALF:]


def _ini_mlp(x, w1, b1, w2, b2):
    BR = 2000
    return pl.pallas_call(
        _ini_body,
        grid=(N_NODES // BR,),
        in_specs=[
            pl.BlockSpec((BR, DIM), lambda i: (i, 0)),
            pl.BlockSpec((DIM, DIM), lambda i: (0, 0)),
            pl.BlockSpec((1, DIM), lambda i: (0, 0)),
            pl.BlockSpec((DIM, DIM), lambda i: (0, 0)),
            pl.BlockSpec((1, DIM), lambda i: (0, 0)),
        ],
        out_specs=[pl.BlockSpec((BR, HALF), lambda i: (i, 0)),
                   pl.BlockSpec((BR, HALF), lambda i: (i, 0))],
        out_shape=[jax.ShapeDtypeStruct((N_NODES, HALF), _f32),
                   jax.ShapeDtypeStruct((N_NODES, HALF), _f32)],
    )(x, w1, b1.reshape(1, DIM), w2, b2.reshape(1, DIM))


def _layer_body(znA, znB, agA, agB, w1, b1, w2, b2, z_ref):
    vA = znA[...] + agA[...]
    vB = znB[...] + agB[...]
    v = jnp.concatenate([vA, vB], axis=1)
    a = jnp.maximum(
        jnp.dot(v, w1[...], preferred_element_type=_f32)
        + b1[...], 0.0)
    z_ref[...] = jnp.maximum(
        jnp.dot(a, w2[...], preferred_element_type=_f32) + b2[...], 0.0)


def _gin_layer(znA, znB, agA, agB, w1, b1, w2, b2):
    BR = 2000
    return pl.pallas_call(
        _layer_body,
        grid=(N2 // BR,),
        in_specs=[
            pl.BlockSpec((BR, HALF), lambda i: (i, 0)),
            pl.BlockSpec((BR, HALF), lambda i: (i, 0)),
            pl.BlockSpec((BR, HALF), lambda i: (i, 0)),
            pl.BlockSpec((BR, HALF), lambda i: (i, 0)),
            pl.BlockSpec((DIM, DIM), lambda i: (0, 0)),
            pl.BlockSpec((1, DIM), lambda i: (0, 0)),
            pl.BlockSpec((DIM, DIM), lambda i: (0, 0)),
            pl.BlockSpec((1, DIM), lambda i: (0, 0)),
        ],
        out_specs=pl.BlockSpec((BR, DIM), lambda i: (i, 0)),
        out_shape=jax.ShapeDtypeStruct((N2, DIM), _f32),
    )(znA, znB, agA, agB, w1,
      b1.reshape(1, DIM), w2, b2.reshape(1, DIM))


def _norm_body(z_ref, g_ref, mu_ref, sq_ref, b_ref, a_ref, bb_ref):
    zn = g_ref[...] * (z_ref[...] - mu_ref[...]) / sq_ref[...] + b_ref[...]
    a_ref[...] = zn[:, :HALF]
    bb_ref[...] = zn[:, HALF:]


def _norm_split(z, g, mu, sq, b):
    BR = 2000
    return pl.pallas_call(
        _norm_body,
        grid=(N2 // BR,),
        in_specs=[
            pl.BlockSpec((BR, DIM), lambda i: (i, 0)),
            pl.BlockSpec((1, DIM), lambda i: (0, 0)),
            pl.BlockSpec((1, DIM), lambda i: (0, 0)),
            pl.BlockSpec((1, DIM), lambda i: (0, 0)),
            pl.BlockSpec((1, DIM), lambda i: (0, 0)),
        ],
        out_specs=[pl.BlockSpec((BR, HALF), lambda i: (i, 0)),
                   pl.BlockSpec((BR, HALF), lambda i: (i, 0))],
        out_shape=[jax.ShapeDtypeStruct((N2, HALF), _f32),
                   jax.ShapeDtypeStruct((N2, HALF), _f32)],
    )(z, g, mu, sq, b)


def _comb_pos_body(z0a, z0b, z1a, z1b, z2a, z2b, lwb_ref, mhad_ref,
                   subw_ref, M_ref, pos_ref, pg_ref, sub_ref, pls_ref):
    i = pl.program_id(0)
    lwb = lwb_ref[...]
    z0 = jnp.concatenate([z0a[...], z0b[...]], axis=1)
    z1 = jnp.concatenate([z1a[...], z1b[...]], axis=1)
    z2 = jnp.concatenate([z2a[...], z2b[...]], axis=1)
    glob = (z0 * lwb[0:1] + z1 * lwb[1:2] + z2 * lwb[2:3]) + lwb[3:4]
    pos_ref[...] = glob
    lg = jnp.dot(glob, mhad_ref[...], preferred_element_type=_f32)
    d = lg[:, 0:4] - lg[:, 4:8]
    mask = (d >= 0.0).astype(_f32)
    coef = jnp.sum(mask * subw_ref[:, 0:4], axis=1, keepdims=True)
    Mb = M_ref[...]
    pg = lax.dot_general(Mb, glob, (((0,), (0,)), ((), ())),
                         preferred_element_type=_f32)
    sb = lax.dot_general(Mb, glob * coef, (((0,), (0,)), ((), ())),
                         preferred_element_type=_f32)

    @pl.when(i == 0)
    def _():
        pg_ref[...] = jnp.zeros_like(pg_ref)
        sub_ref[...] = jnp.zeros_like(sub_ref)
        pls_ref[...] = jnp.zeros_like(pls_ref)

    pg_ref[...] += pg
    sub_ref[...] += sb
    pls_blk = jnp.sum(jnp.tanh(jnp.abs(d) * 0.5), axis=0, keepdims=True)
    pls_ref[...] += jnp.concatenate(
        [pls_blk, jnp.zeros((1, 4), _f32)], axis=1)


def _combine_pos(zs, lwb, mhad, subw, M):
    BR = 1000
    return pl.pallas_call(
        _comb_pos_body,
        grid=(N_NODES // BR,),
        in_specs=[
            pl.BlockSpec((BR, HALF), lambda i: (i, 0)),
            pl.BlockSpec((BR, HALF), lambda i: (i, 0)),
            pl.BlockSpec((BR, HALF), lambda i: (i, 0)),
            pl.BlockSpec((BR, HALF), lambda i: (i, 0)),
            pl.BlockSpec((BR, HALF), lambda i: (i, 0)),
            pl.BlockSpec((BR, HALF), lambda i: (i, 0)),
            pl.BlockSpec((8, DIM), lambda i: (0, 0)),
            pl.BlockSpec((DIM, 8), lambda i: (0, 0)),
            pl.BlockSpec((1, 8), lambda i: (0, 0)),
            pl.BlockSpec((BR, NGRAPH), lambda i: (i, 0)),
        ],
        out_specs=[pl.BlockSpec((BR, DIM), lambda i: (i, 0)),
                   pl.BlockSpec((NGRAPH, DIM), lambda i: (0, 0)),
                   pl.BlockSpec((NGRAPH, DIM), lambda i: (0, 0)),
                   pl.BlockSpec((1, 8), lambda i: (0, 0))],
        out_shape=[jax.ShapeDtypeStruct((N_NODES, DIM), _f32),
                   jax.ShapeDtypeStruct((NGRAPH, DIM), _f32),
                   jax.ShapeDtypeStruct((NGRAPH, DIM), _f32),
                   jax.ShapeDtypeStruct((1, 8), _f32)],
    )(zs[0][0], zs[0][1], zs[1][0], zs[1][1], zs[2][0], zs[2][1],
      lwb, mhad, subw, M)


def _comb_neg_body(z0a, z0b, z1a, z1b, z2a, z2b, lwb_ref, M_ref, ng_ref):
    i = pl.program_id(0)
    lwb = lwb_ref[...]
    z0 = jnp.concatenate([z0a[...], z0b[...]], axis=1)
    z1 = jnp.concatenate([z1a[...], z1b[...]], axis=1)
    z2 = jnp.concatenate([z2a[...], z2b[...]], axis=1)
    glob = (z0 * lwb[0:1] + z1 * lwb[1:2] + z2 * lwb[2:3]) + lwb[3:4]
    ng = lax.dot_general(M_ref[...], glob, (((0,), (0,)), ((), ())),
                         preferred_element_type=_f32)

    @pl.when(i == 0)
    def _():
        ng_ref[...] = jnp.zeros_like(ng_ref)

    ng_ref[...] += ng


def _combine_neg(zs, lwb, M):
    BR = 1000
    nblk = N_NODES // BR
    return pl.pallas_call(
        _comb_neg_body,
        grid=(nblk,),
        in_specs=[
            pl.BlockSpec((BR, HALF), lambda i: (i + nblk, 0)),
            pl.BlockSpec((BR, HALF), lambda i: (i + nblk, 0)),
            pl.BlockSpec((BR, HALF), lambda i: (i + nblk, 0)),
            pl.BlockSpec((BR, HALF), lambda i: (i + nblk, 0)),
            pl.BlockSpec((BR, HALF), lambda i: (i + nblk, 0)),
            pl.BlockSpec((BR, HALF), lambda i: (i + nblk, 0)),
            pl.BlockSpec((8, DIM), lambda i: (0, 0)),
            pl.BlockSpec((BR, NGRAPH), lambda i: (i, 0)),
        ],
        out_specs=pl.BlockSpec((NGRAPH, DIM), lambda i: (0, 0)),
        out_shape=jax.ShapeDtypeStruct((NGRAPH, DIM), _f32),
    )(zs[0][0], zs[0][1], zs[1][0], zs[1][1], zs[2][0], zs[2][1], lwb, M)


def _nce_body(pos_ref, pgr_ref, M_ref, out_ref):
    i = pl.program_id(0)
    pg = pgr_ref[...]
    nn = jnp.sqrt(jnp.sum(pg * pg, axis=1, keepdims=True))
    nk = pg / (nn + 1e-8)
    pb = pos_ref[...]
    qn = jnp.sqrt(jnp.sum(pb * pb, axis=1, keepdims=True))
    q = pb / (qn + 1e-8)
    H = lax.dot_general(q, nk, (((1,), (1,)), ((), ())),
                        preferred_element_type=_f32) * (1.0 / TEMP)
    m = jnp.max(H, axis=1, keepdims=True)
    lse = m + jnp.log(jnp.exp(H[:, 0:1] - m)
                      + jnp.sum(jnp.exp(H - m), axis=1, keepdims=True))
    loss = lse - H[:, 0:1]
    lossb = jnp.broadcast_to(loss, (loss.shape[0], NGRAPH))
    acc = lax.dot_general(M_ref[...], lossb, (((0,), (0,)), ((), ())),
                          preferred_element_type=_f32)

    @pl.when(i == 0)
    def _():
        out_ref[...] = jnp.zeros_like(out_ref)

    out_ref[...] += acc


def _nce(pos, pos_graph, M):
    BR = 1000
    return pl.pallas_call(
        _nce_body,
        grid=(N_NODES // BR,),
        in_specs=[
            pl.BlockSpec((BR, DIM), lambda i: (i, 0)),
            pl.BlockSpec((NGRAPH, DIM), lambda i: (0, 0)),
            pl.BlockSpec((BR, NGRAPH), lambda i: (i, 0)),
        ],
        out_specs=pl.BlockSpec((NGRAPH, NGRAPH), lambda i: (0, 0)),
        out_shape=jax.ShapeDtypeStruct((NGRAPH, NGRAPH), _f32),
    )(pos, pos_graph, M)


def kernel(x, edge_index, batch, percent, params):
    p = params

    counts = jnp.bincount(batch, length=NGRAPH)
    starts = jnp.concatenate(
        [jnp.zeros((1,), counts.dtype), jnp.cumsum(counts)[:-1]])
    r = jax.random.uniform(jax.random.key(123), (N_NODES,))
    cb = counts[batch]
    offs = jnp.minimum(
        jnp.floor(r * cb.astype(_f32)).astype(batch.dtype),
        jnp.maximum(cb - 1, 0).astype(batch.dtype))
    gidx = starts[batch].astype(batch.dtype) + offs
    gidx_pad = jnp.concatenate(
        [gidx, jnp.zeros((GPAD - N_NODES,), jnp.int32)])

    offset = edge_index[0, -1] + 1
    src, dst = edge_index[0], edge_index[1]
    srcp = jnp.concatenate(
        [src, src + offset, jnp.zeros((EPAD - E2,), jnp.int32)])
    dstp = jnp.concatenate(
        [dst, dst + offset, jnp.full((EPAD - E2,), TRASH, jnp.int32)])

    zinit = jnp.zeros((1256, HALF), _f32)
    M = (batch[:, None] == jnp.arange(NGRAPH, dtype=batch.dtype)[None, :]
         ).astype(_f32)

    hA, hB = _ini_mlp(x, p['ini_w1'], p['ini_b1'], p['ini_w2'], p['ini_b2'])
    negA, negB = _sc_gather_neg(hA, hB, gidx_pad)
    curA = jnp.concatenate([hA, negA[:N_NODES]], axis=0)
    curB = jnp.concatenate([hB, negB[:N_NODES]], axis=0)

    zn_list = []
    for l in range(LAYERS):
        g = p['gin'][l]
        aggA, aggB = _sc_scatter(curA, curB, srcp, dstp, zinit)
        z = _gin_layer(curA, curB, aggA, aggB,
                       g['w1'], g['b1'], g['w2'], g['b2'])
        mu = jnp.mean(z, axis=0, keepdims=True)
        var = jnp.var(z, axis=0, keepdims=True)
        sq = jnp.sqrt(var + BN_EPS)
        curA, curB = _norm_split(z, p['bn_g'][l].reshape(1, DIM), mu, sq,
                                 p['bn_b'][l].reshape(1, DIM))
        zn_list.append((curA, curB))

    lw = p['layer_w']
    lwb = jnp.concatenate(
        [jnp.broadcast_to(lw[0], (1, DIM)),
         jnp.broadcast_to(lw[1], (1, DIM)),
         jnp.broadcast_to(lw[2], (1, DIM)),
         jnp.broadcast_to(p['layer_b'], (1, DIM)),
         jnp.zeros((4, DIM), _f32)], axis=0)

    mhad = jnp.concatenate(
        [p['mha'][:, :, 0].T, p['mha'][:, :, 1].T], axis=1)
    subw = jnp.concatenate([p['sub_w'], jnp.zeros((4,), _f32)]
                           ).reshape(1, 8)

    pos, pos_graph, sub_acc, pls = _combine_pos(zn_list, lwb, mhad, subw, M)
    neg_graph = _combine_neg(zn_list, lwb, M)

    sampling_subgraph = sub_acc + counts[:, None].astype(_f32) * p['sub_b']
    prob_loss = -jnp.sum(pls)

    nce_acc = _nce(pos, pos_graph, M)
    per_graph = nce_acc[:, 0] / jnp.maximum(counts, 1).astype(_f32)
    info_nce = per_graph.mean()

    return (pos_graph, sampling_subgraph, neg_graph, prob_loss, info_nce)

# --- scband reference (transcript-rebuilt; emitter-appended) ---
"""Pipeline reference for scband-encoder-22273700397058 (READ-ONLY COPY).

The authoritative reference and input builder live on the scoring server;
editing this copy changes nothing except your own understanding.
"""

import jax, jax.numpy as jnp
import numpy as np
from jax.scipy.special import logsumexp

N_NODES = 10000
N_EDGES = 320000
DIM = 128
LAYERS = 3
NSUB = 4
NGRAPH = 64
TEMP = 0.1
BN_EPS = 1e-5


def setup_inputs(seed: int = 0) -> dict:
    key = jax.random.key(seed)
    ks = jax.random.split(key, 16)
    x = jax.random.normal(ks[0], (N_NODES, DIM), jnp.float32)
    edge_index = jax.random.randint(ks[1], (2, N_EDGES), 0, N_NODES, dtype=jnp.int32)
    batch = jnp.sort(jax.random.randint(ks[2], (N_NODES,), 0, NGRAPH, dtype=jnp.int32))
    pk = jax.random.split(ks[3], 8)

    def rn(k, shp):
        return jax.random.normal(k, shp, jnp.float32) * 0.05

    params = {
        'ini_w1': rn(pk[0], (DIM, DIM)), 'ini_b1': jnp.zeros((DIM,), jnp.float32),
        'ini_w2': rn(pk[1], (DIM, DIM)), 'ini_b2': jnp.zeros((DIM,), jnp.float32),
        'gin': [{'w1': rn(jax.random.fold_in(pk[2], i), (DIM, DIM)), 'b1': jnp.zeros((DIM,), jnp.float32),
                 'w2': rn(jax.random.fold_in(pk[3], i), (DIM, DIM)), 'b2': jnp.zeros((DIM,), jnp.float32)}
                for i in range(LAYERS)],
        'bn_g': [jnp.ones((DIM,), jnp.float32) for _ in range(LAYERS)],
        'bn_b': [jnp.zeros((DIM,), jnp.float32) for _ in range(LAYERS)],
        'layer_w': rn(pk[4], (LAYERS,)), 'layer_b': jnp.zeros((), jnp.float32),
        'mha': rn(pk[5], (NSUB, DIM, 2)),
        'sub_w': rn(pk[6], (NSUB,)), 'sub_b': jnp.zeros((), jnp.float32),
    }
    return {'x': x, 'edge_index': edge_index, 'batch': batch, 'percent': 0, 'params': params}


def _forward(x, params, edge_index, batch):
    p = params
    # ini_embed: Linear -> ReLU -> Linear
    h = jnp.maximum(x @ p['ini_w1'] + p['ini_b1'], 0.0) @ p['ini_w2'] + p['ini_b2']
    # create_neg_n0: per-graph random resampling (with replacement), deterministic key
    counts = jnp.bincount(batch, length=NGRAPH)
    starts = jnp.concatenate([jnp.zeros((1,), counts.dtype), jnp.cumsum(counts)[:-1]])
    r = jax.random.uniform(jax.random.key(123), (N_NODES,))
    cb = counts[batch]
    offs = jnp.minimum(jnp.floor(r * cb.astype(jnp.float32)).astype(batch.dtype), jnp.maximum(cb - 1, 0).astype(batch.dtype))
    neg = h[starts[batch].astype(batch.dtype) + offs]
    h2 = jnp.concatenate([h, neg], axis=0)
    offset = edge_index[0, -1] + 1
    ei = jnp.concatenate([edge_index, edge_index + offset], axis=1)
    src, dst = ei[0], ei[1]
    embeds = []
    for i in range(LAYERS):
        g = p['gin'][i]
        # GINConv (eps=0): mlp(x + sum_{j->i} x_j)
        agg = jnp.zeros_like(h2).at[dst].add(h2[src])
        z = h2 + agg
        z = jnp.maximum(z @ g['w1'] + g['b1'], 0.0) @ g['w2'] + g['b2']
        z = jnp.maximum(z, 0.0)  # F.relu after conv
        mu = z.mean(axis=0)
        var = z.var(axis=0)
        z = p['bn_g'][i] * (z - mu) / jnp.sqrt(var + BN_EPS) + p['bn_b'][i]
        h2 = z
        embeds.append(z)
    stacked = jnp.stack(embeds, axis=1)  # [2N, L, dim]
    glob = jnp.einsum('nld,l->nd', stacked, p['layer_w']) + p['layer_b']  # Conv2d(L,1,1x1)
    glob = glob.reshape(2, N_NODES, DIM)
    pos, negn = glob[0], glob[1]
    neg_graph = jax.ops.segment_sum(negn, batch, num_segments=NGRAPH)
    # multi_head_subgraph_generation (mode='MH')
    Pm = jax.nn.softmax(jnp.einsum('nd,sdt->snt', pos, p['mha']), axis=-1)  # [S,N,2]
    mask = (Pm[:, :, 0] >= 0.5).astype(pos.dtype)
    sub_embed = jnp.einsum('snd,s->nd', pos[None, :, :] * mask[:, :, None], p['sub_w']) + p['sub_b']
    sampling_subgraph = jax.ops.segment_sum(sub_embed, batch, num_segments=NGRAPH)
    prob_loss = -jnp.sum(jnp.abs(Pm[:, :, 0] - Pm[:, :, 1]))
    pos_graph = jax.ops.segment_sum(pos, batch, num_segments=NGRAPH)
    # nce_out, vectorized: InfoNCE(node, pos_graph[0], pos_graph) per node
    def l2n(a):
        return a / (jnp.linalg.norm(a, axis=-1, keepdims=True) + 1e-8)
    q = l2n(pos)
    pz = l2n(pos_graph[0])
    nk = l2n(pos_graph)
    logits = jnp.concatenate([(q @ pz)[:, None], q @ nk.T], axis=1) / TEMP
    loss_per = -(logits[:, 0] - logsumexp(logits, axis=1))
    per_graph = jax.ops.segment_sum(loss_per, batch, num_segments=NGRAPH) / jnp.maximum(counts, 1).astype(jnp.float32)
    info_nce = per_graph.mean()
    return (pos_graph, sampling_subgraph, neg_graph, prob_loss, info_nce)


def reference(x, edge_index, batch, percent, params):
    # percent is falsy (0) -> MH branch, matching the torch forward
    return _forward(x, params, edge_index, batch)

if __name__ == "__main__":
    import jax
    _d = setup_inputs()
    print(jax.jit(kernel)(*tuple(_d.values())))

</pallas_src>

<mosaic_0001>
#map = affine_map<(d0, d1) -> (0, 0)>
#map1 = affine_map<(d0, d1) -> (0)>
module attributes {stable_mosaic.version = 14 : i64} {
  func.func @_gather_body(%arg0: i32, %arg1: i32, %arg2: memref<10000x64xf32, #tpu.memory_space<hbm>>, %arg3: memref<10000x64xf32, #tpu.memory_space<hbm>>, %arg4: memref<12288xi32, #tpu.memory_space<hbm>>, %arg5: memref<12288x64xf32, #tpu.memory_space<hbm>>, %arg6: memref<12288x64xf32, #tpu.memory_space<hbm>>, %arg7: memref<128xi32, #tpu.memory_space<vmem>>, %arg8: memref<128x64xf32, #tpu.memory_space<vmem>>, %arg9: memref<!tpu.dma_semaphore, #tpu.memory_space<semaphore_mem>>) attributes {dimension_semantics = [#tpu.dimension_semantics<core_parallel>, #tpu.dimension_semantics<subcore_parallel>], iteration_bounds = array<i64: 2, 16>, scalar_prefetch = 0 : i64, scratch_operands = 3 : i64, tpu.core_type = #tpu.core_type<sc_vector_subcore>, window_params = [{transform_indices = #map}, {transform_indices = #map}, {transform_indices = #map1}, {transform_indices = #map}, {transform_indices = #map}]} {
    %eq3A = arith.constant 0 : i32
    %eq3A_0 = arith.cmpi eq, %arg0, %eq3A : i32
    %convert_element_type3A = arith.extui %eq3A_0 : i1 to i32
    %cond3A = arith.constant 0 : i32
    %cond3A_1 = arith.cmpi ne, %convert_element_type3A, %cond3A : i32
    scf.if %cond3A_1 {
      %scan3A = arith.constant 0 : i32
      %scan3A_7 = arith.constant 0 : i32
      %scan3A_8 = arith.constant 6 : i32
      %scan3A_9 = arith.addi %scan3A_7, %scan3A_8 : i32
      %scan3A_10 = arith.constant 1 : i32
      %scan3A_11 = scf.for %scan3A_13 = %scan3A_7 to %scan3A_9 step %scan3A_10 iter_args(%scan3A_14 = %scan3A) -> (i32)  : i32 {
        %mul3A = arith.constant 6 : i32
        %mul3A_15 = arith.muli %arg1, %mul3A : i32
        %add3A = arith.addi %mul3A_15, %scan3A_13 : i32
        %mul3A_16 = arith.constant 128 : i32
        %mul3A_17 = arith.muli %add3A, %mul3A_16 : i32
        "tpu.region"() ({
          %run_scoped3A = tpu.sem_alloc : memref<!tpu.dma_semaphore, #tpu.memory_space<semaphore_mem>>
          %dma_start3A_23 = tpu.memref_slice %arg4[%mul3A_17] : memref<12288xi32, #tpu.memory_space<hbm>> -> memref<128xi32, #tpu.memory_space<hbm>>
          %dma_start3A_24 = tpu.memref_slice %arg4[%mul3A_17] : memref<12288xi32, #tpu.memory_space<hbm>> -> memref<128xi32, #tpu.memory_space<hbm>>
          tpu.enqueue_dma source(%dma_start3A_24 : memref<128xi32, #tpu.memory_space<hbm>>) target(%arg7 : memref<128xi32, #tpu.memory_space<vmem>>) target_semaphore(%run_scoped3A : memref<!tpu.dma_semaphore, #tpu.memory_space<semaphore_mem>>)
          %dma_wait3A_25 = tpu.memref_slice %arg4[%mul3A_17] : memref<12288xi32, #tpu.memory_space<hbm>> -> memref<128xi32, #tpu.memory_space<hbm>>
          %dma_wait3A_26 = tpu.memref_slice %arg4[%mul3A_17] : memref<12288xi32, #tpu.memory_space<hbm>> -> memref<128xi32, #tpu.memory_space<hbm>>
          tpu.wait_dma2 semaphore(%run_scoped3A : memref<!tpu.dma_semaphore, #tpu.memory_space<semaphore_mem>>) src(%dma_wait3A_26 : memref<128xi32, #tpu.memory_space<hbm>>) dst(%arg7 : memref<128xi32, #tpu.memory_space<vmem>>)
          tpu.yield
        }) : () -> ()
        %dma_start3A = arith.constant 0 : i32
        %dma_start3A_18 = arith.constant 0 : i32
        %dma_start3A_19 = tpu.memref_slice %arg2[%dma_start3A, %dma_start3A_18] : memref<10000x64xf32, #tpu.memory_space<hbm>> -> memref<10000x64xf32, #tpu.memory_space<hbm>>
        tpu.enqueue_indirect_dma source(%dma_start3A_19 : memref<10000x64xf32, #tpu.memory_space<hbm>>) target(%arg8 : memref<128x64xf32, #tpu.memory_space<vmem>>) offsets(%arg7 : memref<128xi32, #tpu.memory_space<vmem>>) semaphore(%arg9 : memref<!tpu.dma_semaphore, #tpu.memory_space<semaphore_mem>>)
        %dma_wait3A = arith.constant 0 : i32
        %dma_wait3A_20 = arith.constant 0 : i32
        %dma_wait3A_21 = tpu.memref_slice %arg2[%dma_wait3A, %dma_wait3A_20] : memref<10000x64xf32, #tpu.memory_space<hbm>> -> memref<10000x64xf32, #tpu.memory_space<hbm>>
        tpu.wait_indirect_dma semaphore(%arg9 : memref<!tpu.dma_semaphore, #tpu.memory_space<semaphore_mem>>) src(%dma_wait3A_21 : memref<10000x64xf32, #tpu.memory_space<hbm>>) dst(%arg8 : memref<128x64xf32, #tpu.memory_space<vmem>>)
        "tpu.region"() ({
          %run_scoped3A = tpu.sem_alloc : memref<!tpu.dma_semaphore, #tpu.memory_space<semaphore_mem>>
          %dma_start3A_23 = arith.constant 0 : i32
          %dma_start3A_24 = tpu.memref_slice %arg5[%mul3A_17, %dma_start3A_23] : memref<12288x64xf32, #tpu.memory_space<hbm>> -> memref<128x64xf32, #tpu.memory_space<hbm>>
          %dma_start3A_25 = arith.constant 0 : i32
          %dma_start3A_26 = tpu.memref_slice %arg5[%mul3A_17, %dma_start3A_25] : memref<12288x64xf32, #tpu.memory_space<hbm>> -> memref<128x64xf32, #tpu.memory_space<hbm>>
          tpu.enqueue_dma source(%arg8 : memref<128x64xf32, #tpu.memory_space<vmem>>) target(%dma_start3A_26 : memref<128x64xf32, #tpu.memory_space<hbm>>) target_semaphore(%run_scoped3A : memref<!tpu.dma_semaphore, #tpu.memory_space<semaphore_mem>>)
          %dma_wait3A_27 = arith.constant 0 : i32
          %dma_wait3A_28 = tpu.memref_slice %arg5[%mul3A_17, %dma_wait3A_27] : memref<12288x64xf32, #tpu.memory_space<hbm>> -> memref<128x64xf32, #tpu.memory_space<hbm>>
          %dma_wait3A_29 = arith.constant 0 : i32
          %dma_wait3A_30 = tpu.memref_slice %arg5[%mul3A_17, %dma_wait3A_29] : memref<12288x64xf32, #tpu.memory_space<hbm>> -> memref<128x64xf32, #tpu.memory_space<hbm>>
          tpu.wait_dma2 semaphore(%run_scoped3A : memref<!tpu.dma_semaphore, #tpu.memory_space<semaphore_mem>>) src(%arg8 : memref<128x64xf32, #tpu.memory_space<vmem>>) dst(%dma_wait3A_30 : memref<128x64xf32, #tpu.memory_space<hbm>>)
          tpu.yield
        }) : () -> ()
        %scan3A_22 = arith.constant 0 : i32
        scf.yield %scan3A_22 : i32
      }
      %scan3A_12 = arith.constant 6 : i32
    } else {
    }
    %eq3A_2 = arith.constant 1 : i32
    %eq3A_3 = arith.cmpi eq, %arg0, %eq3A_2 : i32
    %convert_element_type3A_4 = arith.extui %eq3A_3 : i1 to i32
    %cond3A_5 = arith.constant 0 : i32
    %cond3A_6 = arith.cmpi ne, %convert_element_type3A_4, %cond3A_5 : i32
    scf.if %cond3A_6 {
      %scan3A = arith.constant 0 : i32
      %scan3A_7 = arith.constant 0 : i32
      %scan3A_8 = arith.constant 6 : i32
      %scan3A_9 = arith.addi %scan3A_7, %scan3A_8 : i32
      %scan3A_10 = arith.constant 1 : i32
      %scan3A_11 = scf.for %scan3A_13 = %scan3A_7 to %scan3A_9 step %scan3A_10 iter_args(%scan3A_14 = %scan3A) -> (i32)  : i32 {
        %mul3A = arith.constant 6 : i32
        %mul3A_15 = arith.muli %arg1, %mul3A : i32
        %add3A = arith.addi %mul3A_15, %scan3A_13 : i32
        %mul3A_16 = arith.constant 128 : i32
        %mul3A_17 = arith.muli %add3A, %mul3A_16 : i32
        "tpu.region"() ({
          %run_scoped3A = tpu.sem_alloc : memref<!tpu.dma_semaphore, #tpu.memory_space<semaphore_mem>>
          %dma_start3A_23 = tpu.memref_slice %arg4[%mul3A_17] : memref<12288xi32, #tpu.memory_space<hbm>> -> memref<128xi32, #tpu.memory_space<hbm>>
          %dma_start3A_24 = tpu.memref_slice %arg4[%mul3A_17] : memref<12288xi32, #tpu.memory_space<hbm>> -> memref<128xi32, #tpu.memory_space<hbm>>
          tpu.enqueue_dma source(%dma_start3A_24 : memref<128xi32, #tpu.memory_space<hbm>>) target(%arg7 : memref<128xi32, #tpu.memory_space<vmem>>) target_semaphore(%run_scoped3A : memref<!tpu.dma_semaphore, #tpu.memory_space<semaphore_mem>>)
          %dma_wait3A_25 = tpu.memref_slice %arg4[%mul3A_17] : memref<12288xi32, #tpu.memory_space<hbm>> -> memref<128xi32, #tpu.memory_space<hbm>>
          %dma_wait3A_26 = tpu.memref_slice %arg4[%mul3A_17] : memref<12288xi32, #tpu.memory_space<hbm>> -> memref<128xi32, #tpu.memory_space<hbm>>
          tpu.wait_dma2 semaphore(%run_scoped3A : memref<!tpu.dma_semaphore, #tpu.memory_space<semaphore_mem>>) src(%dma_wait3A_26 : memref<128xi32, #tpu.memory_space<hbm>>) dst(%arg7 : memref<128xi32, #tpu.memory_space<vmem>>)
          tpu.yield
        }) : () -> ()
        %dma_start3A = arith.constant 0 : i32
        %dma_start3A_18 = arith.constant 0 : i32
        %dma_start3A_19 = tpu.memref_slice %arg3[%dma_start3A, %dma_start3A_18] : memref<10000x64xf32, #tpu.memory_space<hbm>> -> memref<10000x64xf32, #tpu.memory_space<hbm>>
        tpu.enqueue_indirect_dma source(%dma_start3A_19 : memref<10000x64xf32, #tpu.memory_space<hbm>>) target(%arg8 : memref<128x64xf32, #tpu.memory_space<vmem>>) offsets(%arg7 : memref<128xi32, #tpu.memory_space<vmem>>) semaphore(%arg9 : memref<!tpu.dma_semaphore, #tpu.memory_space<semaphore_mem>>)
        %dma_wait3A = arith.constant 0 : i32
        %dma_wait3A_20 = arith.constant 0 : i32
        %dma_wait3A_21 = tpu.memref_slice %arg3[%dma_wait3A, %dma_wait3A_20] : memref<10000x64xf32, #tpu.memory_space<hbm>> -> memref<10000x64xf32, #tpu.memory_space<hbm>>
        tpu.wait_indirect_dma semaphore(%arg9 : memref<!tpu.dma_semaphore, #tpu.memory_space<semaphore_mem>>) src(%dma_wait3A_21 : memref<10000x64xf32, #tpu.memory_space<hbm>>) dst(%arg8 : memref<128x64xf32, #tpu.memory_space<vmem>>)
        "tpu.region"() ({
          %run_scoped3A = tpu.sem_alloc : memref<!tpu.dma_semaphore, #tpu.memory_space<semaphore_mem>>
          %dma_start3A_23 = arith.constant 0 : i32
          %dma_start3A_24 = tpu.memref_slice %arg6[%mul3A_17, %dma_start3A_23] : memref<12288x64xf32, #tpu.memory_space<hbm>> -> memref<128x64xf32, #tpu.memory_space<hbm>>
          %dma_start3A_25 = arith.constant 0 : i32
          %dma_start3A_26 = tpu.memref_slice %arg6[%mul3A_17, %dma_start3A_25] : memref<12288x64xf32, #tpu.memory_space<hbm>> -> memref<128x64xf32, #tpu.memory_space<hbm>>
          tpu.enqueue_dma source(%arg8 : memref<128x64xf32, #tpu.memory_space<vmem>>) target(%dma_start3A_26 : memref<128x64xf32, #tpu.memory_space<hbm>>) target_semaphore(%run_scoped3A : memref<!tpu.dma_semaphore, #tpu.memory_space<semaphore_mem>>)
          %dma_wait3A_27 = arith.constant 0 : i32
          %dma_wait3A_28 = tpu.memref_slice %arg6[%mul3A_17, %dma_wait3A_27] : memref<12288x64xf32, #tpu.memory_space<hbm>> -> memref<128x64xf32, #tpu.memory_space<hbm>>
          %dma_wait3A_29 = arith.constant 0 : i32
          %dma_wait3A_30 = tpu.memref_slice %arg6[%mul3A_17, %dma_wait3A_29] : memref<12288x64xf32, #tpu.memory_space<hbm>> -> memref<128x64xf32, #tpu.memory_space<hbm>>
          tpu.wait_dma2 semaphore(%run_scoped3A : memref<!tpu.dma_semaphore, #tpu.memory_space<semaphore_mem>>) src(%arg8 : memref<128x64xf32, #tpu.memory_space<vmem>>) dst(%dma_wait3A_30 : memref<128x64xf32, #tpu.memory_space<hbm>>)
          tpu.yield
        }) : () -> ()
        %scan3A_22 = arith.constant 0 : i32
        scf.yield %scan3A_22 : i32
      }
      %scan3A_12 = arith.constant 6 : i32
    } else {
    }
    return
  }
}

#map = affine_map<(d0, d1) -> (0, 0)>
#map1 = affine_map<(d0, d1) -> (0)>
module attributes {stable_mosaic.version = 14 : i64} {
  func.func @_scatter_body(%arg0: i32, %arg1: i32, %arg2: memref<20000x64xf32, #tpu.memory_space<hbm>>, %arg3: memref<20000x64xf32, #tpu.memory_space<hbm>>, %arg4: memref<655360xi32, #tpu.memory_space<hbm>>, %arg5: memref<655360xi32, #tpu.memory_space<hbm>>, %arg6: memref<1256x64xf32, #tpu.memory_space<hbm>>, %arg7: memref<20000x64xf32, #tpu.memory_space<hbm>>, %arg8: memref<20000x64xf32, #tpu.memory_space<hbm>>, %arg9: memref<128xi32, #tpu.memory_space<vmem>>, %arg10: memref<1x128xi32, #tpu.memory_space<vmem>>, %arg11: memref<128x64xf32, #tpu.memory_space<vmem>>, %arg12: memref<20096x64xf32, #tpu.memory_space<vmem_shared>>, %arg13: memref<!tpu.dma_semaphore, #tpu.memory_space<semaphore_mem>>) attributes {dimension_semantics = [#tpu.dimension_semantics<core_parallel>, #tpu.dimension_semantics<subcore_parallel>], iteration_bounds = array<i64: 2, 16>, scalar_prefetch = 0 : i64, scratch_operands = 5 : i64, tpu.core_type = #tpu.core_type<sc_vector_subcore>, window_params = [{transform_indices = #map}, {transform_indices = #map}, {transform_indices = #map1}, {transform_indices = #map1}, {transform_indices = #map}, {transform_indices = #map}, {transform_indices = #map}]} {
    %mul3A = arith.constant 1256 : i32
    %mul3A_0 = arith.muli %arg1, %mul3A : i32
    "tpu.region"() ({
      %run_scoped3A = tpu.sem_alloc : memref<!tpu.dma_semaphore, #tpu.memory_space<semaphore_mem>>
      %dma_start3A = arith.constant 0 : i32
      %dma_start3A_19 = tpu.memref_slice %arg12[%mul3A_0, %dma_start3A] : memref<20096x64xf32, #tpu.memory_space<vmem_shared>> -> memref<1256x64xf32, #tpu.memory_space<vmem_shared>>
      tpu.enqueue_dma source(%arg6 : memref<1256x64xf32, #tpu.memory_space<hbm>>) target(%dma_start3A_19 : memref<1256x64xf32, #tpu.memory_space<vmem_shared>>) target_semaphore(%run_scoped3A : memref<!tpu.dma_semaphore, #tpu.memory_space<semaphore_mem>>)
      %dma_wait3A = arith.constant 0 : i32
      %dma_wait3A_20 = tpu.memref_slice %arg12[%mul3A_0, %dma_wait3A] : memref<20096x64xf32, #tpu.memory_space<vmem_shared>> -> memref<1256x64xf32, #tpu.memory_space<vmem_shared>>
      tpu.wait_dma2 semaphore(%run_scoped3A : memref<!tpu.dma_semaphore, #tpu.memory_space<semaphore_mem>>) src(%arg6 : memref<1256x64xf32, #tpu.memory_space<hbm>>) dst(%dma_wait3A_20 : memref<1256x64xf32, #tpu.memory_space<vmem_shared>>)
      tpu.yield
    }) : () -> ()
    %barrier3A = arith.constant 0 : index
    tpu.barrier barrier_id(%barrier3A)
    %eq3A = arith.constant 0 : i32
    %eq3A_1 = arith.cmpi eq, %arg0, %eq3A : i32
    %convert_element_type3A = arith.extui %eq3A_1 : i1 to i32
    %cond3A = arith.constant 0 : i32
    %cond3A_2 = arith.cmpi ne, %convert_element_type3A, %cond3A : i32
    scf.if %cond3A_2 {
      %scan3A = arith.constant 0 : i32
      %scan3A_19 = arith.constant 0 : i32
      %scan3A_20 = arith.constant 320 : i32
      %scan3A_21 = arith.addi %scan3A_19, %scan3A_20 : i32
      %scan3A_22 = arith.constant 1 : i32
      %scan3A_23 = scf.for %scan3A_25 = %scan3A_19 to %scan3A_21 step %scan3A_22 iter_args(%scan3A_26 = %scan3A) -> (i32)  : i32 {
        %mul3A_27 = arith.constant 320 : i32
        %mul3A_28 = arith.muli %arg1, %mul3A_27 : i32
        %add3A = arith.addi %mul3A_28, %scan3A_25 : i32
        %mul3A_29 = arith.constant 128 : i32
        %mul3A_30 = arith.muli %add3A, %mul3A_29 : i32
        "tpu.region"() ({
          %run_scoped3A_37 = tpu.sem_alloc : memref<!tpu.dma_semaphore, #tpu.memory_space<semaphore_mem>>
          %dma_start3A_38 = tpu.memref_slice %arg4[%mul3A_30] : memref<655360xi32, #tpu.memory_space<hbm>> -> memref<128xi32, #tpu.memory_space<hbm>>
          %dma_start3A_39 = tpu.memref_slice %arg4[%mul3A_30] : memref<655360xi32, #tpu.memory_space<hbm>> -> memref<128xi32, #tpu.memory_space<hbm>>
          tpu.enqueue_dma source(%dma_start3A_39 : memref<128xi32, #tpu.memory_space<hbm>>) target(%arg9 : memref<128xi32, #tpu.memory_space<vmem>>) target_semaphore(%run_scoped3A_37 : memref<!tpu.dma_semaphore, #tpu.memory_space<semaphore_mem>>)
          %dma_wait3A_40 = tpu.memref_slice %arg4[%mul3A_30] : memref<655360xi32, #tpu.memory_space<hbm>> -> memref<128xi32, #tpu.memory_space<hbm>>
          %dma_wait3A_41 = tpu.memref_slice %arg4[%mul3A_30] : memref<655360xi32, #tpu.memory_space<hbm>> -> memref<128xi32, #tpu.memory_space<hbm>>
          tpu.wait_dma2 semaphore(%run_scoped3A_37 : memref<!tpu.dma_semaphore, #tpu.memory_space<semaphore_mem>>) src(%dma_wait3A_41 : memref<128xi32, #tpu.memory_space<hbm>>) dst(%arg9 : memref<128xi32, #tpu.memory_space<vmem>>)
          tpu.yield
        }) : () -> ()
        %run_scoped3A = arith.constant 0 : i32
        "tpu.region"() ({
          %run_scoped3A_37 = tpu.sem_alloc : memref<!tpu.dma_semaphore, #tpu.memory_space<semaphore_mem>>
          %dma_start3A_38 = arith.constant 0 : i32
          %dma_start3A_39 = tpu.memref_slice %arg10[%run_scoped3A, %dma_start3A_38] : memref<1x128xi32, #tpu.memory_space<vmem>> -> memref<1x128xi32, #tpu.memory_space<vmem>>
          %dma_start3A_40 = tpu.memref_squeeze %dma_start3A_39 : memref<1x128xi32, #tpu.memory_space<vmem>> -> memref<128xi32, #tpu.memory_space<vmem>>
          %dma_start3A_41 = tpu.memref_slice %arg5[%mul3A_30] : memref<655360xi32, #tpu.memory_space<hbm>> -> memref<128xi32, #tpu.memory_space<hbm>>
          %dma_start3A_42 = arith.constant 0 : i32
          %dma_start3A_43 = tpu.memref_slice %arg10[%run_scoped3A, %dma_start3A_42] : memref<1x128xi32, #tpu.memory_space<vmem>> -> memref<1x128xi32, #tpu.memory_space<vmem>>
          %dma_start3A_44 = tpu.memref_squeeze %dma_start3A_43 : memref<1x128xi32, #tpu.memory_space<vmem>> -> memref<128xi32, #tpu.memory_space<vmem>>
          %dma_start3A_45 = tpu.memref_slice %arg5[%mul3A_30] : memref<655360xi32, #tpu.memory_space<hbm>> -> memref<128xi32, #tpu.memory_space<hbm>>
          tpu.enqueue_dma source(%dma_start3A_45 : memref<128xi32, #tpu.memory_space<hbm>>) target(%dma_start3A_44 : memref<128xi32, #tpu.memory_space<vmem>>) target_semaphore(%run_scoped3A_37 : memref<!tpu.dma_semaphore, #tpu.memory_space<semaphore_mem>>)
          %dma_wait3A_46 = arith.constant 0 : i32
          %dma_wait3A_47 = tpu.memref_slice %arg10[%run_scoped3A, %dma_wait3A_46] : memref<1x128xi32, #tpu.memory_space<vmem>> -> memref<1x128xi32, #tpu.memory_space<vmem>>
          %dma_wait3A_48 = tpu.memref_squeeze %dma_wait3A_47 : memref<1x128xi32, #tpu.memory_space<vmem>> -> memref<128xi32, #tpu.memory_space<vmem>>
          %dma_wait3A_49 = tpu.memref_slice %arg5[%mul3A_30] : memref<655360xi32, #tpu.memory_space<hbm>> -> memref<128xi32, #tpu.memory_space<hbm>>
          %dma_wait3A_50 = arith.constant 0 : i32
          %dma_wait3A_51 = tpu.memref_slice %arg10[%run_scoped3A, %dma_wait3A_50] : memref<1x128xi32, #tpu.memory_space<vmem>> -> memref<1x128xi32, #tpu.memory_space<vmem>>
          %dma_wait3A_52 = tpu.memref_squeeze %dma_wait3A_51 : memref<1x128xi32, #tpu.memory_space<vmem>> -> memref<128xi32, #tpu.memory_space<vmem>>
          %dma_wait3A_53 = tpu.memref_slice %arg5[%mul3A_30] : memref<655360xi32, #tpu.memory_space<hbm>> -> memref<128xi32, #tpu.memory_space<hbm>>
          tpu.wait_dma2 semaphore(%run_scoped3A_37 : memref<!tpu.dma_semaphore, #tpu.memory_space<semaphore_mem>>) src(%dma_wait3A_53 : memref<128xi32, #tpu.memory_space<hbm>>) dst(%dma_wait3A_52 : memref<128xi32, #tpu.memory_space<vmem>>)
          tpu.yield
        }) : () -> ()
        %dma_start3A = arith.constant 0 : i32
        %dma_start3A_31 = arith.constant 0 : i32
        %dma_start3A_32 = tpu.memref_slice %arg2[%dma_start3A, %dma_start3A_31] : memref<20000x64xf32, #tpu.memory_space<hbm>> -> memref<20000x64xf32, #tpu.memory_space<hbm>>
        tpu.enqueue_indirect_dma source(%dma_start3A_32 : memref<20000x64xf32, #tpu.memory_space<hbm>>) target(%arg11 : memref<128x64xf32, #tpu.memory_space<vmem>>) offsets(%arg9 : memref<128xi32, #tpu.memory_space<vmem>>) semaphore(%arg13 : memref<!tpu.dma_semaphore, #tpu.memory_space<semaphore_mem>>)
        %dma_wait3A = arith.constant 0 : i32
        %dma_wait3A_33 = arith.constant 0 : i32
        %dma_wait3A_34 = tpu.memref_slice %arg2[%dma_wait3A, %dma_wait3A_33] : memref<20000x64xf32, #tpu.memory_space<hbm>> -> memref<20000x64xf32, #tpu.memory_space<hbm>>
        tpu.wait_indirect_dma semaphore(%arg13 : memref<!tpu.dma_semaphore, #tpu.memory_space<semaphore_mem>>) src(%dma_wait3A_34 : memref<20000x64xf32, #tpu.memory_space<hbm>>) dst(%arg11 : memref<128x64xf32, #tpu.memory_space<vmem>>)
        %run_scoped3A_35 = arith.constant 0 : i32
        "tpu.region"() ({
          %run_scoped3A_37 = tpu.sem_alloc : memref<!tpu.dma_semaphore, #tpu.memory_space<semaphore_mem>>
          %dma_start3A_38 = arith.constant 0 : i32
          %dma_start3A_39 = tpu.memref_slice %arg10[%run_scoped3A_35, %dma_start3A_38] : memref<1x128xi32, #tpu.memory_space<vmem>> -> memref<1x128xi32, #tpu.memory_space<vmem>>
          %dma_start3A_40 = tpu.memref_squeeze %dma_start3A_39 : memref<1x128xi32, #tpu.memory_space<vmem>> -> memref<128xi32, #tpu.memory_space<vmem>>
          %dma_start3A_41 = arith.constant 0 : i32
          %dma_start3A_42 = arith.constant 0 : i32
          %dma_start3A_43 = tpu.memref_slice %arg12[%dma_start3A_41, %dma_start3A_42] : memref<20096x64xf32, #tpu.memory_space<vmem_shared>> -> memref<20096x64xf32, #tpu.memory_space<vmem_shared>>
          tpu.enqueue_indirect_dma source(%arg11 : memref<128x64xf32, #tpu.memory_space<vmem>>) target(%dma_start3A_43 : memref<20096x64xf32, #tpu.memory_space<vmem_shared>>) offsets(%dma_start3A_40 : memref<128xi32, #tpu.memory_space<vmem>>) semaphore(%run_scoped3A_37 : memref<!tpu.dma_semaphore, #tpu.memory_space<semaphore_mem>>) {add = true}
          %dma_wait3A_44 = arith.constant 0 : i32
          %dma_wait3A_45 = tpu.memref_slice %arg10[%run_scoped3A_35, %dma_wait3A_44] : memref<1x128xi32, #tpu.memory_space<vmem>> -> memref<1x128xi32, #tpu.memory_space<vmem>>
          %dma_wait3A_46 = tpu.memref_squeeze %dma_wait3A_45 : memref<1x128xi32, #tpu.memory_space<vmem>> -> memref<128xi32, #tpu.memory_space<vmem>>
          %dma_wait3A_47 = arith.constant 0 : i32
          %dma_wait3A_48 = arith.constant 0 : i32
          %dma_wait3A_49 = tpu.memref_slice %arg12[%dma_wait3A_47, %dma_wait3A_48] : memref<20096x64xf32, #tpu.memory_space<vmem_shared>> -> memref<20096x64xf32, #tpu.memory_space<vmem_shared>>
          tpu.wait_indirect_dma semaphore(%run_scoped3A_37 : memref<!tpu.dma_semaphore, #tpu.memory_space<semaphore_mem>>) src(%arg11 : memref<128x64xf32, #tpu.memory_space<vmem>>) dst(%dma_wait3A_49 : memref<20096x64xf32, #tpu.memory_space<vmem_shared>>)
          tpu.yield
        }) : () -> ()
        %scan3A_36 = arith.constant 0 : i32
        scf.yield %scan3A_36 : i32
      }
      %scan3A_24 = arith.constant 320 : i32
    } else {
    }
    %eq3A_3 = arith.constant 1 : i32
    %eq3A_4 = arith.cmpi eq, %arg0, %eq3A_3 : i32
    %convert_element_type3A_5 = arith.extui %eq3A_4 : i1 to i32
    %cond3A_6 = arith.constant 0 : i32
    %cond3A_7 = arith.cmpi ne, %convert_element_type3A_5, %cond3A_6 : i32
    scf.if %cond3A_7 {
      %scan3A = arith.constant 0 : i32
      %scan3A_19 = arith.constant 0 : i32
      %scan3A_20 = arith.constant 320 : i32
      %scan3A_21 = arith.addi %scan3A_19, %scan3A_20 : i32
      %scan3A_22 = arith.constant 1 : i32
      %scan3A_23 = scf.for %scan3A_25 = %scan3A_19 to %scan3A_21 step %scan3A_22 iter_args(%scan3A_26 = %scan3A) -> (i32)  : i32 {
        %mul3A_27 = arith.constant 320 : i32
        %mul3A_28 = arith.muli %arg1, %mul3A_27 : i32
        %add3A = arith.addi %mul3A_28, %scan3A_25 : i32
        %mul3A_29 = arith.constant 128 : i32
        %mul3A_30 = arith.muli %add3A, %mul3A_29 : i32
        "tpu.region"() ({
          %run_scoped3A_37 = tpu.sem_alloc : memref<!tpu.dma_semaphore, #tpu.memory_space<semaphore_mem>>
          %dma_start3A_38 = tpu.memref_slice %arg4[%mul3A_30] : memref<655360xi32, #tpu.memory_space<hbm>> -> memref<128xi32, #tpu.memory_space<hbm>>
          %dma_start3A_39 = tpu.memref_slice %arg4[%mul3A_30] : memref<655360xi32, #tpu.memory_space<hbm>> -> memref<128xi32, #tpu.memory_space<hbm>>
          tpu.enqueue_dma source(%dma_start3A_39 : memref<128xi32, #tpu.memory_space<hbm>>) target(%arg9 : memref<128xi32, #tpu.memory_space<vmem>>) target_semaphore(%run_scoped3A_37 : memref<!tpu.dma_semaphore, #tpu.memory_space<semaphore_mem>>)
          %dma_wait3A_40 = tpu.memref_slice %arg4[%mul3A_30] : memref<655360xi32, #tpu.memory_space<hbm>> -> memref<128xi32, #tpu.memory_space<hbm>>
          %dma_wait3A_41 = tpu.memref_slice %arg4[%mul3A_30] : memref<655360xi32, #tpu.memory_space<hbm>> -> memref<128xi32, #tpu.memory_space<hbm>>
          tpu.wait_dma2 semaphore(%run_scoped3A_37 : memref<!tpu.dma_semaphore, #tpu.memory_space<semaphore_mem>>) src(%dma_wait3A_41 : memref<128xi32, #tpu.memory_space<hbm>>) dst(%arg9 : memref<128xi32, #tpu.memory_space<vmem>>)
          tpu.yield
        }) : () -> ()
        %run_scoped3A = arith.constant 0 : i32
        "tpu.region"() ({
          %run_scoped3A_37 = tpu.sem_alloc : memref<!tpu.dma_semaphore, #tpu.memory_space<semaphore_mem>>
          %dma_start3A_38 = arith.constant 0 : i32
          %dma_start3A_39 = tpu.memref_slice %arg10[%run_scoped3A, %dma_start3A_38] : memref<1x128xi32, #tpu.memory_space<vmem>> -> memref<1x128xi32, #tpu.memory_space<vmem>>
          %dma_start3A_40 = tpu.memref_squeeze %dma_start3A_39 : memref<1x128xi32, #tpu.memory_space<vmem>> -> memref<128xi32, #tpu.memory_space<vmem>>
          %dma_start3A_41 = tpu.memref_slice %arg5[%mul3A_30] : memref<655360xi32, #tpu.memory_space<hbm>> -> memref<128xi32, #tpu.memory_space<hbm>>
          %dma_start3A_42 = arith.constant 0 : i32
          %dma_start3A_43 = tpu.memref_slice %arg10[%run_scoped3A, %dma_start3A_42] : memref<1x128xi32, #tpu.memory_space<vmem>> -> memref<1x128xi32, #tpu.memory_space<vmem>>
          %dma_start3A_44 = tpu.memref_squeeze %dma_start3A_43 : memref<1x128xi32, #tpu.memory_space<vmem>> -> memref<128xi32, #tpu.memory_space<vmem>>
          %dma_start3A_45 = tpu.memref_slice %arg5[%mul3A_30] : memref<655360xi32, #tpu.memory_space<hbm>> -> memref<128xi32, #tpu.memory_space<hbm>>
          tpu.enqueue_dma source(%dma_start3A_45 : memref<128xi32, #tpu.memory_space<hbm>>) target(%dma_start3A_44 : memref<128xi32, #tpu.memory_space<vmem>>) target_semaphore(%run_scoped3A_37 : memref<!tpu.dma_semaphore, #tpu.memory_space<semaphore_mem>>)
          %dma_wait3A_46 = arith.constant 0 : i32
          %dma_wait3A_47 = tpu.memref_slice %arg10[%run_scoped3A, %dma_wait3A_46] : memref<1x128xi32, #tpu.memory_space<vmem>> -> memref<1x128xi32, #tpu.memory_space<vmem>>
          %dma_wait3A_48 = tpu.memref_squeeze %dma_wait3A_47 : memref<1x128xi32, #tpu.memory_space<vmem>> -> memref<128xi32, #tpu.memory_space<vmem>>
          %dma_wait3A_49 = tpu.memref_slice %arg5[%mul3A_30] : memref<655360xi32, #tpu.memory_space<hbm>> -> memref<128xi32, #tpu.memory_space<hbm>>
          %dma_wait3A_50 = arith.constant 0 : i32
          %dma_wait3A_51 = tpu.memref_slice %arg10[%run_scoped3A, %dma_wait3A_50] : memref<1x128xi32, #tpu.memory_space<vmem>> -> memref<1x128xi32, #tpu.memory_space<vmem>>
          %dma_wait3A_52 = tpu.memref_squeeze %dma_wait3A_51 : memref<1x128xi32, #tpu.memory_space<vmem>> -> memref<128xi32, #tpu.memory_space<vmem>>
          %dma_wait3A_53 = tpu.memref_slice %arg5[%mul3A_30] : memref<655360xi32, #tpu.memory_space<hbm>> -> memref<128xi32, #tpu.memory_space<hbm>>
          tpu.wait_dma2 semaphore(%run_scoped3A_37 : memref<!tpu.dma_semaphore, #tpu.memory_space<semaphore_mem>>) src(%dma_wait3A_53 : memref<128xi32, #tpu.memory_space<hbm>>) dst(%dma_wait3A_52 : memref<128xi32, #tpu.memory_space<vmem>>)
          tpu.yield
        }) : () -> ()
        %dma_start3A = arith.constant 0 : i32
        %dma_start3A_31 = arith.constant 0 : i32
        %dma_start3A_32 = tpu.memref_slice %arg3[%dma_start3A, %dma_start3A_31] : memref<20000x64xf32, #tpu.memory_space<hbm>> -> memref<20000x64xf32, #tpu.memory_space<hbm>>
        tpu.enqueue_indirect_dma source(%dma_start3A_32 : memref<20000x64xf32, #tpu.memory_space<hbm>>) target(%arg11 : memref<128x64xf32, #tpu.memory_space<vmem>>) offsets(%arg9 : memref<128xi32, #tpu.memory_space<vmem>>) semaphore(%arg13 : memref<!tpu.dma_semaphore, #tpu.memory_space<semaphore_mem>>)
        %dma_wait3A = arith.constant 0 : i32
        %dma_wait3A_33 = arith.constant 0 : i32
        %dma_wait3A_34 = tpu.memref_slice %arg3[%dma_wait3A, %dma_wait3A_33] : memref<20000x64xf32, #tpu.memory_space<hbm>> -> memref<20000x64xf32, #tpu.memory_space<hbm>>
        tpu.wait_indirect_dma semaphore(%arg13 : memref<!tpu.dma_semaphore, #tpu.memory_space<semaphore_mem>>) src(%dma_wait3A_34 : memref<20000x64xf32, #tpu.memory_space<hbm>>) dst(%arg11 : memref<128x64xf32, #tpu.memory_space<vmem>>)
        %run_scoped3A_35 = arith.constant 0 : i32
        "tpu.region"() ({
          %run_scoped3A_37 = tpu.sem_alloc : memref<!tpu.dma_semaphore, #tpu.memory_space<semaphore_mem>>
          %dma_start3A_38 = arith.constant 0 : i32
          %dma_start3A_39 = tpu.memref_slice %arg10[%run_scoped3A_35, %dma_start3A_38] : memref<1x128xi32, #tpu.memory_space<vmem>> -> memref<1x128xi32, #tpu.memory_space<vmem>>
          %dma_start3A_40 = tpu.memref_squeeze %dma_start3A_39 : memref<1x128xi32, #tpu.memory_space<vmem>> -> memref<128xi32, #tpu.memory_space<vmem>>
          %dma_start3A_41 = arith.constant 0 : i32
          %dma_start3A_42 = arith.constant 0 : i32
          %dma_start3A_43 = tpu.memref_slice %arg12[%dma_start3A_41, %dma_start3A_42] : memref<20096x64xf32, #tpu.memory_space<vmem_shared>> -> memref<20096x64xf32, #tpu.memory_space<vmem_shared>>
          tpu.enqueue_indirect_dma source(%arg11 : memref<128x64xf32, #tpu.memory_space<vmem>>) target(%dma_start3A_43 : memref<20096x64xf32, #tpu.memory_space<vmem_shared>>) offsets(%dma_start3A_40 : memref<128xi32, #tpu.memory_space<vmem>>) semaphore(%run_scoped3A_37 : memref<!tpu.dma_semaphore, #tpu.memory_space<semaphore_mem>>) {add = true}
          %dma_wait3A_44 = arith.constant 0 : i32
          %dma_wait3A_45 = tpu.memref_slice %arg10[%run_scoped3A_35, %dma_wait3A_44] : memref<1x128xi32, #tpu.memory_space<vmem>> -> memref<1x128xi32, #tpu.memory_space<vmem>>
          %dma_wait3A_46 = tpu.memref_squeeze %dma_wait3A_45 : memref<1x128xi32, #tpu.memory_space<vmem>> -> memref<128xi32, #tpu.memory_space<vmem>>
          %dma_wait3A_47 = arith.constant 0 : i32
          %dma_wait3A_48 = arith.constant 0 : i32
          %dma_wait3A_49 = tpu.memref_slice %arg12[%dma_wait3A_47, %dma_wait3A_48] : memref<20096x64xf32, #tpu.memory_space<vmem_shared>> -> memref<20096x64xf32, #tpu.memory_space<vmem_shared>>
          tpu.wait_indirect_dma semaphore(%run_scoped3A_37 : memref<!tpu.dma_semaphore, #tpu.memory_space<semaphore_mem>>) src(%arg11 : memref<128x64xf32, #tpu.memory_space<vmem>>) dst(%dma_wait3A_49 : memref<20096x64xf32, #tpu.memory_space<vmem_shared>>)
          tpu.yield
        }) : () -> ()
        %scan3A_36 = arith.constant 0 : i32
        scf.yield %scan3A_36 : i32
      }
      %scan3A_24 = arith.constant 320 : i32
    } else {
    }
    %barrier3A_8 = arith.constant 0 : index
    tpu.barrier barrier_id(%barrier3A_8)
    %eq3A_9 = arith.constant 0 : i32
    %eq3A_10 = arith.cmpi eq, %arg0, %eq3A_9 : i32
    %convert_element_type3A_11 = arith.extui %eq3A_10 : i1 to i32
    %cond3A_12 = arith.constant 0 : i32
    %cond3A_13 = arith.cmpi ne, %convert_element_type3A_11, %cond3A_12 : i32
    scf.if %cond3A_13 {
      %mul3A_19 = arith.constant 1250 : i32
      %mul3A_20 = arith.muli %arg1, %mul3A_19 : i32
      %mul3A_21 = arith.constant 1250 : i32
      %mul3A_22 = arith.muli %arg1, %mul3A_21 : i32
      "tpu.region"() ({
        %run_scoped3A = tpu.sem_alloc : memref<!tpu.dma_semaphore, #tpu.memory_space<semaphore_mem>>
        %dma_start3A = arith.constant 0 : i32
        %dma_start3A_23 = tpu.memref_slice %arg7[%mul3A_22, %dma_start3A] : memref<20000x64xf32, #tpu.memory_space<hbm>> -> memref<1250x64xf32, #tpu.memory_space<hbm>>
        %dma_start3A_24 = arith.constant 0 : i32
        %dma_start3A_25 = tpu.memref_slice %arg12[%mul3A_20, %dma_start3A_24] : memref<20096x64xf32, #tpu.memory_space<vmem_shared>> -> memref<1250x64xf32, #tpu.memory_space<vmem_shared>>
        tpu.enqueue_dma source(%dma_start3A_25 : memref<1250x64xf32, #tpu.memory_space<vmem_shared>>) target(%dma_start3A_23 : memref<1250x64xf32, #tpu.memory_space<hbm>>) target_semaphore(%run_scoped3A : memref<!tpu.dma_semaphore, #tpu.memory_space<semaphore_mem>>)
        %dma_wait3A = arith.constant 0 : i32
        %dma_wait3A_26 = tpu.memref_slice %arg7[%mul3A_22, %dma_wait3A] : memref<20000x64xf32, #tpu.memory_space<hbm>> -> memref<1250x64xf32, #tpu.memory_space<hbm>>
        %dma_wait3A_27 = arith.constant 0 : i32
        %dma_wait3A_28 = tpu.memref_slice %arg12[%mul3A_20, %dma_wait3A_27] : memref<20096x64xf32, #tpu.memory_space<vmem_shared>> -> memref<1250x64xf32, #tpu.memory_space<vmem_shared>>
        tpu.wait_dma2 semaphore(%run_scoped3A : memref<!tpu.dma_semaphore, #tpu.memory_space<semaphore_mem>>) src(%dma_wait3A_28 : memref<1250x64xf32, #tpu.memory_space<vmem_shared>>) dst(%dma_wait3A_26 : memref<1250x64xf32, #tpu.memory_space<hbm>>)
        tpu.yield
      }) : () -> ()
    } else {
    }
    %eq3A_14 = arith.constant 1 : i32
    %eq3A_15 = arith.cmpi eq, %arg0, %eq3A_14 : i32
    %convert_element_type3A_16 = arith.extui %eq3A_15 : i1 to i32
    %cond3A_17 = arith.constant 0 : i32
    %cond3A_18 = arith.cmpi ne, %convert_element_type3A_16, %cond3A_17 : i32
    scf.if %cond3A_18 {
      %mul3A_19 = arith.constant 1250 : i32
      %mul3A_20 = arith.muli %arg1, %mul3A_19 : i32
      %mul3A_21 = arith.constant 1250 : i32
      %mul3A_22 = arith.muli %arg1, %mul3A_21 : i32
      "tpu.region"() ({
        %run_scoped3A = tpu.sem_alloc : memref<!tpu.dma_semaphore, #tpu.memory_space<semaphore_mem>>
        %dma_start3A = arith.constant 0 : i32
        %dma_start3A_23 = tpu.memref_slice %arg8[%mul3A_22, %dma_start3A] : memref<20000x64xf32, #tpu.memory_space<hbm>> -> memref<1250x64xf32, #tpu.memory_space<hbm>>
        %dma_start3A_24 = arith.constant 0 : i32
        %dma_start3A_25 = tpu.memref_slice %arg12[%mul3A_20, %dma_start3A_24] : memref<20096x64xf32, #tpu.memory_space<vmem_shared>> -> memref<1250x64xf32, #tpu.memory_space<vmem_shared>>
        tpu.enqueue_dma source(%dma_start3A_25 : memref<1250x64xf32, #tpu.memory_space<vmem_shared>>) target(%dma_start3A_23 : memref<1250x64xf32, #tpu.memory_space<hbm>>) target_semaphore(%run_scoped3A : memref<!tpu.dma_semaphore, #tpu.memory_space<semaphore_mem>>)
        %dma_wait3A = arith.constant 0 : i32
        %dma_wait3A_26 = tpu.memref_slice %arg8[%mul3A_22, %dma_wait3A] : memref<20000x64xf32, #tpu.memory_space<hbm>> -> memref<1250x64xf32, #tpu.memory_space<hbm>>
        %dma_wait3A_27 = arith.constant 0 : i32
        %dma_wait3A_28 = tpu.memref_slice %arg12[%mul3A_20, %dma_wait3A_27] : memref<20096x64xf32, #tpu.memory_space<vmem_shared>> -> memref<1250x64xf32, #tpu.memory_space<vmem_shared>>
        tpu.wait_dma2 semaphore(%run_scoped3A : memref<!tpu.dma_semaphore, #tpu.memory_space<semaphore_mem>>) src(%dma_wait3A_28 : memref<1250x64xf32, #tpu.memory_space<vmem_shared>>) dst(%dma_wait3A_26 : memref<1250x64xf32, #tpu.memory_space<hbm>>)
        tpu.yield
      }) : () -> ()
    } else {
    }
    return
  }
}

#map = affine_map<(d0, d1) -> (0, 0)>
#map1 = affine_map<(d0, d1) -> (0)>
module attributes {stable_mosaic.version = 14 : i64} {
  func.func @_scatter_body(%arg0: i32, %arg1: i32, %arg2: memref<20000x64xf32, #tpu.memory_space<hbm>>, %arg3: memref<20000x64xf32, #tpu.memory_space<hbm>>, %arg4: memref<655360xi32, #tpu.memory_space<hbm>>, %arg5: memref<655360xi32, #tpu.memory_space<hbm>>, %arg6: memref<1256x64xf32, #tpu.memory_space<hbm>>, %arg7: memref<20000x64xf32, #tpu.memory_space<hbm>>, %arg8: memref<20000x64xf32, #tpu.memory_space<hbm>>, %arg9: memref<128xi32, #tpu.memory_space<vmem>>, %arg10: memref<1x128xi32, #tpu.memory_space<vmem>>, %arg11: memref<128x64xf32, #tpu.memory_space<vmem>>, %arg12: memref<20096x64xf32, #tpu.memory_space<vmem_shared>>, %arg13: memref<!tpu.dma_semaphore, #tpu.memory_space<semaphore_mem>>) attributes {dimension_semantics = [#tpu.dimension_semantics<core_parallel>, #tpu.dimension_semantics<subcore_parallel>], iteration_bounds = array<i64: 2, 16>, scalar_prefetch = 0 : i64, scratch_operands = 5 : i64, tpu.core_type = #tpu.core_type<sc_vector_subcore>, window_params = [{transform_indices = #map}, {transform_indices = #map}, {transform_indices = #map1}, {transform_indices = #map1}, {transform_indices = #map}, {transform_indices = #map}, {transform_indices = #map}]} {
    %mul3A = arith.constant 1256 : i32
    %mul3A_0 = arith.muli %arg1, %mul3A : i32
    "tpu.region"() ({
      %run_scoped3A = tpu.sem_alloc : memref<!tpu.dma_semaphore, #tpu.memory_space<semaphore_mem>>
      %dma_start3A = arith.constant 0 : i32
      %dma_start3A_19 = tpu.memref_slice %arg12[%mul3A_0, %dma_start3A] : memref<20096x64xf32, #tpu.memory_space<vmem_shared>> -> memref<1256x64xf32, #tpu.memory_space<vmem_shared>>
      tpu.enqueue_dma source(%arg6 : memref<1256x64xf32, #tpu.memory_space<hbm>>) target(%dma_start3A_19 : memref<1256x64xf32, #tpu.memory_space<vmem_shared>>) target_semaphore(%run_scoped3A : memref<!tpu.dma_semaphore, #tpu.memory_space<semaphore_mem>>)
      %dma_wait3A = arith.constant 0 : i32
      %dma_wait3A_20 = tpu.memref_slice %arg12[%mul3A_0, %dma_wait3A] : memref<20096x64xf32, #tpu.memory_space<vmem_shared>> -> memref<1256x64xf32, #tpu.memory_space<vmem_shared>>
      tpu.wait_dma2 semaphore(%run_scoped3A : memref<!tpu.dma_semaphore, #tpu.memory_space<semaphore_mem>>) src(%arg6 : memref<1256x64xf32, #tpu.memory_space<hbm>>) dst(%dma_wait3A_20 : memref<1256x64xf32, #tpu.memory_space<vmem_shared>>)
      tpu.yield
    }) : () -> ()
    %barrier3A = arith.constant 0 : index
    tpu.barrier barrier_id(%barrier3A)
    %eq3A = arith.constant 0 : i32
    %eq3A_1 = arith.cmpi eq, %arg0, %eq3A : i32
    %convert_element_type3A = arith.extui %eq3A_1 : i1 to i32
    %cond3A = arith.constant 0 : i32
    %cond3A_2 = arith.cmpi ne, %convert_element_type3A, %cond3A : i32
    scf.if %cond3A_2 {
      %scan3A = arith.constant 0 : i32
      %scan3A_19 = arith.constant 0 : i32
      %scan3A_20 = arith.constant 320 : i32
      %scan3A_21 = arith.addi %scan3A_19, %scan3A_20 : i32
      %scan3A_22 = arith.constant 1 : i32
      %scan3A_23 = scf.for %scan3A_25 = %scan3A_19 to %scan3A_21 step %scan3A_22 iter_args(%scan3A_26 = %scan3A) -> (i32)  : i32 {
        %mul3A_27 = arith.constant 320 : i32
        %mul3A_28 = arith.muli %arg1, %mul3A_27 : i32
        %add3A = arith.addi %mul3A_28, %scan3A_25 : i32
        %mul3A_29 = arith.constant 128 : i32
        %mul3A_30 = arith.muli %add3A, %mul3A_29 : i32
        "tpu.region"() ({
          %run_scoped3A_37 = tpu.sem_alloc : memref<!tpu.dma_semaphore, #tpu.memory_space<semaphore_mem>>
          %dma_start3A_38 = tpu.memref_slice %arg4[%mul3A_30] : memref<655360xi32, #tpu.memory_space<hbm>> -> memref<128xi32, #tpu.memory_space<hbm>>
          %dma_start3A_39 = tpu.memref_slice %arg4[%mul3A_30] : memref<655360xi32, #tpu.memory_space<hbm>> -> memref<128xi32, #tpu.memory_space<hbm>>
          tpu.enqueue_dma source(%dma_start3A_39 : memref<128xi32, #tpu.memory_space<hbm>>) target(%arg9 : memref<128xi32, #tpu.memory_space<vmem>>) target_semaphore(%run_scoped3A_37 : memref<!tpu.dma_semaphore, #tpu.memory_space<semaphore_mem>>)
          %dma_wait3A_40 = tpu.memref_slice %arg4[%mul3A_30] : memref<655360xi32, #tpu.memory_space<hbm>> -> memref<128xi32, #tpu.memory_space<hbm>>
          %dma_wait3A_41 = tpu.memref_slice %arg4[%mul3A_30] : memref<655360xi32, #tpu.memory_space<hbm>> -> memref<128xi32, #tpu.memory_space<hbm>>
          tpu.wait_dma2 semaphore(%run_scoped3A_37 : memref<!tpu.dma_semaphore, #tpu.memory_space<semaphore_mem>>) src(%dma_wait3A_41 : memref<128xi32, #tpu.memory_space<hbm>>) dst(%arg9 : memref<128xi32, #tpu.memory_space<vmem>>)
          tpu.yield
        }) : () -> ()
        %run_scoped3A = arith.constant 0 : i32
        "tpu.region"() ({
          %run_scoped3A_37 = tpu.sem_alloc : memref<!tpu.dma_semaphore, #tpu.memory_space<semaphore_mem>>
          %dma_start3A_38 = arith.constant 0 : i32
          %dma_start3A_39 = tpu.memref_slice %arg10[%run_scoped3A, %dma_start3A_38] : memref<1x128xi32, #tpu.memory_space<vmem>> -> memref<1x128xi32, #tpu.memory_space<vmem>>
          %dma_start3A_40 = tpu.memref_squeeze %dma_start3A_39 : memref<1x128xi32, #tpu.memory_space<vmem>> -> memref<128xi32, #tpu.memory_space<vmem>>
          %dma_start3A_41 = tpu.memref_slice %arg5[%mul3A_30] : memref<655360xi32, #tpu.memory_space<hbm>> -> memref<128xi32, #tpu.memory_space<hbm>>
          %dma_start3A_42 = arith.constant 0 : i32
          %dma_start3A_43 = tpu.memref_slice %arg10[%run_scoped3A, %dma_start3A_42] : memref<1x128xi32, #tpu.memory_space<vmem>> -> memref<1x128xi32, #tpu.memory_space<vmem>>
          %dma_start3A_44 = tpu.memref_squeeze %dma_start3A_43 : memref<1x128xi32, #tpu.memory_space<vmem>> -> memref<128xi32, #tpu.memory_space<vmem>>
          %dma_start3A_45 = tpu.memref_slice %arg5[%mul3A_30] : memref<655360xi32, #tpu.memory_space<hbm>> -> memref<128xi32, #tpu.memory_space<hbm>>
          tpu.enqueue_dma source(%dma_start3A_45 : memref<128xi32, #tpu.memory_space<hbm>>) target(%dma_start3A_44 : memref<128xi32, #tpu.memory_space<vmem>>) target_semaphore(%run_scoped3A_37 : memref<!tpu.dma_semaphore, #tpu.memory_space<semaphore_mem>>)
          %dma_wait3A_46 = arith.constant 0 : i32
          %dma_wait3A_47 = tpu.memref_slice %arg10[%run_scoped3A, %dma_wait3A_46] : memref<1x128xi32, #tpu.memory_space<vmem>> -> memref<1x128xi32, #tpu.memory_space<vmem>>
          %dma_wait3A_48 = tpu.memref_squeeze %dma_wait3A_47 : memref<1x128xi32, #tpu.memory_space<vmem>> -> memref<128xi32, #tpu.memory_space<vmem>>
          %dma_wait3A_49 = tpu.memref_slice %arg5[%mul3A_30] : memref<655360xi32, #tpu.memory_space<hbm>> -> memref<128xi32, #tpu.memory_space<hbm>>
          %dma_wait3A_50 = arith.constant 0 : i32
          %dma_wait3A_51 = tpu.memref_slice %arg10[%run_scoped3A, %dma_wait3A_50] : memref<1x128xi32, #tpu.memory_space<vmem>> -> memref<1x128xi32, #tpu.memory_space<vmem>>
          %dma_wait3A_52 = tpu.memref_squeeze %dma_wait3A_51 : memref<1x128xi32, #tpu.memory_space<vmem>> -> memref<128xi32, #tpu.memory_space<vmem>>
          %dma_wait3A_53 = tpu.memref_slice %arg5[%mul3A_30] : memref<655360xi32, #tpu.memory_space<hbm>> -> memref<128xi32, #tpu.memory_space<hbm>>
          tpu.wait_dma2 semaphore(%run_scoped3A_37 : memref<!tpu.dma_semaphore, #tpu.memory_space<semaphore_mem>>) src(%dma_wait3A_53 : memref<128xi32, #tpu.memory_space<hbm>>) dst(%dma_wait3A_52 : memref<128xi32, #tpu.memory_space<vmem>>)
          tpu.yield
        }) : () -> ()
        %dma_start3A = arith.constant 0 : i32
        %dma_start3A_31 = arith.constant 0 : i32
        %dma_start3A_32 = tpu.memref_slice %arg2[%dma_start3A, %dma_start3A_31] : memref<20000x64xf32, #tpu.memory_space<hbm>> -> memref<20000x64xf32, #tpu.memory_space<hbm>>
        tpu.enqueue_indirect_dma source(%dma_start3A_32 : memref<20000x64xf32, #tpu.memory_space<hbm>>) target(%arg11 : memref<128x64xf32, #tpu.memory_space<vmem>>) offsets(%arg9 : memref<128xi32, #tpu.memory_space<vmem>>) semaphore(%arg13 : memref<!tpu.dma_semaphore, #tpu.memory_space<semaphore_mem>>)
        %dma_wait3A = arith.constant 0 : i32
        %dma_wait3A_33 = arith.constant 0 : i32
        %dma_wait3A_34 = tpu.memref_slice %arg2[%dma_wait3A, %dma_wait3A_33] : memref<20000x64xf32, #tpu.memory_space<hbm>> -> memref<20000x64xf32, #tpu.memory_space<hbm>>
        tpu.wait_indirect_dma semaphore(%arg13 : memref<!tpu.dma_semaphore, #tpu.memory_space<semaphore_mem>>) src(%dma_wait3A_34 : memref<20000x64xf32, #tpu.memory_space<hbm>>) dst(%arg11 : memref<128x64xf32, #tpu.memory_space<vmem>>)
        %run_scoped3A_35 = arith.constant 0 : i32
        "tpu.region"() ({
          %run_scoped3A_37 = tpu.sem_alloc : memref<!tpu.dma_semaphore, #tpu.memory_space<semaphore_mem>>
          %dma_start3A_38 = arith.constant 0 : i32
          %dma_start3A_39 = tpu.memref_slice %arg10[%run_scoped3A_35, %dma_start3A_38] : memref<1x128xi32, #tpu.memory_space<vmem>> -> memref<1x128xi32, #tpu.memory_space<vmem>>
          %dma_start3A_40 = tpu.memref_squeeze %dma_start3A_39 : memref<1x128xi32, #tpu.memory_space<vmem>> -> memref<128xi32, #tpu.memory_space<vmem>>
          %dma_start3A_41 = arith.constant 0 : i32
          %dma_start3A_42 = arith.constant 0 : i32
          %dma_start3A_43 = tpu.memref_slice %arg12[%dma_start3A_41, %dma_start3A_42] : memref<20096x64xf32, #tpu.memory_space<vmem_shared>> -> memref<20096x64xf32, #tpu.memory_space<vmem_shared>>
          tpu.enqueue_indirect_dma source(%arg11 : memref<128x64xf32, #tpu.memory_space<vmem>>) target(%dma_start3A_43 : memref<20096x64xf32, #tpu.memory_space<vmem_shared>>) offsets(%dma_start3A_40 : memref<128xi32, #tpu.memory_space<vmem>>) semaphore(%run_scoped3A_37 : memref<!tpu.dma_semaphore, #tpu.memory_space<semaphore_mem>>) {add = true}
          %dma_wait3A_44 = arith.constant 0 : i32
          %dma_wait3A_45 = tpu.memref_slice %arg10[%run_scoped3A_35, %dma_wait3A_44] : memref<1x128xi32, #tpu.memory_space<vmem>> -> memref<1x128xi32, #tpu.memory_space<vmem>>
          %dma_wait3A_46 = tpu.memref_squeeze %dma_wait3A_45 : memref<1x128xi32, #tpu.memory_space<vmem>> -> memref<128xi32, #tpu.memory_space<vmem>>
          %dma_wait3A_47 = arith.constant 0 : i32
          %dma_wait3A_48 = arith.constant 0 : i32
          %dma_wait3A_49 = tpu.memref_slice %arg12[%dma_wait3A_47, %dma_wait3A_48] : memref<20096x64xf32, #tpu.memory_space<vmem_shared>> -> memref<20096x64xf32, #tpu.memory_space<vmem_shared>>
          tpu.wait_indirect_dma semaphore(%run_scoped3A_37 : memref<!tpu.dma_semaphore, #tpu.memory_space<semaphore_mem>>) src(%arg11 : memref<128x64xf32, #tpu.memory_space<vmem>>) dst(%dma_wait3A_49 : memref<20096x64xf32, #tpu.memory_space<vmem_shared>>)
          tpu.yield
        }) : () -> ()
        %scan3A_36 = arith.constant 0 : i32
        scf.yield %scan3A_36 : i32
      }
      %scan3A_24 = arith.constant 320 : i32
    } else {
    }
    %eq3A_3 = arith.constant 1 : i32
    %eq3A_4 = arith.cmpi eq, %arg0, %eq3A_3 : i32
    %convert_element_type3A_5 = arith.extui %eq3A_4 : i1 to i32
    %cond3A_6 = arith.constant 0 : i32
    %cond3A_7 = arith.cmpi ne, %convert_element_type3A_5, %cond3A_6 : i32
    scf.if %cond3A_7 {
      %scan3A = arith.constant 0 : i32
      %scan3A_19 = arith.constant 0 : i32
      %scan3A_20 = arith.constant 320 : i32
      %scan3A_21 = arith.addi %scan3A_19, %scan3A_20 : i32
      %scan3A_22 = arith.constant 1 : i32
      %scan3A_23 = scf.for %scan3A_25 = %scan3A_19 to %scan3A_21 step %scan3A_22 iter_args(%scan3A_26 = %scan3A) -> (i32)  : i32 {
        %mul3A_27 = arith.constant 320 : i32
        %mul3A_28 = arith.muli %arg1, %mul3A_27 : i32
        %add3A = arith.addi %mul3A_28, %scan3A_25 : i32
        %mul3A_29 = arith.constant 128 : i32
        %mul3A_30 = arith.muli %add3A, %mul3A_29 : i32
        "tpu.region"() ({
          %run_scoped3A_37 = tpu.sem_alloc : memref<!tpu.dma_semaphore, #tpu.memory_space<semaphore_mem>>
          %dma_start3A_38 = tpu.memref_slice %arg4[%mul3A_30] : memref<655360xi32, #tpu.memory_space<hbm>> -> memref<128xi32, #tpu.memory_space<hbm>>
          %dma_start3A_39 = tpu.memref_slice %arg4[%mul3A_30] : memref<655360xi32, #tpu.memory_space<hbm>> -> memref<128xi32, #tpu.memory_space<hbm>>
          tpu.enqueue_dma source(%dma_start3A_39 : memref<128xi32, #tpu.memory_space<hbm>>) target(%arg9 : memref<128xi32, #tpu.memory_space<vmem>>) target_semaphore(%run_scoped3A_37 : memref<!tpu.dma_semaphore, #tpu.memory_space<semaphore_mem>>)
          %dma_wait3A_40 = tpu.memref_slice %arg4[%mul3A_30] : memref<655360xi32, #tpu.memory_space<hbm>> -> memref<128xi32, #tpu.memory_space<hbm>>
          %dma_wait3A_41 = tpu.memref_slice %arg4[%mul3A_30] : memref<655360xi32, #tpu.memory_space<hbm>> -> memref<128xi32, #tpu.memory_space<hbm>>
          tpu.wait_dma2 semaphore(%run_scoped3A_37 : memref<!tpu.dma_semaphore, #tpu.memory_space<semaphore_mem>>) src(%dma_wait3A_41 : memref<128xi32, #tpu.memory_space<hbm>>) dst(%arg9 : memref<128xi32, #tpu.memory_space<vmem>>)
          tpu.yield
        }) : () -> ()
        %run_scoped3A = arith.constant 0 : i32
        "tpu.region"() ({
          %run_scoped3A_37 = tpu.sem_alloc : memref<!tpu.dma_semaphore, #tpu.memory_space<semaphore_mem>>
          %dma_start3A_38 = arith.constant 0 : i32
          %dma_start3A_39 = tpu.memref_slice %arg10[%run_scoped3A, %dma_start3A_38] : memref<1x128xi32, #tpu.memory_space<vmem>> -> memref<1x128xi32, #tpu.memory_space<vmem>>
          %dma_start3A_40 = tpu.memref_squeeze %dma_start3A_39 : memref<1x128xi32, #tpu.memory_space<vmem>> -> memref<128xi32, #tpu.memory_space<vmem>>
          %dma_start3A_41 = tpu.memref_slice %arg5[%mul3A_30] : memref<655360xi32, #tpu.memory_space<hbm>> -> memref<128xi32, #tpu.memory_space<hbm>>
          %dma_start3A_42 = arith.constant 0 : i32
          %dma_start3A_43 = tpu.memref_slice %arg10[%run_scoped3A, %dma_start3A_42] : memref<1x128xi32, #tpu.memory_space<vmem>> -> memref<1x128xi32, #tpu.memory_space<vmem>>
          %dma_start3A_44 = tpu.memref_squeeze %dma_start3A_43 : memref<1x128xi32, #tpu.memory_space<vmem>> -> memref<128xi32, #tpu.memory_space<vmem>>
          %dma_start3A_45 = tpu.memref_slice %arg5[%mul3A_30] : memref<655360xi32, #tpu.memory_space<hbm>> -> memref<128xi32, #tpu.memory_space<hbm>>
          tpu.enqueue_dma source(%dma_start3A_45 : memref<128xi32, #tpu.memory_space<hbm>>) target(%dma_start3A_44 : memref<128xi32, #tpu.memory_space<vmem>>) target_semaphore(%run_scoped3A_37 : memref<!tpu.dma_semaphore, #tpu.memory_space<semaphore_mem>>)
          %dma_wait3A_46 = arith.constant 0 : i32
          %dma_wait3A_47 = tpu.memref_slice %arg10[%run_scoped3A, %dma_wait3A_46] : memref<1x128xi32, #tpu.memory_space<vmem>> -> memref<1x128xi32, #tpu.memory_space<vmem>>
          %dma_wait3A_48 = tpu.memref_squeeze %dma_wait3A_47 : memref<1x128xi32, #tpu.memory_space<vmem>> -> memref<128xi32, #tpu.memory_space<vmem>>
          %dma_wait3A_49 = tpu.memref_slice %arg5[%mul3A_30] : memref<655360xi32, #tpu.memory_space<hbm>> -> memref<128xi32, #tpu.memory_space<hbm>>
          %dma_wait3A_50 = arith.constant 0 : i32
          %dma_wait3A_51 = tpu.memref_slice %arg10[%run_scoped3A, %dma_wait3A_50] : memref<1x128xi32, #tpu.memory_space<vmem>> -> memref<1x128xi32, #tpu.memory_space<vmem>>
          %dma_wait3A_52 = tpu.memref_squeeze %dma_wait3A_51 : memref<1x128xi32, #tpu.memory_space<vmem>> -> memref<128xi32, #tpu.memory_space<vmem>>
          %dma_wait3A_53 = tpu.memref_slice %arg5[%mul3A_30] : memref<655360xi32, #tpu.memory_space<hbm>> -> memref<128xi32, #tpu.memory_space<hbm>>
          tpu.wait_dma2 semaphore(%run_scoped3A_37 : memref<!tpu.dma_semaphore, #tpu.memory_space<semaphore_mem>>) src(%dma_wait3A_53 : memref<128xi32, #tpu.memory_space<hbm>>) dst(%dma_wait3A_52 : memref<128xi32, #tpu.memory_space<vmem>>)
          tpu.yield
        }) : () -> ()
        %dma_start3A = arith.constant 0 : i32
        %dma_start3A_31 = arith.constant 0 : i32
        %dma_start3A_32 = tpu.memref_slice %arg3[%dma_start3A, %dma_start3A_31] : memref<20000x64xf32, #tpu.memory_space<hbm>> -> memref<20000x64xf32, #tpu.memory_space<hbm>>
        tpu.enqueue_indirect_dma source(%dma_start3A_32 : memref<20000x64xf32, #tpu.memory_space<hbm>>) target(%arg11 : memref<128x64xf32, #tpu.memory_space<vmem>>) offsets(%arg9 : memref<128xi32, #tpu.memory_space<vmem>>) semaphore(%arg13 : memref<!tpu.dma_semaphore, #tpu.memory_space<semaphore_mem>>)
        %dma_wait3A = arith.constant 0 : i32
        %dma_wait3A_33 = arith.constant 0 : i32
        %dma_wait3A_34 = tpu.memref_slice %arg3[%dma_wait3A, %dma_wait3A_33] : memref<20000x64xf32, #tpu.memory_space<hbm>> -> memref<20000x64xf32, #tpu.memory_space<hbm>>
        tpu.wait_indirect_dma semaphore(%arg13 : memref<!tpu.dma_semaphore, #tpu.memory_space<semaphore_mem>>) src(%dma_wait3A_34 : memref<20000x64xf32, #tpu.memory_space<hbm>>) dst(%arg11 : memref<128x64xf32, #tpu.memory_space<vmem>>)
        %run_scoped3A_35 = arith.constant 0 : i32
        "tpu.region"() ({
          %run_scoped3A_37 = tpu.sem_alloc : memref<!tpu.dma_semaphore, #tpu.memory_space<semaphore_mem>>
          %dma_start3A_38 = arith.constant 0 : i32
          %dma_start3A_39 = tpu.memref_slice %arg10[%run_scoped3A_35, %dma_start3A_38] : memref<1x128xi32, #tpu.memory_space<vmem>> -> memref<1x128xi32, #tpu.memory_space<vmem>>
          %dma_start3A_40 = tpu.memref_squeeze %dma_start3A_39 : memref<1x128xi32, #tpu.memory_space<vmem>> -> memref<128xi32, #tpu.memory_space<vmem>>
          %dma_start3A_41 = arith.constant 0 : i32
          %dma_start3A_42 = arith.constant 0 : i32
          %dma_start3A_43 = tpu.memref_slice %arg12[%dma_start3A_41, %dma_start3A_42] : memref<20096x64xf32, #tpu.memory_space<vmem_shared>> -> memref<20096x64xf32, #tpu.memory_space<vmem_shared>>
          tpu.enqueue_indirect_dma source(%arg11 : memref<128x64xf32, #tpu.memory_space<vmem>>) target(%dma_start3A_43 : memref<20096x64xf32, #tpu.memory_space<vmem_shared>>) offsets(%dma_start3A_40 : memref<128xi32, #tpu.memory_space<vmem>>) semaphore(%run_scoped3A_37 : memref<!tpu.dma_semaphore, #tpu.memory_space<semaphore_mem>>) {add = true}
          %dma_wait3A_44 = arith.constant 0 : i32
          %dma_wait3A_45 = tpu.memref_slice %arg10[%run_scoped3A_35, %dma_wait3A_44] : memref<1x128xi32, #tpu.memory_space<vmem>> -> memref<1x128xi32, #tpu.memory_space<vmem>>
          %dma_wait3A_46 = tpu.memref_squeeze %dma_wait3A_45 : memref<1x128xi32, #tpu.memory_space<vmem>> -> memref<128xi32, #tpu.memory_space<vmem>>
          %dma_wait3A_47 = arith.constant 0 : i32
          %dma_wait3A_48 = arith.constant 0 : i32
          %dma_wait3A_49 = tpu.memref_slice %arg12[%dma_wait3A_47, %dma_wait3A_48] : memref<20096x64xf32, #tpu.memory_space<vmem_shared>> -> memref<20096x64xf32, #tpu.memory_space<vmem_shared>>
          tpu.wait_indirect_dma semaphore(%run_scoped3A_37 : memref<!tpu.dma_semaphore, #tpu.memory_space<semaphore_mem>>) src(%arg11 : memref<128x64xf32, #tpu.memory_space<vmem>>) dst(%dma_wait3A_49 : memref<20096x64xf32, #tpu.memory_space<vmem_shared>>)
          tpu.yield
        }) : () -> ()
        %scan3A_36 = arith.constant 0 : i32
        scf.yield %scan3A_36 : i32
      }
      %scan3A_24 = arith.constant 320 : i32
    } else {
    }
    %barrier3A_8 = arith.constant 0 : index
    tpu.barrier barrier_id(%barrier3A_8)
    %eq3A_9 = arith.constant 0 : i32
    %eq3A_10 = arith.cmpi eq, %arg0, %eq3A_9 : i32
    %convert_element_type3A_11 = arith.extui %eq3A_10 : i1 to i32
    %cond3A_12 = arith.constant 0 : i32
    %cond3A_13 = arith.cmpi ne, %convert_element_type3A_11, %cond3A_12 : i32
    scf.if %cond3A_13 {
      %mul3A_19 = arith.constant 1250 : i32
      %mul3A_20 = arith.muli %arg1, %mul3A_19 : i32
      %mul3A_21 = arith.constant 1250 : i32
      %mul3A_22 = arith.muli %arg1, %mul3A_21 : i32
      "tpu.region"() ({
        %run_scoped3A = tpu.sem_alloc : memref<!tpu.dma_semaphore, #tpu.memory_space<semaphore_mem>>
        %dma_start3A = arith.constant 0 : i32
        %dma_start3A_23 = tpu.memref_slice %arg7[%mul3A_22, %dma_start3A] : memref<20000x64xf32, #tpu.memory_space<hbm>> -> memref<1250x64xf32, #tpu.memory_space<hbm>>
        %dma_start3A_24 = arith.constant 0 : i32
        %dma_start3A_25 = tpu.memref_slice %arg12[%mul3A_20, %dma_start3A_24] : memref<20096x64xf32, #tpu.memory_space<vmem_shared>> -> memref<1250x64xf32, #tpu.memory_space<vmem_shared>>
        tpu.enqueue_dma source(%dma_start3A_25 : memref<1250x64xf32, #tpu.memory_space<vmem_shared>>) target(%dma_start3A_23 : memref<1250x64xf32, #tpu.memory_space<hbm>>) target_semaphore(%run_scoped3A : memref<!tpu.dma_semaphore, #tpu.memory_space<semaphore_mem>>)
        %dma_wait3A = arith.constant 0 : i32
        %dma_wait3A_26 = tpu.memref_slice %arg7[%mul3A_22, %dma_wait3A] : memref<20000x64xf32, #tpu.memory_space<hbm>> -> memref<1250x64xf32, #tpu.memory_space<hbm>>
        %dma_wait3A_27 = arith.constant 0 : i32
        %dma_wait3A_28 = tpu.memref_slice %arg12[%mul3A_20, %dma_wait3A_27] : memref<20096x64xf32, #tpu.memory_space<vmem_shared>> -> memref<1250x64xf32, #tpu.memory_space<vmem_shared>>
        tpu.wait_dma2 semaphore(%run_scoped3A : memref<!tpu.dma_semaphore, #tpu.memory_space<semaphore_mem>>) src(%dma_wait3A_28 : memref<1250x64xf32, #tpu.memory_space<vmem_shared>>) dst(%dma_wait3A_26 : memref<1250x64xf32, #tpu.memory_space<hbm>>)
        tpu.yield
      }) : () -> ()
    } else {
    }
    %eq3A_14 = arith.constant 1 : i32
    %eq3A_15 = arith.cmpi eq, %arg0, %eq3A_14 : i32
    %convert_element_type3A_16 = arith.extui %eq3A_15 : i1 to i32
    %cond3A_17 = arith.constant 0 : i32
    %cond3A_18 = arith.cmpi ne, %convert_element_type3A_16, %cond3A_17 : i32
    scf.if %cond3A_18 {
      %mul3A_19 = arith.constant 1250 : i32
      %mul3A_20 = arith.muli %arg1, %mul3A_19 : i32
      %mul3A_21 = arith.constant 1250 : i32
      %mul3A_22 = arith.muli %arg1, %mul3A_21 : i32
      "tpu.region"() ({
        %run_scoped3A = tpu.sem_alloc : memref<!tpu.dma_semaphore, #tpu.memory_space<semaphore_mem>>
        %dma_start3A = arith.constant 0 : i32
        %dma_start3A_23 = tpu.memref_slice %arg8[%mul3A_22, %dma_start3A] : memref<20000x64xf32, #tpu.memory_space<hbm>> -> memref<1250x64xf32, #tpu.memory_space<hbm>>
        %dma_start3A_24 = arith.constant 0 : i32
        %dma_start3A_25 = tpu.memref_slice %arg12[%mul3A_20, %dma_start3A_24] : memref<20096x64xf32, #tpu.memory_space<vmem_shared>> -> memref<1250x64xf32, #tpu.memory_space<vmem_shared>>
        tpu.enqueue_dma source(%dma_start3A_25 : memref<1250x64xf32, #tpu.memory_space<vmem_shared>>) target(%dma_start3A_23 : memref<1250x64xf32, #tpu.memory_space<hbm>>) target_semaphore(%run_scoped3A : memref<!tpu.dma_semaphore, #tpu.memory_space<semaphore_mem>>)
        %dma_wait3A = arith.constant 0 : i32
        %dma_wait3A_26 = tpu.memref_slice %arg8[%mul3A_22, %dma_wait3A] : memref<20000x64xf32, #tpu.memory_space<hbm>> -> memref<1250x64xf32, #tpu.memory_space<hbm>>
        %dma_wait3A_27 = arith.constant 0 : i32
        %dma_wait3A_28 = tpu.memref_slice %arg12[%mul3A_20, %dma_wait3A_27] : memref<20096x64xf32, #tpu.memory_space<vmem_shared>> -> memref<1250x64xf32, #tpu.memory_space<vmem_shared>>
        tpu.wait_dma2 semaphore(%run_scoped3A : memref<!tpu.dma_semaphore, #tpu.memory_space<semaphore_mem>>) src(%dma_wait3A_28 : memref<1250x64xf32, #tpu.memory_space<vmem_shared>>) dst(%dma_wait3A_26 : memref<1250x64xf32, #tpu.memory_space<hbm>>)
        tpu.yield
      }) : () -> ()
    } else {
    }
    return
  }
}

#map = affine_map<(d0, d1) -> (0, 0)>
#map1 = affine_map<(d0, d1) -> (0)>
module attributes {stable_mosaic.version = 14 : i64} {
  func.func @_scatter_body(%arg0: i32, %arg1: i32, %arg2: memref<20000x64xf32, #tpu.memory_space<hbm>>, %arg3: memref<20000x64xf32, #tpu.memory_space<hbm>>, %arg4: memref<655360xi32, #tpu.memory_space<hbm>>, %arg5: memref<655360xi32, #tpu.memory_space<hbm>>, %arg6: memref<1256x64xf32, #tpu.memory_space<hbm>>, %arg7: memref<20000x64xf32, #tpu.memory_space<hbm>>, %arg8: memref<20000x64xf32, #tpu.memory_space<hbm>>, %arg9: memref<128xi32, #tpu.memory_space<vmem>>, %arg10: memref<1x128xi32, #tpu.memory_space<vmem>>, %arg11: memref<128x64xf32, #tpu.memory_space<vmem>>, %arg12: memref<20096x64xf32, #tpu.memory_space<vmem_shared>>, %arg13: memref<!tpu.dma_semaphore, #tpu.memory_space<semaphore_mem>>) attributes {dimension_semantics = [#tpu.dimension_semantics<core_parallel>, #tpu.dimension_semantics<subcore_parallel>], iteration_bounds = array<i64: 2, 16>, scalar_prefetch = 0 : i64, scratch_operands = 5 : i64, tpu.core_type = #tpu.core_type<sc_vector_subcore>, window_params = [{transform_indices = #map}, {transform_indices = #map}, {transform_indices = #map1}, {transform_indices = #map1}, {transform_indices = #map}, {transform_indices = #map}, {transform_indices = #map}]} {
    %mul3A = arith.constant 1256 : i32
    %mul3A_0 = arith.muli %arg1, %mul3A : i32
    "tpu.region"() ({
      %run_scoped3A = tpu.sem_alloc : memref<!tpu.dma_semaphore, #tpu.memory_space<semaphore_mem>>
      %dma_start3A = arith.constant 0 : i32
      %dma_start3A_19 = tpu.memref_slice %arg12[%mul3A_0, %dma_start3A] : memref<20096x64xf32, #tpu.memory_space<vmem_shared>> -> memref<1256x64xf32, #tpu.memory_space<vmem_shared>>
      tpu.enqueue_dma source(%arg6 : memref<1256x64xf32, #tpu.memory_space<hbm>>) target(%dma_start3A_19 : memref<1256x64xf32, #tpu.memory_space<vmem_shared>>) target_semaphore(%run_scoped3A : memref<!tpu.dma_semaphore, #tpu.memory_space<semaphore_mem>>)
      %dma_wait3A = arith.constant 0 : i32
      %dma_wait3A_20 = tpu.memref_slice %arg12[%mul3A_0, %dma_wait3A] : memref<20096x64xf32, #tpu.memory_space<vmem_shared>> -> memref<1256x64xf32, #tpu.memory_space<vmem_shared>>
      tpu.wait_dma2 semaphore(%run_scoped3A : memref<!tpu.dma_semaphore, #tpu.memory_space<semaphore_mem>>) src(%arg6 : memref<1256x64xf32, #tpu.memory_space<hbm>>) dst(%dma_wait3A_20 : memref<1256x64xf32, #tpu.memory_space<vmem_shared>>)
      tpu.yield
    }) : () -> ()
    %barrier3A = arith.constant 0 : index
    tpu.barrier barrier_id(%barrier3A)
    %eq3A = arith.constant 0 : i32
    %eq3A_1 = arith.cmpi eq, %arg0, %eq3A : i32
    %convert_element_type3A = arith.extui %eq3A_1 : i1 to i32
    %cond3A = arith.constant 0 : i32
    %cond3A_2 = arith.cmpi ne, %convert_element_type3A, %cond3A : i32
    scf.if %cond3A_2 {
      %scan3A = arith.constant 0 : i32
      %scan3A_19 = arith.constant 0 : i32
      %scan3A_20 = arith.constant 320 : i32
      %scan3A_21 = arith.addi %scan3A_19, %scan3A_20 : i32
      %scan3A_22 = arith.constant 1 : i32
      %scan3A_23 = scf.for %scan3A_25 = %scan3A_19 to %scan3A_21 step %scan3A_22 iter_args(%scan3A_26 = %scan3A) -> (i32)  : i32 {
        %mul3A_27 = arith.constant 320 : i32
        %mul3A_28 = arith.muli %arg1, %mul3A_27 : i32
        %add3A = arith.addi %mul3A_28, %scan3A_25 : i32
        %mul3A_29 = arith.constant 128 : i32
        %mul3A_30 = arith.muli %add3A, %mul3A_29 : i32
        "tpu.region"() ({
          %run_scoped3A_37 = tpu.sem_alloc : memref<!tpu.dma_semaphore, #tpu.memory_space<semaphore_mem>>
          %dma_start3A_38 = tpu.memref_slice %arg4[%mul3A_30] : memref<655360xi32, #tpu.memory_space<hbm>> -> memref<128xi32, #tpu.memory_space<hbm>>
          %dma_start3A_39 = tpu.memref_slice %arg4[%mul3A_30] : memref<655360xi32, #tpu.memory_space<hbm>> -> memref<128xi32, #tpu.memory_space<hbm>>
          tpu.enqueue_dma source(%dma_start3A_39 : memref<128xi32, #tpu.memory_space<hbm>>) target(%arg9 : memref<128xi32, #tpu.memory_space<vmem>>) target_semaphore(%run_scoped3A_37 : memref<!tpu.dma_semaphore, #tpu.memory_space<semaphore_mem>>)
          %dma_wait3A_40 = tpu.memref_slice %arg4[%mul3A_30] : memref<655360xi32, #tpu.memory_space<hbm>> -> memref<128xi32, #tpu.memory_space<hbm>>
          %dma_wait3A_41 = tpu.memref_slice %arg4[%mul3A_30] : memref<655360xi32, #tpu.memory_space<hbm>> -> memref<128xi32, #tpu.memory_space<hbm>>
          tpu.wait_dma2 semaphore(%run_scoped3A_37 : memref<!tpu.dma_semaphore, #tpu.memory_space<semaphore_mem>>) src(%dma_wait3A_41 : memref<128xi32, #tpu.memory_space<hbm>>) dst(%arg9 : memref<128xi32, #tpu.memory_space<vmem>>)
          tpu.yield
        }) : () -> ()
        %run_scoped3A = arith.constant 0 : i32
        "tpu.region"() ({
          %run_scoped3A_37 = tpu.sem_alloc : memref<!tpu.dma_semaphore, #tpu.memory_space<semaphore_mem>>
          %dma_start3A_38 = arith.constant 0 : i32
          %dma_start3A_39 = tpu.memref_slice %arg10[%run_scoped3A, %dma_start3A_38] : memref<1x128xi32, #tpu.memory_space<vmem>> -> memref<1x128xi32, #tpu.memory_space<vmem>>
          %dma_start3A_40 = tpu.memref_squeeze %dma_start3A_39 : memref<1x128xi32, #tpu.memory_space<vmem>> -> memref<128xi32, #tpu.memory_space<vmem>>
          %dma_start3A_41 = tpu.memref_slice %arg5[%mul3A_30] : memref<655360xi32, #tpu.memory_space<hbm>> -> memref<128xi32, #tpu.memory_space<hbm>>
          %dma_start3A_42 = arith.constant 0 : i32
          %dma_start3A_43 = tpu.memref_slice %arg10[%run_scoped3A, %dma_start3A_42] : memref<1x128xi32, #tpu.memory_space<vmem>> -> memref<1x128xi32, #tpu.memory_space<vmem>>
          %dma_start3A_44 = tpu.memref_squeeze %dma_start3A_43 : memref<1x128xi32, #tpu.memory_space<vmem>> -> memref<128xi32, #tpu.memory_space<vmem>>
          %dma_start3A_45 = tpu.memref_slice %arg5[%mul3A_30] : memref<655360xi32, #tpu.memory_space<hbm>> -> memref<128xi32, #tpu.memory_space<hbm>>
          tpu.enqueue_dma source(%dma_start3A_45 : memref<128xi32, #tpu.memory_space<hbm>>) target(%dma_start3A_44 : memref<128xi32, #tpu.memory_space<vmem>>) target_semaphore(%run_scoped3A_37 : memref<!tpu.dma_semaphore, #tpu.memory_space<semaphore_mem>>)
          %dma_wait3A_46 = arith.constant 0 : i32
          %dma_wait3A_47 = tpu.memref_slice %arg10[%run_scoped3A, %dma_wait3A_46] : memref<1x128xi32, #tpu.memory_space<vmem>> -> memref<1x128xi32, #tpu.memory_space<vmem>>
          %dma_wait3A_48 = tpu.memref_squeeze %dma_wait3A_47 : memref<1x128xi32, #tpu.memory_space<vmem>> -> memref<128xi32, #tpu.memory_space<vmem>>
          %dma_wait3A_49 = tpu.memref_slice %arg5[%mul3A_30] : memref<655360xi32, #tpu.memory_space<hbm>> -> memref<128xi32, #tpu.memory_space<hbm>>
          %dma_wait3A_50 = arith.constant 0 : i32
          %dma_wait3A_51 = tpu.memref_slice %arg10[%run_scoped3A, %dma_wait3A_50] : memref<1x128xi32, #tpu.memory_space<vmem>> -> memref<1x128xi32, #tpu.memory_space<vmem>>
          %dma_wait3A_52 = tpu.memref_squeeze %dma_wait3A_51 : memref<1x128xi32, #tpu.memory_space<vmem>> -> memref<128xi32, #tpu.memory_space<vmem>>
          %dma_wait3A_53 = tpu.memref_slice %arg5[%mul3A_30] : memref<655360xi32, #tpu.memory_space<hbm>> -> memref<128xi32, #tpu.memory_space<hbm>>
          tpu.wait_dma2 semaphore(%run_scoped3A_37 : memref<!tpu.dma_semaphore, #tpu.memory_space<semaphore_mem>>) src(%dma_wait3A_53 : memref<128xi32, #tpu.memory_space<hbm>>) dst(%dma_wait3A_52 : memref<128xi32, #tpu.memory_space<vmem>>)
          tpu.yield
        }) : () -> ()
        %dma_start3A = arith.constant 0 : i32
        %dma_start3A_31 = arith.constant 0 : i32
        %dma_start3A_32 = tpu.memref_slice %arg2[%dma_start3A, %dma_start3A_31] : memref<20000x64xf32, #tpu.memory_space<hbm>> -> memref<20000x64xf32, #tpu.memory_space<hbm>>
        tpu.enqueue_indirect_dma source(%dma_start3A_32 : memref<20000x64xf32, #tpu.memory_space<hbm>>) target(%arg11 : memref<128x64xf32, #tpu.memory_space<vmem>>) offsets(%arg9 : memref<128xi32, #tpu.memory_space<vmem>>) semaphore(%arg13 : memref<!tpu.dma_semaphore, #tpu.memory_space<semaphore_mem>>)
        %dma_wait3A = arith.constant 0 : i32
        %dma_wait3A_33 = arith.constant 0 : i32
        %dma_wait3A_34 = tpu.memref_slice %arg2[%dma_wait3A, %dma_wait3A_33] : memref<20000x64xf32, #tpu.memory_space<hbm>> -> memref<20000x64xf32, #tpu.memory_space<hbm>>
        tpu.wait_indirect_dma semaphore(%arg13 : memref<!tpu.dma_semaphore, #tpu.memory_space<semaphore_mem>>) src(%dma_wait3A_34 : memref<20000x64xf32, #tpu.memory_space<hbm>>) dst(%arg11 : memref<128x64xf32, #tpu.memory_space<vmem>>)
        %run_scoped3A_35 = arith.constant 0 : i32
        "tpu.region"() ({
          %run_scoped3A_37 = tpu.sem_alloc : memref<!tpu.dma_semaphore, #tpu.memory_space<semaphore_mem>>
          %dma_start3A_38 = arith.constant 0 : i32
          %dma_start3A_39 = tpu.memref_slice %arg10[%run_scoped3A_35, %dma_start3A_38] : memref<1x128xi32, #tpu.memory_space<vmem>> -> memref<1x128xi32, #tpu.memory_space<vmem>>
          %dma_start3A_40 = tpu.memref_squeeze %dma_start3A_39 : memref<1x128xi32, #tpu.memory_space<vmem>> -> memref<128xi32, #tpu.memory_space<vmem>>
          %dma_start3A_41 = arith.constant 0 : i32
          %dma_start3A_42 = arith.constant 0 : i32
          %dma_start3A_43 = tpu.memref_slice %arg12[%dma_start3A_41, %dma_start3A_42] : memref<20096x64xf32, #tpu.memory_space<vmem_shared>> -> memref<20096x64xf32, #tpu.memory_space<vmem_shared>>
          tpu.enqueue_indirect_dma source(%arg11 : memref<128x64xf32, #tpu.memory_space<vmem>>) target(%dma_start3A_43 : memref<20096x64xf32, #tpu.memory_space<vmem_shared>>) offsets(%dma_start3A_40 : memref<128xi32, #tpu.memory_space<vmem>>) semaphore(%run_scoped3A_37 : memref<!tpu.dma_semaphore, #tpu.memory_space<semaphore_mem>>) {add = true}
          %dma_wait3A_44 = arith.constant 0 : i32
          %dma_wait3A_45 = tpu.memref_slice %arg10[%run_scoped3A_35, %dma_wait3A_44] : memref<1x128xi32, #tpu.memory_space<vmem>> -> memref<1x128xi32, #tpu.memory_space<vmem>>
          %dma_wait3A_46 = tpu.memref_squeeze %dma_wait3A_45 : memref<1x128xi32, #tpu.memory_space<vmem>> -> memref<128xi32, #tpu.memory_space<vmem>>
          %dma_wait3A_47 = arith.constant 0 : i32
          %dma_wait3A_48 = arith.constant 0 : i32
          %dma_wait3A_49 = tpu.memref_slice %arg12[%dma_wait3A_47, %dma_wait3A_48] : memref<20096x64xf32, #tpu.memory_space<vmem_shared>> -> memref<20096x64xf32, #tpu.memory_space<vmem_shared>>
          tpu.wait_indirect_dma semaphore(%run_scoped3A_37 : memref<!tpu.dma_semaphore, #tpu.memory_space<semaphore_mem>>) src(%arg11 : memref<128x64xf32, #tpu.memory_space<vmem>>) dst(%dma_wait3A_49 : memref<20096x64xf32, #tpu.memory_space<vmem_shared>>)
          tpu.yield
        }) : () -> ()
        %scan3A_36 = arith.constant 0 : i32
        scf.yield %scan3A_36 : i32
      }
      %scan3A_24 = arith.constant 320 : i32
    } else {
    }
    %eq3A_3 = arith.constant 1 : i32
    %eq3A_4 = arith.cmpi eq, %arg0, %eq3A_3 : i32
    %convert_element_type3A_5 = arith.extui %eq3A_4 : i1 to i32
    %cond3A_6 = arith.constant 0 : i32
    %cond3A_7 = arith.cmpi ne, %convert_element_type3A_5, %cond3A_6 : i32
    scf.if %cond3A_7 {
      %scan3A = arith.constant 0 : i32
      %scan3A_19 = arith.constant 0 : i32
      %scan3A_20 = arith.constant 320 : i32
      %scan3A_21 = arith.addi %scan3A_19, %scan3A_20 : i32
      %scan3A_22 = arith.constant 1 : i32
      %scan3A_23 = scf.for %scan3A_25 = %scan3A_19 to %scan3A_21 step %scan3A_22 iter_args(%scan3A_26 = %scan3A) -> (i32)  : i32 {
        %mul3A_27 = arith.constant 320 : i32
        %mul3A_28 = arith.muli %arg1, %mul3A_27 : i32
        %add3A = arith.addi %mul3A_28, %scan3A_25 : i32
        %mul3A_29 = arith.constant 128 : i32
        %mul3A_30 = arith.muli %add3A, %mul3A_29 : i32
        "tpu.region"() ({
          %run_scoped3A_37 = tpu.sem_alloc : memref<!tpu.dma_semaphore, #tpu.memory_space<semaphore_mem>>
          %dma_start3A_38 = tpu.memref_slice %arg4[%mul3A_30] : memref<655360xi32, #tpu.memory_space<hbm>> -> memref<128xi32, #tpu.memory_space<hbm>>
          %dma_start3A_39 = tpu.memref_slice %arg4[%mul3A_30] : memref<655360xi32, #tpu.memory_space<hbm>> -> memref<128xi32, #tpu.memory_space<hbm>>
          tpu.enqueue_dma source(%dma_start3A_39 : memref<128xi32, #tpu.memory_space<hbm>>) target(%arg9 : memref<128xi32, #tpu.memory_space<vmem>>) target_semaphore(%run_scoped3A_37 : memref<!tpu.dma_semaphore, #tpu.memory_space<semaphore_mem>>)
          %dma_wait3A_40 = tpu.memref_slice %arg4[%mul3A_30] : memref<655360xi32, #tpu.memory_space<hbm>> -> memref<128xi32, #tpu.memory_space<hbm>>
          %dma_wait3A_41 = tpu.memref_slice %arg4[%mul3A_30] : memref<655360xi32, #tpu.memory_space<hbm>> -> memref<128xi32, #tpu.memory_space<hbm>>
          tpu.wait_dma2 semaphore(%run_scoped3A_37 : memref<!tpu.dma_semaphore, #tpu.memory_space<semaphore_mem>>) src(%dma_wait3A_41 : memref<128xi32, #tpu.memory_space<hbm>>) dst(%arg9 : memref<128xi32, #tpu.memory_space<vmem>>)
          tpu.yield
        }) : () -> ()
        %run_scoped3A = arith.constant 0 : i32
        "tpu.region"() ({
          %run_scoped3A_37 = tpu.sem_alloc : memref<!tpu.dma_semaphore, #tpu.memory_space<semaphore_mem>>
          %dma_start3A_38 = arith.constant 0 : i32
          %dma_start3A_39 = tpu.memref_slice %arg10[%run_scoped3A, %dma_start3A_38] : memref<1x128xi32, #tpu.memory_space<vmem>> -> memref<1x128xi32, #tpu.memory_space<vmem>>
          %dma_start3A_40 = tpu.memref_squeeze %dma_start3A_39 : memref<1x128xi32, #tpu.memory_space<vmem>> -> memref<128xi32, #tpu.memory_space<vmem>>
          %dma_start3A_41 = tpu.memref_slice %arg5[%mul3A_30] : memref<655360xi32, #tpu.memory_space<hbm>> -> memref<128xi32, #tpu.memory_space<hbm>>
          %dma_start3A_42 = arith.constant 0 : i32
          %dma_start3A_43 = tpu.memref_slice %arg10[%run_scoped3A, %dma_start3A_42] : memref<1x128xi32, #tpu.memory_space<vmem>> -> memref<1x128xi32, #tpu.memory_space<vmem>>
          %dma_start3A_44 = tpu.memref_squeeze %dma_start3A_43 : memref<1x128xi32, #tpu.memory_space<vmem>> -> memref<128xi32, #tpu.memory_space<vmem>>
          %dma_start3A_45 = tpu.memref_slice %arg5[%mul3A_30] : memref<655360xi32, #tpu.memory_space<hbm>> -> memref<128xi32, #tpu.memory_space<hbm>>
          tpu.enqueue_dma source(%dma_start3A_45 : memref<128xi32, #tpu.memory_space<hbm>>) target(%dma_start3A_44 : memref<128xi32, #tpu.memory_space<vmem>>) target_semaphore(%run_scoped3A_37 : memref<!tpu.dma_semaphore, #tpu.memory_space<semaphore_mem>>)
          %dma_wait3A_46 = arith.constant 0 : i32
          %dma_wait3A_47 = tpu.memref_slice %arg10[%run_scoped3A, %dma_wait3A_46] : memref<1x128xi32, #tpu.memory_space<vmem>> -> memref<1x128xi32, #tpu.memory_space<vmem>>
          %dma_wait3A_48 = tpu.memref_squeeze %dma_wait3A_47 : memref<1x128xi32, #tpu.memory_space<vmem>> -> memref<128xi32, #tpu.memory_space<vmem>>
          %dma_wait3A_49 = tpu.memref_slice %arg5[%mul3A_30] : memref<655360xi32, #tpu.memory_space<hbm>> -> memref<128xi32, #tpu.memory_space<hbm>>
          %dma_wait3A_50 = arith.constant 0 : i32
          %dma_wait3A_51 = tpu.memref_slice %arg10[%run_scoped3A, %dma_wait3A_50] : memref<1x128xi32, #tpu.memory_space<vmem>> -> memref<1x128xi32, #tpu.memory_space<vmem>>
          %dma_wait3A_52 = tpu.memref_squeeze %dma_wait3A_51 : memref<1x128xi32, #tpu.memory_space<vmem>> -> memref<128xi32, #tpu.memory_space<vmem>>
          %dma_wait3A_53 = tpu.memref_slice %arg5[%mul3A_30] : memref<655360xi32, #tpu.memory_space<hbm>> -> memref<128xi32, #tpu.memory_space<hbm>>
          tpu.wait_dma2 semaphore(%run_scoped3A_37 : memref<!tpu.dma_semaphore, #tpu.memory_space<semaphore_mem>>) src(%dma_wait3A_53 : memref<128xi32, #tpu.memory_space<hbm>>) dst(%dma_wait3A_52 : memref<128xi32, #tpu.memory_space<vmem>>)
          tpu.yield
        }) : () -> ()
        %dma_start3A = arith.constant 0 : i32
        %dma_start3A_31 = arith.constant 0 : i32
        %dma_start3A_32 = tpu.memref_slice %arg3[%dma_start3A, %dma_start3A_31] : memref<20000x64xf32, #tpu.memory_space<hbm>> -> memref<20000x64xf32, #tpu.memory_space<hbm>>
        tpu.enqueue_indirect_dma source(%dma_start3A_32 : memref<20000x64xf32, #tpu.memory_space<hbm>>) target(%arg11 : memref<128x64xf32, #tpu.memory_space<vmem>>) offsets(%arg9 : memref<128xi32, #tpu.memory_space<vmem>>) semaphore(%arg13 : memref<!tpu.dma_semaphore, #tpu.memory_space<semaphore_mem>>)
        %dma_wait3A = arith.constant 0 : i32
        %dma_wait3A_33 = arith.constant 0 : i32
        %dma_wait3A_34 = tpu.memref_slice %arg3[%dma_wait3A, %dma_wait3A_33] : memref<20000x64xf32, #tpu.memory_space<hbm>> -> memref<20000x64xf32, #tpu.memory_space<hbm>>
        tpu.wait_indirect_dma semaphore(%arg13 : memref<!tpu.dma_semaphore, #tpu.memory_space<semaphore_mem>>) src(%dma_wait3A_34 : memref<20000x64xf32, #tpu.memory_space<hbm>>) dst(%arg11 : memref<128x64xf32, #tpu.memory_space<vmem>>)
        %run_scoped3A_35 = arith.constant 0 : i32
        "tpu.region"() ({
          %run_scoped3A_37 = tpu.sem_alloc : memref<!tpu.dma_semaphore, #tpu.memory_space<semaphore_mem>>
          %dma_start3A_38 = arith.constant 0 : i32
          %dma_start3A_39 = tpu.memref_slice %arg10[%run_scoped3A_35, %dma_start3A_38] : memref<1x128xi32, #tpu.memory_space<vmem>> -> memref<1x128xi32, #tpu.memory_space<vmem>>
          %dma_start3A_40 = tpu.memref_squeeze %dma_start3A_39 : memref<1x128xi32, #tpu.memory_space<vmem>> -> memref<128xi32, #tpu.memory_space<vmem>>
          %dma_start3A_41 = arith.constant 0 : i32
          %dma_start3A_42 = arith.constant 0 : i32
          %dma_start3A_43 = tpu.memref_slice %arg12[%dma_start3A_41, %dma_start3A_42] : memref<20096x64xf32, #tpu.memory_space<vmem_shared>> -> memref<20096x64xf32, #tpu.memory_space<vmem_shared>>
          tpu.enqueue_indirect_dma source(%arg11 : memref<128x64xf32, #tpu.memory_space<vmem>>) target(%dma_start3A_43 : memref<20096x64xf32, #tpu.memory_space<vmem_shared>>) offsets(%dma_start3A_40 : memref<128xi32, #tpu.memory_space<vmem>>) semaphore(%run_scoped3A_37 : memref<!tpu.dma_semaphore, #tpu.memory_space<semaphore_mem>>) {add = true}
          %dma_wait3A_44 = arith.constant 0 : i32
          %dma_wait3A_45 = tpu.memref_slice %arg10[%run_scoped3A_35, %dma_wait3A_44] : memref<1x128xi32, #tpu.memory_space<vmem>> -> memref<1x128xi32, #tpu.memory_space<vmem>>
          %dma_wait3A_46 = tpu.memref_squeeze %dma_wait3A_45 : memref<1x128xi32, #tpu.memory_space<vmem>> -> memref<128xi32, #tpu.memory_space<vmem>>
          %dma_wait3A_47 = arith.constant 0 : i32
          %dma_wait3A_48 = arith.constant 0 : i32
          %dma_wait3A_49 = tpu.memref_slice %arg12[%dma_wait3A_47, %dma_wait3A_48] : memref<20096x64xf32, #tpu.memory_space<vmem_shared>> -> memref<20096x64xf32, #tpu.memory_space<vmem_shared>>
          tpu.wait_indirect_dma semaphore(%run_scoped3A_37 : memref<!tpu.dma_semaphore, #tpu.memory_space<semaphore_mem>>) src(%arg11 : memref<128x64xf32, #tpu.memory_space<vmem>>) dst(%dma_wait3A_49 : memref<20096x64xf32, #tpu.memory_space<vmem_shared>>)
          tpu.yield
        }) : () -> ()
        %scan3A_36 = arith.constant 0 : i32
        scf.yield %scan3A_36 : i32
      }
      %scan3A_24 = arith.constant 320 : i32
    } else {
    }
    %barrier3A_8 = arith.constant 0 : index
    tpu.barrier barrier_id(%barrier3A_8)
    %eq3A_9 = arith.constant 0 : i32
    %eq3A_10 = arith.cmpi eq, %arg0, %eq3A_9 : i32
    %convert_element_type3A_11 = arith.extui %eq3A_10 : i1 to i32
    %cond3A_12 = arith.constant 0 : i32
    %cond3A_13 = arith.cmpi ne, %convert_element_type3A_11, %cond3A_12 : i32
    scf.if %cond3A_13 {
      %mul3A_19 = arith.constant 1250 : i32
      %mul3A_20 = arith.muli %arg1, %mul3A_19 : i32
      %mul3A_21 = arith.constant 1250 : i32
      %mul3A_22 = arith.muli %arg1, %mul3A_21 : i32
      "tpu.region"() ({
        %run_scoped3A = tpu.sem_alloc : memref<!tpu.dma_semaphore, #tpu.memory_space<semaphore_mem>>
        %dma_start3A = arith.constant 0 : i32
        %dma_start3A_23 = tpu.memref_slice %arg7[%mul3A_22, %dma_start3A] : memref<20000x64xf32, #tpu.memory_space<hbm>> -> memref<1250x64xf32, #tpu.memory_space<hbm>>
        %dma_start3A_24 = arith.constant 0 : i32
        %dma_start3A_25 = tpu.memref_slice %arg12[%mul3A_20, %dma_start3A_24] : memref<20096x64xf32, #tpu.memory_space<vmem_shared>> -> memref<1250x64xf32, #tpu.memory_space<vmem_shared>>
        tpu.enqueue_dma source(%dma_start3A_25 : memref<1250x64xf32, #tpu.memory_space<vmem_shared>>) target(%dma_start3A_23 : memref<1250x64xf32, #tpu.memory_space<hbm>>) target_semaphore(%run_scoped3A : memref<!tpu.dma_semaphore, #tpu.memory_space<semaphore_mem>>)
        %dma_wait3A = arith.constant 0 : i32
        %dma_wait3A_26 = tpu.memref_slice %arg7[%mul3A_22, %dma_wait3A] : memref<20000x64xf32, #tpu.memory_space<hbm>> -> memref<1250x64xf32, #tpu.memory_space<hbm>>
        %dma_wait3A_27 = arith.constant 0 : i32
        %dma_wait3A_28 = tpu.memref_slice %arg12[%mul3A_20, %dma_wait3A_27] : memref<20096x64xf32, #tpu.memory_space<vmem_shared>> -> memref<1250x64xf32, #tpu.memory_space<vmem_shared>>
        tpu.wait_dma2 semaphore(%run_scoped3A : memref<!tpu.dma_semaphore, #tpu.memory_space<semaphore_mem>>) src(%dma_wait3A_28 : memref<1250x64xf32, #tpu.memory_space<vmem_shared>>) dst(%dma_wait3A_26 : memref<1250x64xf32, #tpu.memory_space<hbm>>)
        tpu.yield
      }) : () -> ()
    } else {
    }
    %eq3A_14 = arith.constant 1 : i32
    %eq3A_15 = arith.cmpi eq, %arg0, %eq3A_14 : i32
    %convert_element_type3A_16 = arith.extui %eq3A_15 : i1 to i32
    %cond3A_17 = arith.constant 0 : i32
    %cond3A_18 = arith.cmpi ne, %convert_element_type3A_16, %cond3A_17 : i32
    scf.if %cond3A_18 {
      %mul3A_19 = arith.constant 1250 : i32
      %mul3A_20 = arith.muli %arg1, %mul3A_19 : i32
      %mul3A_21 = arith.constant 1250 : i32
      %mul3A_22 = arith.muli %arg1, %mul3A_21 : i32
      "tpu.region"() ({
        %run_scoped3A = tpu.sem_alloc : memref<!tpu.dma_semaphore, #tpu.memory_space<semaphore_mem>>
        %dma_start3A = arith.constant 0 : i32
        %dma_start3A_23 = tpu.memref_slice %arg8[%mul3A_22, %dma_start3A] : memref<20000x64xf32, #tpu.memory_space<hbm>> -> memref<1250x64xf32, #tpu.memory_space<hbm>>
        %dma_start3A_24 = arith.constant 0 : i32
        %dma_start3A_25 = tpu.memref_slice %arg12[%mul3A_20, %dma_start3A_24] : memref<20096x64xf32, #tpu.memory_space<vmem_shared>> -> memref<1250x64xf32, #tpu.memory_space<vmem_shared>>
        tpu.enqueue_dma source(%dma_start3A_25 : memref<1250x64xf32, #tpu.memory_space<vmem_shared>>) target(%dma_start3A_23 : memref<1250x64xf32, #tpu.memory_space<hbm>>) target_semaphore(%run_scoped3A : memref<!tpu.dma_semaphore, #tpu.memory_space<semaphore_mem>>)
        %dma_wait3A = arith.constant 0 : i32
        %dma_wait3A_26 = tpu.memref_slice %arg8[%mul3A_22, %dma_wait3A] : memref<20000x64xf32, #tpu.memory_space<hbm>> -> memref<1250x64xf32, #tpu.memory_space<hbm>>
        %dma_wait3A_27 = arith.constant 0 : i32
        %dma_wait3A_28 = tpu.memref_slice %arg12[%mul3A_20, %dma_wait3A_27] : memref<20096x64xf32, #tpu.memory_space<vmem_shared>> -> memref<1250x64xf32, #tpu.memory_space<vmem_shared>>
        tpu.wait_dma2 semaphore(%run_scoped3A : memref<!tpu.dma_semaphore, #tpu.memory_space<semaphore_mem>>) src(%dma_wait3A_28 : memref<1250x64xf32, #tpu.memory_space<vmem_shared>>) dst(%dma_wait3A_26 : memref<1250x64xf32, #tpu.memory_space<hbm>>)
        tpu.yield
      }) : () -> ()
    } else {
    }
    return
  }
}

module attributes {stable_mosaic.version = 14 : i64} {
  func.func @_ini_body(%arg0: i32, %arg1: memref<2000x128xf32, #tpu.memory_space<vmem>>, %arg2: memref<128x128xf32, #tpu.memory_space<vmem>>, %arg3: memref<1x128xf32, #tpu.memory_space<vmem>>, %arg4: memref<128x128xf32, #tpu.memory_space<vmem>>, %arg5: memref<1x128xf32, #tpu.memory_space<vmem>>, %arg6: memref<2000x64xf32, #tpu.memory_space<vmem>>, %arg7: memref<2000x64xf32, #tpu.memory_space<vmem>>) attributes {dimension_semantics = [#tpu.dimension_semantics<arbitrary>], iteration_bounds = array<i64: 5>, scalar_prefetch = 0 : i64, scratch_operands = 0 : i64, tpu.core_type = #tpu.core_type<tc>, window_params = [{transform_indices = @transform_0, window_bounds = array<i64: 2000, 128>}, {pipeline_mode = #tpu.pipeline_mode<synchronous>, transform_indices = @transform_1, window_bounds = array<i64: 128, 128>}, {pipeline_mode = #tpu.pipeline_mode<synchronous>, transform_indices = @transform_2, window_bounds = array<i64: 1, 128>}, {pipeline_mode = #tpu.pipeline_mode<synchronous>, transform_indices = @transform_3, window_bounds = array<i64: 128, 128>}, {pipeline_mode = #tpu.pipeline_mode<synchronous>, transform_indices = @transform_4, window_bounds = array<i64: 1, 128>}, {transform_indices = @transform_5, window_bounds = array<i64: 2000, 64>}, {transform_indices = @transform_6, window_bounds = array<i64: 2000, 64>}]} {
    %get3A = arith.constant 0 : index
    %get3A_0 = arith.constant 0 : index
    %get3A_1 = vector.load %arg1[%get3A, %get3A_0] : memref<2000x128xf32, #tpu.memory_space<vmem>>, vector<2000x128xf32>
    %get3A_2 = arith.constant 0 : index
    %get3A_3 = arith.constant 0 : index
    %get3A_4 = vector.load %arg2[%get3A_2, %get3A_3] : memref<128x128xf32, #tpu.memory_space<vmem>>, vector<128x128xf32>
    %dot_general3A = arith.constant dense<0.000000e+00> : vector<2000x128xf32>
    %dot_general3A_5 = tpu.matmul %get3A_1, %get3A_4, %dot_general3A {dimension_numbers = #tpu.dot_dimension_numbers<[1], [0], [0], [1], [0, 0, 1, 1], [], []>, transpose_lhs_hint = false} : vector<2000x128xf32>, vector<128x128xf32>, vector<2000x128xf32> -> vector<2000x128xf32>
    %get3A_6 = arith.constant 0 : index
    %get3A_7 = arith.constant 0 : index
    %get3A_8 = vector.load %arg3[%get3A_6, %get3A_7] : memref<1x128xf32, #tpu.memory_space<vmem>>, vector<1x128xf32>
    %add3A = vector.broadcast %get3A_8 : vector<1x128xf32> to vector<2000x128xf32>
    %add3A_9 = arith.addf %dot_general3A_5, %add3A : vector<2000x128xf32>
    %max3A = arith.constant 0.000000e+00 : f32
    %max3A_10 = vector.broadcast %max3A : f32 to vector<2000x128xf32>
    %max3A_11 = arith.maximumf %add3A_9, %max3A_10 : vector<2000x128xf32>
    %get3A_12 = arith.constant 0 : index
    %get3A_13 = arith.constant 0 : index
    %get3A_14 = vector.load %arg4[%get3A_12, %get3A_13] : memref<128x128xf32, #tpu.memory_space<vmem>>, vector<128x128xf32>
    %dot_general3A_15 = arith.constant dense<0.000000e+00> : vector<2000x128xf32>
    %dot_general3A_16 = tpu.matmul %max3A_11, %get3A_14, %dot_general3A_15 {dimension_numbers = #tpu.dot_dimension_numbers<[1], [0], [0], [1], [0, 0, 1, 1], [], []>, transpose_lhs_hint = false} : vector<2000x128xf32>, vector<128x128xf32>, vector<2000x128xf32> -> vector<2000x128xf32>
    %get3A_17 = arith.constant 0 : index
    %get3A_18 = arith.constant 0 : index
    %get3A_19 = vector.load %arg5[%get3A_17, %get3A_18] : memref<1x128xf32, #tpu.memory_space<vmem>>, vector<1x128xf32>
    %add3A_20 = vector.broadcast %get3A_19 : vector<1x128xf32> to vector<2000x128xf32>
    %add3A_21 = arith.addf %dot_general3A_16, %add3A_20 : vector<2000x128xf32>
    %slice3A = vector.extract_strided_slice %add3A_21 {offsets = [0, 0], sizes = [2000, 64], strides = [1, 1]} : vector<2000x128xf32> to vector<2000x64xf32>
    %swap3A = arith.constant 0 : index
    %swap3A_22 = arith.constant 0 : index
    %swap3A_23 = vector.load %arg6[%swap3A, %swap3A_22] : memref<2000x64xf32, #tpu.memory_space<vmem>>, vector<2000x64xf32>
    tpu.vector_store %arg6[%swap3A, %swap3A_22], %slice3A {strides = array<i32>} : memref<2000x64xf32, #tpu.memory_space<vmem>>, vector<2000x64xf32>,
    %slice3A_24 = vector.extract_strided_slice %add3A_21 {offsets = [0, 64], sizes = [2000, 64], strides = [1, 1]} : vector<2000x128xf32> to vector<2000x64xf32>
    %swap3A_25 = arith.constant 0 : index
    %swap3A_26 = arith.constant 0 : index
    %swap3A_27 = vector.load %arg7[%swap3A_25, %swap3A_26] : memref<2000x64xf32, #tpu.memory_space<vmem>>, vector<2000x64xf32>
    tpu.vector_store %arg7[%swap3A_25, %swap3A_26], %slice3A_24 {strides = array<i32>} : memref<2000x64xf32, #tpu.memory_space<vmem>>, vector<2000x64xf32>,
    return
  }
  func.func @transform_0(%arg0: i32) -> (i32, i32) {
    %c0_i32 = arith.constant 0 : i32
    %c0_i32_0 = arith.constant 0 : i32
    return %arg0, %c0_i32 : i32, i32
  }
  func.func @transform_1(%arg0: i32) -> (i32, i32) {
    %c0_i32 = arith.constant 0 : i32
    %c0_i32_0 = arith.constant 0 : i32
    %c0_i32_1 = arith.constant 0 : i32
    return %c0_i32, %c0_i32_0 : i32, i32
  }
  func.func @transform_2(%arg0: i32) -> (i32, i32) {
    %c0_i32 = arith.constant 0 : i32
    %c0_i32_0 = arith.constant 0 : i32
    %c0_i32_1 = arith.constant 0 : i32
    return %c0_i32, %c0_i32_0 : i32, i32
  }
  func.func @transform_3(%arg0: i32) -> (i32, i32) {
    %c0_i32 = arith.constant 0 : i32
    %c0_i32_0 = arith.constant 0 : i32
    %c0_i32_1 = arith.constant 0 : i32
    return %c0_i32, %c0_i32_0 : i32, i32
  }
  func.func @transform_4(%arg0: i32) -> (i32, i32) {
    %c0_i32 = arith.constant 0 : i32
    %c0_i32_0 = arith.constant 0 : i32
    %c0_i32_1 = arith.constant 0 : i32
    return %c0_i32, %c0_i32_0 : i32, i32
  }
  func.func @transform_5(%arg0: i32) -> (i32, i32) {
    %c0_i32 = arith.constant 0 : i32
    %c0_i32_0 = arith.constant 0 : i32
    return %arg0, %c0_i32 : i32, i32
  }
  func.func @transform_6(%arg0: i32) -> (i32, i32) {
    %c0_i32 = arith.constant 0 : i32
    %c0_i32_0 = arith.constant 0 : i32
    return %arg0, %c0_i32 : i32, i32
  }
}

module attributes {stable_mosaic.version = 14 : i64} {
  func.func @_layer_body(%arg0: i32, %arg1: memref<2000x64xf32, #tpu.memory_space<vmem>>, %arg2: memref<2000x64xf32, #tpu.memory_space<vmem>>, %arg3: memref<2000x64xf32, #tpu.memory_space<vmem>>, %arg4: memref<2000x64xf32, #tpu.memory_space<vmem>>, %arg5: memref<128x128xf32, #tpu.memory_space<vmem>>, %arg6: memref<1x128xf32, #tpu.memory_space<vmem>>, %arg7: memref<128x128xf32, #tpu.memory_space<vmem>>, %arg8: memref<1x128xf32, #tpu.memory_space<vmem>>, %arg9: memref<2000x128xf32, #tpu.memory_space<vmem>>) attributes {dimension_semantics = [#tpu.dimension_semantics<arbitrary>], iteration_bounds = array<i64: 10>, scalar_prefetch = 0 : i64, scratch_operands = 0 : i64, tpu.core_type = #tpu.core_type<tc>, window_params = [{transform_indices = @transform_0, window_bounds = array<i64: 2000, 64>}, {transform_indices = @transform_1, window_bounds = array<i64: 2000, 64>}, {transform_indices = @transform_2, window_bounds = array<i64: 2000, 64>}, {transform_indices = @transform_3, window_bounds = array<i64: 2000, 64>}, {pipeline_mode = #tpu.pipeline_mode<synchronous>, transform_indices = @transform_4, window_bounds = array<i64: 128, 128>}, {pipeline_mode = #tpu.pipeline_mode<synchronous>, transform_indices = @transform_5, window_bounds = array<i64: 1, 128>}, {pipeline_mode = #tpu.pipeline_mode<synchronous>, transform_indices = @transform_6, window_bounds = array<i64: 128, 128>}, {pipeline_mode = #tpu.pipeline_mode<synchronous>, transform_indices = @transform_7, window_bounds = array<i64: 1, 128>}, {transform_indices = @transform_8, window_bounds = array<i64: 2000, 128>}]} {
    %get3A = arith.constant 0 : index
    %get3A_0 = arith.constant 0 : index
    %get3A_1 = vector.load %arg1[%get3A, %get3A_0] : memref<2000x64xf32, #tpu.memory_space<vmem>>, vector<2000x64xf32>
    %get3A_2 = arith.constant 0 : index
    %get3A_3 = arith.constant 0 : index
    %get3A_4 = vector.load %arg3[%get3A_2, %get3A_3] : memref<2000x64xf32, #tpu.memory_space<vmem>>, vector<2000x64xf32>
    %add3A = arith.addf %get3A_1, %get3A_4 : vector<2000x64xf32>
    %get3A_5 = arith.constant 0 : index
    %get3A_6 = arith.constant 0 : index
    %get3A_7 = vector.load %arg2[%get3A_5, %get3A_6] : memref<2000x64xf32, #tpu.memory_space<vmem>>, vector<2000x64xf32>
    %get3A_8 = arith.constant 0 : index
    %get3A_9 = arith.constant 0 : index
    %get3A_10 = vector.load %arg4[%get3A_8, %get3A_9] : memref<2000x64xf32, #tpu.memory_space<vmem>>, vector<2000x64xf32>
    %add3A_11 = arith.addf %get3A_7, %get3A_10 : vector<2000x64xf32>
    %concatenate3A = tpu.concatenate %add3A, %add3A_11 in 1 : vector<2000x64xf32>, vector<2000x64xf32> -> vector<2000x128xf32>
    %get3A_12 = arith.constant 0 : index
    %get3A_13 = arith.constant 0 : index
    %get3A_14 = vector.load %arg5[%get3A_12, %get3A_13] : memref<128x128xf32, #tpu.memory_space<vmem>>, vector<128x128xf32>
    %dot_general3A = arith.constant dense<0.000000e+00> : vector<2000x128xf32>
    %dot_general3A_15 = tpu.matmul %concatenate3A, %get3A_14, %dot_general3A {dimension_numbers = #tpu.dot_dimension_numbers<[1], [0], [0], [1], [0, 0, 1, 1], [], []>, transpose_lhs_hint = false} : vector<2000x128xf32>, vector<128x128xf32>, vector<2000x128xf32> -> vector<2000x128xf32>
    %get3A_16 = arith.constant 0 : index
    %get3A_17 = arith.constant 0 : index
    %get3A_18 = vector.load %arg6[%get3A_16, %get3A_17] : memref<1x128xf32, #tpu.memory_space<vmem>>, vector<1x128xf32>
    %add3A_19 = vector.broadcast %get3A_18 : vector<1x128xf32> to vector<2000x128xf32>
    %add3A_20 = arith.addf %dot_general3A_15, %add3A_19 : vector<2000x128xf32>
    %max3A = arith.constant 0.000000e+00 : f32
    %max3A_21 = vector.broadcast %max3A : f32 to vector<2000x128xf32>
    %max3A_22 = arith.maximumf %add3A_20, %max3A_21 : vector<2000x128xf32>
    %get3A_23 = arith.constant 0 : index
    %get3A_24 = arith.constant 0 : index
    %get3A_25 = vector.load %arg7[%get3A_23, %get3A_24] : memref<128x128xf32, #tpu.memory_space<vmem>>, vector<128x128xf32>
    %dot_general3A_26 = arith.constant dense<0.000000e+00> : vector<2000x128xf32>
    %dot_general3A_27 = tpu.matmul %max3A_22, %get3A_25, %dot_general3A_26 {dimension_numbers = #tpu.dot_dimension_numbers<[1], [0], [0], [1], [0, 0, 1, 1], [], []>, transpose_lhs_hint = false} : vector<2000x128xf32>, vector<128x128xf32>, vector<2000x128xf32> -> vector<2000x128xf32>
    %get3A_28 = arith.constant 0 : index
    %get3A_29 = arith.constant 0 : index
    %get3A_30 = vector.load %arg8[%get3A_28, %get3A_29] : memref<1x128xf32, #tpu.memory_space<vmem>>, vector<1x128xf32>
    %add3A_31 = vector.broadcast %get3A_30 : vector<1x128xf32> to vector<2000x128xf32>
    %add3A_32 = arith.addf %dot_general3A_27, %add3A_31 : vector<2000x128xf32>
    %max3A_33 = arith.constant 0.000000e+00 : f32
    %max3A_34 = vector.broadcast %max3A_33 : f32 to vector<2000x128xf32>
    %max3A_35 = arith.maximumf %add3A_32, %max3A_34 : vector<2000x128xf32>
    %swap3A = arith.constant 0 : index
    %swap3A_36 = arith.constant 0 : index
    %swap3A_37 = vector.load %arg9[%swap3A, %swap3A_36] : memref<2000x128xf32, #tpu.memory_space<vmem>>, vector<2000x128xf32>
    tpu.vector_store %arg9[%swap3A, %swap3A_36], %max3A_35 {strides = array<i32>} : memref<2000x128xf32, #tpu.memory_space<vmem>>, vector<2000x128xf32>,
    return
  }
  func.func @transform_0(%arg0: i32) -> (i32, i32) {
    %c0_i32 = arith.constant 0 : i32
    %c0_i32_0 = arith.constant 0 : i32
    return %arg0, %c0_i32 : i32, i32
  }
  func.func @transform_1(%arg0: i32) -> (i32, i32) {
    %c0_i32 = arith.constant 0 : i32
    %c0_i32_0 = arith.constant 0 : i32
    return %arg0, %c0_i32 : i32, i32
  }
  func.func @transform_2(%arg0: i32) -> (i32, i32) {
    %c0_i32 = arith.constant 0 : i32
    %c0_i32_0 = arith.constant 0 : i32
    return %arg0, %c0_i32 : i32, i32
  }
  func.func @transform_3(%arg0: i32) -> (i32, i32) {
    %c0_i32 = arith.constant 0 : i32
    %c0_i32_0 = arith.constant 0 : i32
    return %arg0, %c0_i32 : i32, i32
  }
  func.func @transform_4(%arg0: i32) -> (i32, i32) {
    %c0_i32 = arith.constant 0 : i32
    %c0_i32_0 = arith.constant 0 : i32
    %c0_i32_1 = arith.constant 0 : i32
    return %c0_i32, %c0_i32_0 : i32, i32
  }
  func.func @transform_5(%arg0: i32) -> (i32, i32) {
    %c0_i32 = arith.constant 0 : i32
    %c0_i32_0 = arith.constant 0 : i32
    %c0_i32_1 = arith.constant 0 : i32
    return %c0_i32, %c0_i32_0 : i32, i32
  }
  func.func @transform_6(%arg0: i32) -> (i32, i32) {
    %c0_i32 = arith.constant 0 : i32
    %c0_i32_0 = arith.constant 0 : i32
    %c0_i32_1 = arith.constant 0 : i32
    return %c0_i32, %c0_i32_0 : i32, i32
  }
  func.func @transform_7(%arg0: i32) -> (i32, i32) {
    %c0_i32 = arith.constant 0 : i32
    %c0_i32_0 = arith.constant 0 : i32
    %c0_i32_1 = arith.constant 0 : i32
    return %c0_i32, %c0_i32_0 : i32, i32
  }
  func.func @transform_8(%arg0: i32) -> (i32, i32) {
    %c0_i32 = arith.constant 0 : i32
    %c0_i32_0 = arith.constant 0 : i32
    return %arg0, %c0_i32 : i32, i32
  }
}

module attributes {stable_mosaic.version = 14 : i64} {
  func.func @_norm_body(%arg0: i32, %arg1: memref<2000x128xf32, #tpu.memory_space<vmem>>, %arg2: memref<1x128xf32, #tpu.memory_space<vmem>>, %arg3: memref<1x128xf32, #tpu.memory_space<vmem>>, %arg4: memref<1x128xf32, #tpu.memory_space<vmem>>, %arg5: memref<1x128xf32, #tpu.memory_space<vmem>>, %arg6: memref<2000x64xf32, #tpu.memory_space<vmem>>, %arg7: memref<2000x64xf32, #tpu.memory_space<vmem>>) attributes {dimension_semantics = [#tpu.dimension_semantics<arbitrary>], iteration_bounds = array<i64: 10>, scalar_prefetch = 0 : i64, scratch_operands = 0 : i64, tpu.core_type = #tpu.core_type<tc>, window_params = [{transform_indices = @transform_0, window_bounds = array<i64: 2000, 128>}, {pipeline_mode = #tpu.pipeline_mode<synchronous>, transform_indices = @transform_1, window_bounds = array<i64: 1, 128>}, {pipeline_mode = #tpu.pipeline_mode<synchronous>, transform_indices = @transform_2, window_bounds = array<i64: 1, 128>}, {pipeline_mode = #tpu.pipeline_mode<synchronous>, transform_indices = @transform_3, window_bounds = array<i64: 1, 128>}, {pipeline_mode = #tpu.pipeline_mode<synchronous>, transform_indices = @transform_4, window_bounds = array<i64: 1, 128>}, {transform_indices = @transform_5, window_bounds = array<i64: 2000, 64>}, {transform_indices = @transform_6, window_bounds = array<i64: 2000, 64>}]} {
    %get3A = arith.constant 0 : index
    %get3A_0 = arith.constant 0 : index
    %get3A_1 = vector.load %arg2[%get3A, %get3A_0] : memref<1x128xf32, #tpu.memory_space<vmem>>, vector<1x128xf32>
    %get3A_2 = arith.constant 0 : index
    %get3A_3 = arith.constant 0 : index
    %get3A_4 = vector.load %arg1[%get3A_2, %get3A_3] : memref<2000x128xf32, #tpu.memory_space<vmem>>, vector<2000x128xf32>
    %get3A_5 = arith.constant 0 : index
    %get3A_6 = arith.constant 0 : index
    %get3A_7 = vector.load %arg3[%get3A_5, %get3A_6] : memref<1x128xf32, #tpu.memory_space<vmem>>, vector<1x128xf32>
    %sub3A = vector.broadcast %get3A_7 : vector<1x128xf32> to vector<2000x128xf32>
    %sub3A_8 = arith.subf %get3A_4, %sub3A : vector<2000x128xf32>
    %mul3A = vector.broadcast %get3A_1 : vector<1x128xf32> to vector<2000x128xf32>
    %mul3A_9 = arith.mulf %mul3A, %sub3A_8 : vector<2000x128xf32>
    %get3A_10 = arith.constant 0 : index
    %get3A_11 = arith.constant 0 : index
    %get3A_12 = vector.load %arg4[%get3A_10, %get3A_11] : memref<1x128xf32, #tpu.memory_space<vmem>>, vector<1x128xf32>
    %div3A = vector.broadcast %get3A_12 : vector<1x128xf32> to vector<2000x128xf32>
    %div3A_13 = arith.divf %mul3A_9, %div3A : vector<2000x128xf32>
    %get3A_14 = arith.constant 0 : index
    %get3A_15 = arith.constant 0 : index
    %get3A_16 = vector.load %arg5[%get3A_14, %get3A_15] : memref<1x128xf32, #tpu.memory_space<vmem>>, vector<1x128xf32>
    %add3A = vector.broadcast %get3A_16 : vector<1x128xf32> to vector<2000x128xf32>
    %add3A_17 = arith.addf %div3A_13, %add3A : vector<2000x128xf32>
    %slice3A = vector.extract_strided_slice %add3A_17 {offsets = [0, 0], sizes = [2000, 64], strides = [1, 1]} : vector<2000x128xf32> to vector<2000x64xf32>
    %swap3A = arith.constant 0 : index
    %swap3A_18 = arith.constant 0 : index
    %swap3A_19 = vector.load %arg6[%swap3A, %swap3A_18] : memref<2000x64xf32, #tpu.memory_space<vmem>>, vector<2000x64xf32>
    tpu.vector_store %arg6[%swap3A, %swap3A_18], %slice3A {strides = array<i32>} : memref<2000x64xf32, #tpu.memory_space<vmem>>, vector<2000x64xf32>,
    %slice3A_20 = vector.extract_strided_slice %add3A_17 {offsets = [0, 64], sizes = [2000, 64], strides = [1, 1]} : vector<2000x128xf32> to vector<2000x64xf32>
    %swap3A_21 = arith.constant 0 : index
    %swap3A_22 = arith.constant 0 : index
    %swap3A_23 = vector.load %arg7[%swap3A_21, %swap3A_22] : memref<2000x64xf32, #tpu.memory_space<vmem>>, vector<2000x64xf32>
    tpu.vector_store %arg7[%swap3A_21, %swap3A_22], %slice3A_20 {strides = array<i32>} : memref<2000x64xf32, #tpu.memory_space<vmem>>, vector<2000x64xf32>,
    return
  }
  func.func @transform_0(%arg0: i32) -> (i32, i32) {
    %c0_i32 = arith.constant 0 : i32
    %c0_i32_0 = arith.constant 0 : i32
    return %arg0, %c0_i32 : i32, i32
  }
  func.func @transform_1(%arg0: i32) -> (i32, i32) {
    %c0_i32 = arith.constant 0 : i32
    %c0_i32_0 = arith.constant 0 : i32
    %c0_i32_1 = arith.constant 0 : i32
    return %c0_i32, %c0_i32_0 : i32, i32
  }
  func.func @transform_2(%arg0: i32) -> (i32, i32) {
    %c0_i32 = arith.constant 0 : i32
    %c0_i32_0 = arith.constant 0 : i32
    %c0_i32_1 = arith.constant 0 : i32
    return %c0_i32, %c0_i32_0 : i32, i32
  }
  func.func @transform_3(%arg0: i32) -> (i32, i32) {
    %c0_i32 = arith.constant 0 : i32
    %c0_i32_0 = arith.constant 0 : i32
    %c0_i32_1 = arith.constant 0 : i32
    return %c0_i32, %c0_i32_0 : i32, i32
  }
  func.func @transform_4(%arg0: i32) -> (i32, i32) {
    %c0_i32 = arith.constant 0 : i32
    %c0_i32_0 = arith.constant 0 : i32
    %c0_i32_1 = arith.constant 0 : i32
    return %c0_i32, %c0_i32_0 : i32, i32
  }
  func.func @transform_5(%arg0: i32) -> (i32, i32) {
    %c0_i32 = arith.constant 0 : i32
    %c0_i32_0 = arith.constant 0 : i32
    return %arg0, %c0_i32 : i32, i32
  }
  func.func @transform_6(%arg0: i32) -> (i32, i32) {
    %c0_i32 = arith.constant 0 : i32
    %c0_i32_0 = arith.constant 0 : i32
    return %arg0, %c0_i32 : i32, i32
  }
}

module attributes {stable_mosaic.version = 14 : i64} {
  func.func @_comb_neg_body(%arg0: i32, %arg1: memref<1000x64xf32, #tpu.memory_space<vmem>>, %arg2: memref<1000x64xf32, #tpu.memory_space<vmem>>, %arg3: memref<1000x64xf32, #tpu.memory_space<vmem>>, %arg4: memref<1000x64xf32, #tpu.memory_space<vmem>>, %arg5: memref<1000x64xf32, #tpu.memory_space<vmem>>, %arg6: memref<1000x64xf32, #tpu.memory_space<vmem>>, %arg7: memref<8x128xf32, #tpu.memory_space<vmem>>, %arg8: memref<1000x64xf32, #tpu.memory_space<vmem>>, %arg9: memref<64x128xf32, #tpu.memory_space<vmem>>) attributes {dimension_semantics = [#tpu.dimension_semantics<arbitrary>], iteration_bounds = array<i64: 10>, scalar_prefetch = 0 : i64, scratch_operands = 0 : i64, tpu.core_type = #tpu.core_type<tc>, window_params = [{transform_indices = @transform_0, window_bounds = array<i64: 1000, 64>}, {transform_indices = @transform_1, window_bounds = array<i64: 1000, 64>}, {transform_indices = @transform_2, window_bounds = array<i64: 1000, 64>}, {transform_indices = @transform_3, window_bounds = array<i64: 1000, 64>}, {transform_indices = @transform_4, window_bounds = array<i64: 1000, 64>}, {transform_indices = @transform_5, window_bounds = array<i64: 1000, 64>}, {pipeline_mode = #tpu.pipeline_mode<synchronous>, transform_indices = @transform_6, window_bounds = array<i64: 8, 128>}, {transform_indices = @transform_7, window_bounds = array<i64: 1000, 64>}, {pipeline_mode = #tpu.pipeline_mode<synchronous>, transform_indices = @transform_8, window_bounds = array<i64: 64, 128>}]} {
    %get3A = arith.constant 0 : index
    %get3A_0 = arith.constant 0 : index
    %get3A_1 = vector.load %arg7[%get3A, %get3A_0] : memref<8x128xf32, #tpu.memory_space<vmem>>, vector<8x128xf32>
    %get3A_2 = arith.constant 0 : index
    %get3A_3 = arith.constant 0 : index
    %get3A_4 = vector.load %arg1[%get3A_2, %get3A_3] : memref<1000x64xf32, #tpu.memory_space<vmem>>, vector<1000x64xf32>
    %get3A_5 = arith.constant 0 : index
    %get3A_6 = arith.constant 0 : index
    %get3A_7 = vector.load %arg2[%get3A_5, %get3A_6] : memref<1000x64xf32, #tpu.memory_space<vmem>>, vector<1000x64xf32>
    %concatenate3A = tpu.concatenate %get3A_4, %get3A_7 in 1 : vector<1000x64xf32>, vector<1000x64xf32> -> vector<1000x128xf32>
    %get3A_8 = arith.constant 0 : index
    %get3A_9 = arith.constant 0 : index
    %get3A_10 = vector.load %arg3[%get3A_8, %get3A_9] : memref<1000x64xf32, #tpu.memory_space<vmem>>, vector<1000x64xf32>
    %get3A_11 = arith.constant 0 : index
    %get3A_12 = arith.constant 0 : index
    %get3A_13 = vector.load %arg4[%get3A_11, %get3A_12] : memref<1000x64xf32, #tpu.memory_space<vmem>>, vector<1000x64xf32>
    %concatenate3A_14 = tpu.concatenate %get3A_10, %get3A_13 in 1 : vector<1000x64xf32>, vector<1000x64xf32> -> vector<1000x128xf32>
    %get3A_15 = arith.constant 0 : index
    %get3A_16 = arith.constant 0 : index
    %get3A_17 = vector.load %arg5[%get3A_15, %get3A_16] : memref<1000x64xf32, #tpu.memory_space<vmem>>, vector<1000x64xf32>
    %get3A_18 = arith.constant 0 : index
    %get3A_19 = arith.constant 0 : index
    %get3A_20 = vector.load %arg6[%get3A_18, %get3A_19] : memref<1000x64xf32, #tpu.memory_space<vmem>>, vector<1000x64xf32>
    %concatenate3A_21 = tpu.concatenate %get3A_17, %get3A_20 in 1 : vector<1000x64xf32>, vector<1000x64xf32> -> vector<1000x128xf32>
    %slice3A = vector.extract_strided_slice %get3A_1 {offsets = [0, 0], sizes = [1, 128], strides = [1, 1]} : vector<8x128xf32> to vector<1x128xf32>
    %mul3A = vector.broadcast %slice3A : vector<1x128xf32> to vector<1000x128xf32>
    %mul3A_22 = arith.mulf %concatenate3A, %mul3A : vector<1000x128xf32>
    %slice3A_23 = vector.extract_strided_slice %get3A_1 {offsets = [1, 0], sizes = [1, 128], strides = [1, 1]} : vector<8x128xf32> to vector<1x128xf32>
    %mul3A_24 = vector.broadcast %slice3A_23 : vector<1x128xf32> to vector<1000x128xf32>
    %mul3A_25 = arith.mulf %concatenate3A_14, %mul3A_24 : vector<1000x128xf32>
    %add3A = arith.addf %mul3A_22, %mul3A_25 : vector<1000x128xf32>
    %slice3A_26 = vector.extract_strided_slice %get3A_1 {offsets = [2, 0], sizes = [1, 128], strides = [1, 1]} : vector<8x128xf32> to vector<1x128xf32>
    %mul3A_27 = vector.broadcast %slice3A_26 : vector<1x128xf32> to vector<1000x128xf32>
    %mul3A_28 = arith.mulf %concatenate3A_21, %mul3A_27 : vector<1000x128xf32>
    %add3A_29 = arith.addf %add3A, %mul3A_28 : vector<1000x128xf32>
    %slice3A_30 = vector.extract_strided_slice %get3A_1 {offsets = [3, 0], sizes = [1, 128], strides = [1, 1]} : vector<8x128xf32> to vector<1x128xf32>
    %add3A_31 = vector.broadcast %slice3A_30 : vector<1x128xf32> to vector<1000x128xf32>
    %add3A_32 = arith.addf %add3A_29, %add3A_31 : vector<1000x128xf32>
    %get3A_33 = arith.constant 0 : index
    %get3A_34 = arith.constant 0 : index
    %get3A_35 = vector.load %arg8[%get3A_33, %get3A_34] : memref<1000x64xf32, #tpu.memory_space<vmem>>, vector<1000x64xf32>
    %dot_general3A = arith.constant dense<0.000000e+00> : vector<64x128xf32>
    %dot_general3A_36 = tpu.matmul %get3A_35, %add3A_32, %dot_general3A {dimension_numbers = #tpu.dot_dimension_numbers<[0], [0], [1], [1], [0, 1, 1, 1], [], []>, transpose_lhs_hint = false} : vector<1000x64xf32>, vector<1000x128xf32>, vector<64x128xf32> -> vector<64x128xf32>
    %eq3A = arith.constant 0 : i32
    %eq3A_37 = arith.cmpi eq, %arg0, %eq3A : i32
    %convert_element_type3A = arith.extui %eq3A_37 : i1 to i32
    %cond3A = arith.constant 0 : i32
    %cond3A_38 = arith.cmpi ne, %convert_element_type3A, %cond3A : i32
    scf.if %cond3A_38 {
      %broadcast_in_dim3A = arith.constant 0.000000e+00 : f32
      %broadcast_in_dim3A_45 = vector.broadcast %broadcast_in_dim3A : f32 to vector<64x128xf32>
      %swap3A_46 = arith.constant 0 : index
      %swap3A_47 = arith.constant 0 : index
      %swap3A_48 = vector.load %arg9[%swap3A_46, %swap3A_47] : memref<64x128xf32, #tpu.memory_space<vmem>>, vector<64x128xf32>
      tpu.vector_store %arg9[%swap3A_46, %swap3A_47], %broadcast_in_dim3A_45 {strides = array<i32>} : memref<64x128xf32, #tpu.memory_space<vmem>>, vector<64x128xf32>,
    } else {
    }
    %get3A_39 = arith.constant 0 : index
    %get3A_40 = arith.constant 0 : index
    %get3A_41 = vector.load %arg9[%get3A_39, %get3A_40] : memref<64x128xf32, #tpu.memory_space<vmem>>, vector<64x128xf32>
    %add3A_42 = arith.addf %get3A_41, %dot_general3A_36 : vector<64x128xf32>
    %swap3A = arith.constant 0 : index
    %swap3A_43 = arith.constant 0 : index
    %swap3A_44 = vector.load %arg9[%swap3A, %swap3A_43] : memref<64x128xf32, #tpu.memory_space<vmem>>, vector<64x128xf32>
    tpu.vector_store %arg9[%swap3A, %swap3A_43], %add3A_42 {strides = array<i32>} : memref<64x128xf32, #tpu.memory_space<vmem>>, vector<64x128xf32>,
    return
  }
  func.func @transform_0(%arg0: i32) -> (i32, i32) {
    %add3A = arith.constant 10 : i32
    %add3A_0 = arith.addi %arg0, %add3A : i32
    %c0_i32 = arith.constant 0 : i32
    %c0_i32_1 = arith.constant 0 : i32
    return %add3A_0, %c0_i32 : i32, i32
  }
  func.func @transform_1(%arg0: i32) -> (i32, i32) {
    %add3A = arith.constant 10 : i32
    %add3A_0 = arith.addi %arg0, %add3A : i32
    %c0_i32 = arith.constant 0 : i32
    %c0_i32_1 = arith.constant 0 : i32
    return %add3A_0, %c0_i32 : i32, i32
  }
  func.func @transform_2(%arg0: i32) -> (i32, i32) {
    %add3A = arith.constant 10 : i32
    %add3A_0 = arith.addi %arg0, %add3A : i32
    %c0_i32 = arith.constant 0 : i32
    %c0_i32_1 = arith.constant 0 : i32
    return %add3A_0, %c0_i32 : i32, i32
  }
  func.func @transform_3(%arg0: i32) -> (i32, i32) {
    %add3A = arith.constant 10 : i32
    %add3A_0 = arith.addi %arg0, %add3A : i32
    %c0_i32 = arith.constant 0 : i32
    %c0_i32_1 = arith.constant 0 : i32
    return %add3A_0, %c0_i32 : i32, i32
  }
  func.func @transform_4(%arg0: i32) -> (i32, i32) {
    %add3A = arith.constant 10 : i32
    %add3A_0 = arith.addi %arg0, %add3A : i32
    %c0_i32 = arith.constant 0 : i32
    %c0_i32_1 = arith.constant 0 : i32
    return %add3A_0, %c0_i32 : i32, i32
  }
  func.func @transform_5(%arg0: i32) -> (i32, i32) {
    %add3A = arith.constant 10 : i32
    %add3A_0 = arith.addi %arg0, %add3A : i32
    %c0_i32 = arith.constant 0 : i32
    %c0_i32_1 = arith.constant 0 : i32
    return %add3A_0, %c0_i32 : i32, i32
  }
  func.func @transform_6(%arg0: i32) -> (i32, i32) {
    %c0_i32 = arith.constant 0 : i32
    %c0_i32_0 = arith.constant 0 : i32
    %c0_i32_1 = arith.constant 0 : i32
    return %c0_i32, %c0_i32_0 : i32, i32
  }
  func.func @transform_7(%arg0: i32) -> (i32, i32) {
    %c0_i32 = arith.constant 0 : i32
    %c0_i32_0 = arith.constant 0 : i32
    return %arg0, %c0_i32 : i32, i32
  }
  func.func @transform_8(%arg0: i32) -> (i32, i32) {
    %c0_i32 = arith.constant 0 : i32
    %c0_i32_0 = arith.constant 0 : i32
    %c0_i32_1 = arith.constant 0 : i32
    return %c0_i32, %c0_i32_0 : i32, i32
  }
}

module attributes {stable_mosaic.version = 14 : i64} {
  func.func @_comb_pos_body(%arg0: i32, %arg1: memref<1000x64xf32, #tpu.memory_space<vmem>>, %arg2: memref<1000x64xf32, #tpu.memory_space<vmem>>, %arg3: memref<1000x64xf32, #tpu.memory_space<vmem>>, %arg4: memref<1000x64xf32, #tpu.memory_space<vmem>>, %arg5: memref<1000x64xf32, #tpu.memory_space<vmem>>, %arg6: memref<1000x64xf32, #tpu.memory_space<vmem>>, %arg7: memref<8x128xf32, #tpu.memory_space<vmem>>, %arg8: memref<128x8xf32, #tpu.memory_space<vmem>>, %arg9: memref<1x8xf32, #tpu.memory_space<vmem>>, %arg10: memref<1000x64xf32, #tpu.memory_space<vmem>>, %arg11: memref<1000x128xf32, #tpu.memory_space<vmem>>, %arg12: memref<64x128xf32, #tpu.memory_space<vmem>>, %arg13: memref<64x128xf32, #tpu.memory_space<vmem>>, %arg14: memref<1x8xf32, #tpu.memory_space<vmem>>) attributes {dimension_semantics = [#tpu.dimension_semantics<arbitrary>], iteration_bounds = array<i64: 10>, scalar_prefetch = 0 : i64, scratch_operands = 0 : i64, tpu.core_type = #tpu.core_type<tc>, window_params = [{transform_indices = @transform_0, window_bounds = array<i64: 1000, 64>}, {transform_indices = @transform_1, window_bounds = array<i64: 1000, 64>}, {transform_indices = @transform_2, window_bounds = array<i64: 1000, 64>}, {transform_indices = @transform_3, window_bounds = array<i64: 1000, 64>}, {transform_indices = @transform_4, window_bounds = array<i64: 1000, 64>}, {transform_indices = @transform_5, window_bounds = array<i64: 1000, 64>}, {pipeline_mode = #tpu.pipeline_mode<synchronous>, transform_indices = @transform_6, window_bounds = array<i64: 8, 128>}, {pipeline_mode = #tpu.pipeline_mode<synchronous>, transform_indices = @transform_7, window_bounds = array<i64: 128, 8>}, {pipeline_mode = #tpu.pipeline_mode<synchronous>, transform_indices = @transform_8, window_bounds = array<i64: 1, 8>}, {transform_indices = @transform_9, window_bounds = array<i64: 1000, 64>}, {transform_indices = @transform_10, window_bounds = array<i64: 1000, 128>}, {pipeline_mode = #tpu.pipeline_mode<synchronous>, transform_indices = @transform_11, window_bounds = array<i64: 64, 128>}, {pipeline_mode = #tpu.pipeline_mode<synchronous>, transform_indices = @transform_12, window_bounds = array<i64: 64, 128>}, {pipeline_mode = #tpu.pipeline_mode<synchronous>, transform_indices = @transform_13, window_bounds = array<i64: 1, 8>}]} {
    %get3A = arith.constant 0 : index
    %get3A_0 = arith.constant 0 : index
    %get3A_1 = vector.load %arg7[%get3A, %get3A_0] : memref<8x128xf32, #tpu.memory_space<vmem>>, vector<8x128xf32>
    %get3A_2 = arith.constant 0 : index
    %get3A_3 = arith.constant 0 : index
    %get3A_4 = vector.load %arg1[%get3A_2, %get3A_3] : memref<1000x64xf32, #tpu.memory_space<vmem>>, vector<1000x64xf32>
    %get3A_5 = arith.constant 0 : index
    %get3A_6 = arith.constant 0 : index
    %get3A_7 = vector.load %arg2[%get3A_5, %get3A_6] : memref<1000x64xf32, #tpu.memory_space<vmem>>, vector<1000x64xf32>
    %concatenate3A = tpu.concatenate %get3A_4, %get3A_7 in 1 : vector<1000x64xf32>, vector<1000x64xf32> -> vector<1000x128xf32>
    %get3A_8 = arith.constant 0 : index
    %get3A_9 = arith.constant 0 : index
    %get3A_10 = vector.load %arg3[%get3A_8, %get3A_9] : memref<1000x64xf32, #tpu.memory_space<vmem>>, vector<1000x64xf32>
    %get3A_11 = arith.constant 0 : index
    %get3A_12 = arith.constant 0 : index
    %get3A_13 = vector.load %arg4[%get3A_11, %get3A_12] : memref<1000x64xf32, #tpu.memory_space<vmem>>, vector<1000x64xf32>
    %concatenate3A_14 = tpu.concatenate %get3A_10, %get3A_13 in 1 : vector<1000x64xf32>, vector<1000x64xf32> -> vector<1000x128xf32>
    %get3A_15 = arith.constant 0 : index
    %get3A_16 = arith.constant 0 : index
    %get3A_17 = vector.load %arg5[%get3A_15, %get3A_16] : memref<1000x64xf32, #tpu.memory_space<vmem>>, vector<1000x64xf32>
    %get3A_18 = arith.constant 0 : index
    %get3A_19 = arith.constant 0 : index
    %get3A_20 = vector.load %arg6[%get3A_18, %get3A_19] : memref<1000x64xf32, #tpu.memory_space<vmem>>, vector<1000x64xf32>
    %concatenate3A_21 = tpu.concatenate %get3A_17, %get3A_20 in 1 : vector<1000x64xf32>, vector<1000x64xf32> -> vector<1000x128xf32>
    %slice3A = vector.extract_strided_slice %get3A_1 {offsets = [0, 0], sizes = [1, 128], strides = [1, 1]} : vector<8x128xf32> to vector<1x128xf32>
    %mul3A = vector.broadcast %slice3A : vector<1x128xf32> to vector<1000x128xf32>
    %mul3A_22 = arith.mulf %concatenate3A, %mul3A : vector<1000x128xf32>
    %slice3A_23 = vector.extract_strided_slice %get3A_1 {offsets = [1, 0], sizes = [1, 128], strides = [1, 1]} : vector<8x128xf32> to vector<1x128xf32>
    %mul3A_24 = vector.broadcast %slice3A_23 : vector<1x128xf32> to vector<1000x128xf32>
    %mul3A_25 = arith.mulf %concatenate3A_14, %mul3A_24 : vector<1000x128xf32>
    %add3A = arith.addf %mul3A_22, %mul3A_25 : vector<1000x128xf32>
    %slice3A_26 = vector.extract_strided_slice %get3A_1 {offsets = [2, 0], sizes = [1, 128], strides = [1, 1]} : vector<8x128xf32> to vector<1x128xf32>
    %mul3A_27 = vector.broadcast %slice3A_26 : vector<1x128xf32> to vector<1000x128xf32>
    %mul3A_28 = arith.mulf %concatenate3A_21, %mul3A_27 : vector<1000x128xf32>
    %add3A_29 = arith.addf %add3A, %mul3A_28 : vector<1000x128xf32>
    %slice3A_30 = vector.extract_strided_slice %get3A_1 {offsets = [3, 0], sizes = [1, 128], strides = [1, 1]} : vector<8x128xf32> to vector<1x128xf32>
    %add3A_31 = vector.broadcast %slice3A_30 : vector<1x128xf32> to vector<1000x128xf32>
    %add3A_32 = arith.addf %add3A_29, %add3A_31 : vector<1000x128xf32>
    %swap3A = arith.constant 0 : index
    %swap3A_33 = arith.constant 0 : index
    %swap3A_34 = vector.load %arg11[%swap3A, %swap3A_33] : memref<1000x128xf32, #tpu.memory_space<vmem>>, vector<1000x128xf32>
    tpu.vector_store %arg11[%swap3A, %swap3A_33], %add3A_32 {strides = array<i32>} : memref<1000x128xf32, #tpu.memory_space<vmem>>, vector<1000x128xf32>,
    %get3A_35 = arith.constant 0 : index
    %get3A_36 = arith.constant 0 : index
    %get3A_37 = vector.load %arg8[%get3A_35, %get3A_36] : memref<128x8xf32, #tpu.memory_space<vmem>>, vector<128x8xf32>
    %dot_general3A = arith.constant dense<0.000000e+00> : vector<1000x8xf32>
    %dot_general3A_38 = tpu.matmul %add3A_32, %get3A_37, %dot_general3A {dimension_numbers = #tpu.dot_dimension_numbers<[1], [0], [0], [1], [0, 0, 1, 1], [], []>, transpose_lhs_hint = false} : vector<1000x128xf32>, vector<128x8xf32>, vector<1000x8xf32> -> vector<1000x8xf32>
    %slice3A_39 = vector.extract_strided_slice %dot_general3A_38 {offsets = [0, 0], sizes = [1000, 4], strides = [1, 1]} : vector<1000x8xf32> to vector<1000x4xf32>
    %slice3A_40 = vector.extract_strided_slice %dot_general3A_38 {offsets = [0, 4], sizes = [1000, 4], strides = [1, 1]} : vector<1000x8xf32> to vector<1000x4xf32>
    %sub3A = arith.subf %slice3A_39, %slice3A_40 : vector<1000x4xf32>
    %ge3A = arith.constant 0.000000e+00 : f32
    %ge3A_41 = vector.broadcast %ge3A : f32 to vector<1000x4xf32>
    %ge3A_42 = arith.cmpf oge, %sub3A, %ge3A_41 : vector<1000x4xf32>
    %convert_element_type3A = arith.extui %ge3A_42 : vector<1000x4xi1> to vector<1000x4xi32>
    %convert_element_type3A_43 = arith.sitofp %convert_element_type3A : vector<1000x4xi32> to vector<1000x4xf32>
    %get3A_44 = arith.constant 0 : index
    %get3A_45 = arith.constant 0 : index
    %get3A_46 = vector.load %arg9[%get3A_44, %get3A_45] : memref<1x8xf32, #tpu.memory_space<vmem>>, vector<1x4xf32>
    %mul3A_47 = vector.broadcast %get3A_46 : vector<1x4xf32> to vector<1000x4xf32>
    %mul3A_48 = arith.mulf %convert_element_type3A_43, %mul3A_47 : vector<1000x4xf32>
    %reduce_sum3A = arith.constant dense<0.000000e+00> : vector<1000xf32>
    %reduce_sum3A_49 = vector.multi_reduction <add>, %mul3A_48, %reduce_sum3A [1] : vector<1000x4xf32> to vector<1000xf32>
    %broadcast_in_dim3A = vector.shape_cast %reduce_sum3A_49 : vector<1000xf32> to vector<1000x1xf32>
    %get3A_50 = arith.constant 0 : index
    %get3A_51 = arith.constant 0 : index
    %get3A_52 = vector.load %arg10[%get3A_50, %get3A_51] : memref<1000x64xf32, #tpu.memory_space<vmem>>, vector<1000x64xf32>
    %dot_general3A_53 = arith.constant dense<0.000000e+00> : vector<64x128xf32>
    %dot_general3A_54 = tpu.matmul %get3A_52, %add3A_32, %dot_general3A_53 {dimension_numbers = #tpu.dot_dimension_numbers<[0], [0], [1], [1], [0, 1, 1, 1], [], []>, transpose_lhs_hint = false} : vector<1000x64xf32>, vector<1000x128xf32>, vector<64x128xf32> -> vector<64x128xf32>
    %mul3A_55 = vector.broadcast %broadcast_in_dim3A : vector<1000x1xf32> to vector<1000x128xf32>
    %mul3A_56 = arith.mulf %add3A_32, %mul3A_55 : vector<1000x128xf32>
    %dot_general3A_57 = arith.constant dense<0.000000e+00> : vector<64x128xf32>
    %dot_general3A_58 = tpu.matmul %get3A_52, %mul3A_56, %dot_general3A_57 {dimension_numbers = #tpu.dot_dimension_numbers<[0], [0], [1], [1], [0, 1, 1, 1], [], []>, transpose_lhs_hint = false} : vector<1000x64xf32>, vector<1000x128xf32>, vector<64x128xf32> -> vector<64x128xf32>
    %eq3A = arith.constant 0 : i32
    %eq3A_59 = arith.cmpi eq, %arg0, %eq3A : i32
    %convert_element_type3A_60 = arith.extui %eq3A_59 : i1 to i32
    %cond3A = arith.constant 0 : i32
    %cond3A_61 = arith.cmpi ne, %convert_element_type3A_60, %cond3A : i32
    scf.if %cond3A_61 {
      %broadcast_in_dim3A_92 = arith.constant 0.000000e+00 : f32
      %broadcast_in_dim3A_93 = vector.broadcast %broadcast_in_dim3A_92 : f32 to vector<64x128xf32>
      %swap3A_94 = arith.constant 0 : index
      %swap3A_95 = arith.constant 0 : index
      %swap3A_96 = vector.load %arg12[%swap3A_94, %swap3A_95] : memref<64x128xf32, #tpu.memory_space<vmem>>, vector<64x128xf32>
      tpu.vector_store %arg12[%swap3A_94, %swap3A_95], %broadcast_in_dim3A_93 {strides = array<i32>} : memref<64x128xf32, #tpu.memory_space<vmem>>, vector<64x128xf32>,
      %broadcast_in_dim3A_97 = arith.constant 0.000000e+00 : f32
      %broadcast_in_dim3A_98 = vector.broadcast %broadcast_in_dim3A_97 : f32 to vector<64x128xf32>
      %swap3A_99 = arith.constant 0 : index
      %swap3A_100 = arith.constant 0 : index
      %swap3A_101 = vector.load %arg13[%swap3A_99, %swap3A_100] : memref<64x128xf32, #tpu.memory_space<vmem>>, vector<64x128xf32>
      tpu.vector_store %arg13[%swap3A_99, %swap3A_100], %broadcast_in_dim3A_98 {strides = array<i32>} : memref<64x128xf32, #tpu.memory_space<vmem>>, vector<64x128xf32>,
      %broadcast_in_dim3A_102 = arith.constant 0.000000e+00 : f32
      %broadcast_in_dim3A_103 = vector.broadcast %broadcast_in_dim3A_102 : f32 to vector<1x8xf32>
      %swap3A_104 = arith.constant 0 : index
      %swap3A_105 = arith.constant 0 : index
      %swap3A_106 = vector.load %arg14[%swap3A_104, %swap3A_105] : memref<1x8xf32, #tpu.memory_space<vmem>>, vector<1x8xf32>
      tpu.vector_store %arg14[%swap3A_104, %swap3A_105], %broadcast_in_dim3A_103 {strides = array<i32>} : memref<1x8xf32, #tpu.memory_space<vmem>>, vector<1x8xf32>,
    } else {
    }
    %get3A_62 = arith.constant 0 : index
    %get3A_63 = arith.constant 0 : index
    %get3A_64 = vector.load %arg12[%get3A_62, %get3A_63] : memref<64x128xf32, #tpu.memory_space<vmem>>, vector<64x128xf32>
    %add3A_65 = arith.addf %get3A_64, %dot_general3A_54 : vector<64x128xf32>
    %swap3A_66 = arith.constant 0 : index
    %swap3A_67 = arith.constant 0 : index
    %swap3A_68 = vector.load %arg12[%swap3A_66, %swap3A_67] : memref<64x128xf32, #tpu.memory_space<vmem>>, vector<64x128xf32>
    tpu.vector_store %arg12[%swap3A_66, %swap3A_67], %add3A_65 {strides = array<i32>} : memref<64x128xf32, #tpu.memory_space<vmem>>, vector<64x128xf32>,
    %get3A_69 = arith.constant 0 : index
    %get3A_70 = arith.constant 0 : index
    %get3A_71 = vector.load %arg13[%get3A_69, %get3A_70] : memref<64x128xf32, #tpu.memory_space<vmem>>, vector<64x128xf32>
    %add3A_72 = arith.addf %get3A_71, %dot_general3A_58 : vector<64x128xf32>
    %swap3A_73 = arith.constant 0 : index
    %swap3A_74 = arith.constant 0 : index
    %swap3A_75 = vector.load %arg13[%swap3A_73, %swap3A_74] : memref<64x128xf32, #tpu.memory_space<vmem>>, vector<64x128xf32>
    tpu.vector_store %arg13[%swap3A_73, %swap3A_74], %add3A_72 {strides = array<i32>} : memref<64x128xf32, #tpu.memory_space<vmem>>, vector<64x128xf32>,
    %abs3A = math.absf %sub3A : vector<1000x4xf32>
    %mul3A_76 = arith.constant 5.000000e-01 : f32
    %mul3A_77 = vector.broadcast %mul3A_76 : f32 to vector<1000x4xf32>
    %mul3A_78 = arith.mulf %abs3A, %mul3A_77 : vector<1000x4xf32>
    %tanh3A = math.tanh %mul3A_78 : vector<1000x4xf32>
    %reduce_sum3A_79 = arith.constant dense<0.000000e+00> : vector<4xf32>
    %reduce_sum3A_80 = vector.multi_reduction <add>, %tanh3A, %reduce_sum3A_79 [0] : vector<1000x4xf32> to vector<4xf32>
    %broadcast_in_dim3A_81 = vector.shape_cast %reduce_sum3A_80 : vector<4xf32> to vector<1x4xf32>
    %get3A_82 = arith.constant 0 : index
    %get3A_83 = arith.constant 0 : index
    %get3A_84 = vector.load %arg14[%get3A_82, %get3A_83] : memref<1x8xf32, #tpu.memory_space<vmem>>, vector<1x8xf32>
    %broadcast_in_dim3A_85 = arith.constant 0.000000e+00 : f32
    %broadcast_in_dim3A_86 = vector.broadcast %broadcast_in_dim3A_85 : f32 to vector<1x4xf32>
    %concatenate3A_87 = tpu.concatenate %broadcast_in_dim3A_81, %broadcast_in_dim3A_86 in 1 : vector<1x4xf32>, vector<1x4xf32> -> vector<1x8xf32>
    %add3A_88 = arith.addf %get3A_84, %concatenate3A_87 : vector<1x8xf32>
    %swap3A_89 = arith.constant 0 : index
    %swap3A_90 = arith.constant 0 : index
    %swap3A_91 = vector.load %arg14[%swap3A_89, %swap3A_90] : memref<1x8xf32, #tpu.memory_space<vmem>>, vector<1x8xf32>
    tpu.vector_store %arg14[%swap3A_89, %swap3A_90], %add3A_88 {strides = array<i32>} : memref<1x8xf32, #tpu.memory_space<vmem>>, vector<1x8xf32>,
    return
  }
  func.func @transform_0(%arg0: i32) -> (i32, i32) {
    %c0_i32 = arith.constant 0 : i32
    %c0_i32_0 = arith.constant 0 : i32
    return %arg0, %c0_i32 : i32, i32
  }
  func.func @transform_1(%arg0: i32) -> (i32, i32) {
    %c0_i32 = arith.constant 0 : i32
    %c0_i32_0 = arith.constant 0 : i32
    return %arg0, %c0_i32 : i32, i32
  }
  func.func @transform_2(%arg0: i32) -> (i32, i32) {
    %c0_i32 = arith.constant 0 : i32
    %c0_i32_0 = arith.constant 0 : i32
    return %arg0, %c0_i32 : i32, i32
  }
  func.func @transform_3(%arg0: i32) -> (i32, i32) {
    %c0_i32 = arith.constant 0 : i32
    %c0_i32_0 = arith.constant 0 : i32
    return %arg0, %c0_i32 : i32, i32
  }
  func.func @transform_4(%arg0: i32) -> (i32, i32) {
    %c0_i32 = arith.constant 0 : i32
    %c0_i32_0 = arith.constant 0 : i32
    return %arg0, %c0_i32 : i32, i32
  }
  func.func @transform_5(%arg0: i32) -> (i32, i32) {
    %c0_i32 = arith.constant 0 : i32
    %c0_i32_0 = arith.constant 0 : i32
    return %arg0, %c0_i32 : i32, i32
  }
  func.func @transform_6(%arg0: i32) -> (i32, i32) {
    %c0_i32 = arith.constant 0 : i32
    %c0_i32_0 = arith.constant 0 : i32
    %c0_i32_1 = arith.constant 0 : i32
    return %c0_i32, %c0_i32_0 : i32, i32
  }
  func.func @transform_7(%arg0: i32) -> (i32, i32) {
    %c0_i32 = arith.constant 0 : i32
    %c0_i32_0 = arith.constant 0 : i32
    %c0_i32_1 = arith.constant 0 : i32
    return %c0_i32, %c0_i32_0 : i32, i32
  }
  func.func @transform_8(%arg0: i32) -> (i32, i32) {
    %c0_i32 = arith.constant 0 : i32
    %c0_i32_0 = arith.constant 0 : i32
    %c0_i32_1 = arith.constant 0 : i32
    return %c0_i32, %c0_i32_0 : i32, i32
  }
  func.func @transform_9(%arg0: i32) -> (i32, i32) {
    %c0_i32 = arith.constant 0 : i32
    %c0_i32_0 = arith.constant 0 : i32
    return %arg0, %c0_i32 : i32, i32
  }
  func.func @transform_10(%arg0: i32) -> (i32, i32) {
    %c0_i32 = arith.constant 0 : i32
    %c0_i32_0 = arith.constant 0 : i32
    return %arg0, %c0_i32 : i32, i32
  }
  func.func @transform_11(%arg0: i32) -> (i32, i32) {
    %c0_i32 = arith.constant 0 : i32
    %c0_i32_0 = arith.constant 0 : i32
    %c0_i32_1 = arith.constant 0 : i32
    return %c0_i32, %c0_i32_0 : i32, i32
  }
  func.func @transform_12(%arg0: i32) -> (i32, i32) {
    %c0_i32 = arith.constant 0 : i32
    %c0_i32_0 = arith.constant 0 : i32
    %c0_i32_1 = arith.constant 0 : i32
    return %c0_i32, %c0_i32_0 : i32, i32
  }
  func.func @transform_13(%arg0: i32) -> (i32, i32) {
    %c0_i32 = arith.constant 0 : i32
    %c0_i32_0 = arith.constant 0 : i32
    %c0_i32_1 = arith.constant 0 : i32
    return %c0_i32, %c0_i32_0 : i32, i32
  }
}

module attributes {stable_mosaic.version = 14 : i64} {
  func.func @_nce_body(%arg0: i32, %arg1: memref<1000x128xf32, #tpu.memory_space<vmem>>, %arg2: memref<64x128xf32, #tpu.memory_space<vmem>>, %arg3: memref<1000x64xf32, #tpu.memory_space<vmem>>, %arg4: memref<64x64xf32, #tpu.memory_space<vmem>>) attributes {dimension_semantics = [#tpu.dimension_semantics<arbitrary>], iteration_bounds = array<i64: 10>, scalar_prefetch = 0 : i64, scratch_operands = 0 : i64, tpu.core_type = #tpu.core_type<tc>, window_params = [{transform_indices = @transform_0, window_bounds = array<i64: 1000, 128>}, {pipeline_mode = #tpu.pipeline_mode<synchronous>, transform_indices = @transform_1, window_bounds = array<i64: 64, 128>}, {transform_indices = @transform_2, window_bounds = array<i64: 1000, 64>}, {pipeline_mode = #tpu.pipeline_mode<synchronous>, transform_indices = @transform_3, window_bounds = array<i64: 64, 64>}]} {
    %get3A = arith.constant 0 : index
    %get3A_0 = arith.constant 0 : index
    %get3A_1 = vector.load %arg2[%get3A, %get3A_0] : memref<64x128xf32, #tpu.memory_space<vmem>>, vector<64x128xf32>
    %mul3A = arith.mulf %get3A_1, %get3A_1 : vector<64x128xf32>
    %reduce_sum3A = arith.constant dense<0.000000e+00> : vector<64xf32>
    %reduce_sum3A_2 = vector.multi_reduction <add>, %mul3A, %reduce_sum3A [1] : vector<64x128xf32> to vector<64xf32>
    %broadcast_in_dim3A = vector.shape_cast %reduce_sum3A_2 : vector<64xf32> to vector<64x1xf32>
    %sqrt3A = math.sqrt %broadcast_in_dim3A : vector<64x1xf32>
    %add3A = arith.constant 9.99999993E-9 : f32
    %add3A_3 = vector.broadcast %add3A : f32 to vector<64x1xf32>
    %add3A_4 = arith.addf %sqrt3A, %add3A_3 : vector<64x1xf32>
    %div3A = vector.broadcast %add3A_4 : vector<64x1xf32> to vector<64x128xf32>
    %div3A_5 = arith.divf %get3A_1, %div3A : vector<64x128xf32>
    %get3A_6 = arith.constant 0 : index
    %get3A_7 = arith.constant 0 : index
    %get3A_8 = vector.load %arg1[%get3A_6, %get3A_7] : memref<1000x128xf32, #tpu.memory_space<vmem>>, vector<1000x128xf32>
    %mul3A_9 = arith.mulf %get3A_8, %get3A_8 : vector<1000x128xf32>
    %reduce_sum3A_10 = arith.constant dense<0.000000e+00> : vector<1000xf32>
    %reduce_sum3A_11 = vector.multi_reduction <add>, %mul3A_9, %reduce_sum3A_10 [1] : vector<1000x128xf32> to vector<1000xf32>
    %broadcast_in_dim3A_12 = vector.shape_cast %reduce_sum3A_11 : vector<1000xf32> to vector<1000x1xf32>
    %sqrt3A_13 = math.sqrt %broadcast_in_dim3A_12 : vector<1000x1xf32>
    %add3A_14 = arith.constant 9.99999993E-9 : f32
    %add3A_15 = vector.broadcast %add3A_14 : f32 to vector<1000x1xf32>
    %add3A_16 = arith.addf %sqrt3A_13, %add3A_15 : vector<1000x1xf32>
    %div3A_17 = vector.broadcast %add3A_16 : vector<1000x1xf32> to vector<1000x128xf32>
    %div3A_18 = arith.divf %get3A_8, %div3A_17 : vector<1000x128xf32>
    %dot_general3A = arith.constant dense<0.000000e+00> : vector<1000x64xf32>
    %dot_general3A_19 = tpu.matmul %div3A_18, %div3A_5, %dot_general3A {dimension_numbers = #tpu.dot_dimension_numbers<[1], [1], [0], [0], [0, 0, 1, 0], [], []>, transpose_lhs_hint = false} : vector<1000x128xf32>, vector<64x128xf32>, vector<1000x64xf32> -> vector<1000x64xf32>
    %mul3A_20 = arith.constant 1.000000e+01 : f32
    %mul3A_21 = vector.broadcast %mul3A_20 : f32 to vector<1000x64xf32>
    %mul3A_22 = arith.mulf %dot_general3A_19, %mul3A_21 : vector<1000x64xf32>
    %reduce_max3A = arith.constant dense<0xFF800000> : vector<1000xf32>
    %reduce_max3A_23 = vector.multi_reduction <maximumf>, %mul3A_22, %reduce_max3A [1] : vector<1000x64xf32> to vector<1000xf32>
    %broadcast_in_dim3A_24 = vector.shape_cast %reduce_max3A_23 : vector<1000xf32> to vector<1000x1xf32>
    %slice3A = vector.extract_strided_slice %mul3A_22 {offsets = [0, 0], sizes = [1000, 1], strides = [1, 1]} : vector<1000x64xf32> to vector<1000x1xf32>
    %sub3A = arith.subf %slice3A, %broadcast_in_dim3A_24 : vector<1000x1xf32>
    %exp3A = math.exp %sub3A : vector<1000x1xf32>
    %sub3A_25 = vector.broadcast %broadcast_in_dim3A_24 : vector<1000x1xf32> to vector<1000x64xf32>
    %sub3A_26 = arith.subf %mul3A_22, %sub3A_25 : vector<1000x64xf32>
    %exp3A_27 = math.exp %sub3A_26 : vector<1000x64xf32>
    %reduce_sum3A_28 = arith.constant dense<0.000000e+00> : vector<1000xf32>
    %reduce_sum3A_29 = vector.multi_reduction <add>, %exp3A_27, %reduce_sum3A_28 [1] : vector<1000x64xf32> to vector<1000xf32>
    %broadcast_in_dim3A_30 = vector.shape_cast %reduce_sum3A_29 : vector<1000xf32> to vector<1000x1xf32>
    %add3A_31 = arith.addf %exp3A, %broadcast_in_dim3A_30 : vector<1000x1xf32>
    %log3A = math.log %add3A_31 : vector<1000x1xf32>
    %add3A_32 = arith.addf %broadcast_in_dim3A_24, %log3A : vector<1000x1xf32>
    %slice3A_33 = vector.extract_strided_slice %mul3A_22 {offsets = [0, 0], sizes = [1000, 1], strides = [1, 1]} : vector<1000x64xf32> to vector<1000x1xf32>
    %sub3A_34 = arith.subf %add3A_32, %slice3A_33 : vector<1000x1xf32>
    %broadcast_in_dim3A_35 = vector.shape_cast %sub3A_34 : vector<1000x1xf32> to vector<1000x1xf32>
    %broadcast_in_dim3A_36 = vector.broadcast %broadcast_in_dim3A_35 : vector<1000x1xf32> to vector<1000x64xf32>
    %get3A_37 = arith.constant 0 : index
    %get3A_38 = arith.constant 0 : index
    %get3A_39 = vector.load %arg3[%get3A_37, %get3A_38] : memref<1000x64xf32, #tpu.memory_space<vmem>>, vector<1000x64xf32>
    %dot_general3A_40 = arith.constant dense<0.000000e+00> : vector<64x64xf32>
    %dot_general3A_41 = tpu.matmul %get3A_39, %broadcast_in_dim3A_36, %dot_general3A_40 {dimension_numbers = #tpu.dot_dimension_numbers<[0], [0], [1], [1], [0, 1, 1, 1], [], []>, transpose_lhs_hint = false} : vector<1000x64xf32>, vector<1000x64xf32>, vector<64x64xf32> -> vector<64x64xf32>
    %eq3A = arith.constant 0 : i32
    %eq3A_42 = arith.cmpi eq, %arg0, %eq3A : i32
    %convert_element_type3A = arith.extui %eq3A_42 : i1 to i32
    %cond3A = arith.constant 0 : i32
    %cond3A_43 = arith.cmpi ne, %convert_element_type3A, %cond3A : i32
    scf.if %cond3A_43 {
      %broadcast_in_dim3A_50 = arith.constant 0.000000e+00 : f32
      %broadcast_in_dim3A_51 = vector.broadcast %broadcast_in_dim3A_50 : f32 to vector<64x64xf32>
      %swap3A_52 = arith.constant 0 : index
      %swap3A_53 = arith.constant 0 : index
      %swap3A_54 = vector.load %arg4[%swap3A_52, %swap3A_53] : memref<64x64xf32, #tpu.memory_space<vmem>>, vector<64x64xf32>
      tpu.vector_store %arg4[%swap3A_52, %swap3A_53], %broadcast_in_dim3A_51 {strides = array<i32>} : memref<64x64xf32, #tpu.memory_space<vmem>>, vector<64x64xf32>,
    } else {
    }
    %get3A_44 = arith.constant 0 : index
    %get3A_45 = arith.constant 0 : index
    %get3A_46 = vector.load %arg4[%get3A_44, %get3A_45] : memref<64x64xf32, #tpu.memory_space<vmem>>, vector<64x64xf32>
    %add3A_47 = arith.addf %get3A_46, %dot_general3A_41 : vector<64x64xf32>
    %swap3A = arith.constant 0 : index
    %swap3A_48 = arith.constant 0 : index
    %swap3A_49 = vector.load %arg4[%swap3A, %swap3A_48] : memref<64x64xf32, #tpu.memory_space<vmem>>, vector<64x64xf32>
    tpu.vector_store %arg4[%swap3A, %swap3A_48], %add3A_47 {strides = array<i32>} : memref<64x64xf32, #tpu.memory_space<vmem>>, vector<64x64xf32>,
    return
  }
  func.func @transform_0(%arg0: i32) -> (i32, i32) {
    %c0_i32 = arith.constant 0 : i32
    %c0_i32_0 = arith.constant 0 : i32
    return %arg0, %c0_i32 : i32, i32
  }
  func.func @transform_1(%arg0: i32) -> (i32, i32) {
    %c0_i32 = arith.constant 0 : i32
    %c0_i32_0 = arith.constant 0 : i32
    %c0_i32_1 = arith.constant 0 : i32
    return %c0_i32, %c0_i32_0 : i32, i32
  }
  func.func @transform_2(%arg0: i32) -> (i32, i32) {
    %c0_i32 = arith.constant 0 : i32
    %c0_i32_0 = arith.constant 0 : i32
    return %arg0, %c0_i32 : i32, i32
  }
  func.func @transform_3(%arg0: i32) -> (i32, i32) {
    %c0_i32 = arith.constant 0 : i32
    %c0_i32_0 = arith.constant 0 : i32
    %c0_i32_1 = arith.constant 0 : i32
    return %c0_i32, %c0_i32_0 : i32, i32
  }
}

</mosaic_0001>

<sc_bundles>
// kernel: kernel.16.cloned.1.call-start
scs
__scs_entry_jumppad:
0x0: {  	(pc) =	sbr.rel $0x88, $3  }
0x1: {  	(tag) =	ssettag $0x0;
	lr =	simm.s32 $0x1  }
0x2: {  	[smem:$0x3F83] =	sst lr;
	_ =	strace $0xD0000000  }
0x3: {  	_ = 	snop  }
0x4: {  	_ = 	snop  }
0x5: {  	_ = 	snop  }
0x6: {  	_ = 	snop  }
0x7: {  	_ = 	snop  }
__scs_overlays_trampoline_lowered:
0x8: {  	[smem:$0x3F92] =	sst s0  }
0x9: {  	[smem:$0x3F93] =	sst s1  }
0xa: {  	[smem:$0x3F94] =	sst s2  }
0xb: {  	[smem:$0x3F95] =	sst s3  }
0xc: {  	[smem:$0x3F96] =	sst s4  }
0xd: {  	[smem:$0x3F97] =	sst s5  }
0xe: {  	[smem:$0x3F98] =	sst s6  }
0xf: {  	[smem:$0x3F99] =	sst s7  }
0x10: {  	[smem:$0x3F9A] =	sst s8  }
0x11: {  	[smem:$0x3F9B] =	sst s9;
	s0 =	simm.s32 @!p0 $0x0  }
0x12: {  	s1 =	sld [smem:$0x3F81];
	s0 =	simm.s32 @p0 $0x1  }
0x13: {  	[smem:$0x3F9C] =	sst s0;
	s0 =	simm.s32 @!p1 $0x0  }
0x14: {  	s2 =	sld [smem:$0x3F80];
	s0 =	simm.s32 @p1 $0x1  }
0x15: {  	[smem:$0x3F9D] =	sst s0;
	s0 =	simm.s32 @!p2 $0x0  }
0x16: {  	s3 =	sld [smem:$0x3FDB];
	s0 =	simm.s32 @p2 $0x1  }
0x17: {  	s4 =	simm.s32 $0x1BF5;
	[smem:$0x3F9F] =	sst s0  }
0x18: {  	s0 =	sld [smem:$0x3F82];
	_ =	swait.ge [sflag:s4], $0x0  }
0x19: {  	s7 =	sld [smem:$0x3F83]  }
0x1a: {  	s8 =	sadd.s32 $0xFFFFE003, lr  }
0x1b: {  	s9 =	sadd.s32 $0xFFFFFEF7, lr;
	s5 =	simm.s32 $0xFFFFFFFF;
	p2 =	slt.u32 s8, $0xFFFFF086  }
0x1c: {  	p1 =	slt.u32 s9, $0xF7A;
	s5 =	simm.s32 @!p2 $0x0  }
0x1d: {  	s5 =	simm.s32 @p1 $0x1;
	p0 =	seq.s32 s7, s2  }
0x1e: {  	s7 =	smul.u32 @!p0 $0xF7A, s2;
	p2 =	seq.s32 @!p0 s5, $0x0  }
0x1f: {  	s9 =	smul.u32 $0xF7A, s1;
	s8 =	simm.s32 @!p0 $0x1BF5;
	p2 =	por !p2, p0  }
0x20: {  	[sflag:s8] =	ssyncset.s32 @!p0 $0xFFFFF086;
	s6 =	sadd.s32 @!p0 s3, s7;
	s7 =	simm.s32 @!p0 $0x108  }
0x21: {  	s3 =	sadd.s32 s3, s9;
	s6 =	sadd.s32 @!p0 $0x88, s6;
	s7 =	simm.s32 @p2 $0x1082  }
0x22: {  	[simem:s7], [sflag:s8] =	dma.local @!p0 [hbm:s6], $0xF7A  }
0x23: {  	s9 =	sor.u32 $0xD0000000, s2;
	s6 =	simm.s32 $0x108;
	_ =	swait.ge @!p0 [sflag:s8], $0x0  }
0x24: {  	s3 =	sadd.s32 $0x88, s3;
	s6 =	simm.s32 @!p1 $0x1082;
	[sflag:s4] =	ssyncset.s32 $0xFFFFF086  }
0x25: {  	[simem:s6], [sflag:s4] =	dma.local [hbm:s3], $0xF7A  }
0x26: {  	[smem:$0x3F83] =	sst s1;
	(tag) =	ssettag s2;
	_ =	strace s9  }
0x27: {  	s1 =	sld [smem:$0x3F93]  }
0x28: {  	s2 =	sld [smem:$0x3F94]  }
0x29: {  	s4 =	sld [smem:$0x3F96]  }
0x2a: {  	p0 =	seq.s32 s5, $0x0;
	s5 =	sld [smem:$0x3F97]  }
0x2b: {  	s6 =	sld [smem:$0x3F98]  }
0x2c: {  	s7 =	sld [smem:$0x3F99]  }
0x2d: {  	s3 =	simm.s32 $0x108;
	s8 =	sld [smem:$0x3F9A]  }
0x2e: {  	s3 =	simm.s32 @!p0 $0x1082;
	s9 =	sld [smem:$0x3F9B]  }
0x2f: {  	lr =	sadd.s32 s0, s3;
	s0 =	sld [smem:$0x3F92]  }
0x30: {  	s3 =	sld [smem:$0x3F95]  }
0x31: {  	[smem:$0x3F9E] =	sst s10  }
0x32: {  	s10 =	sld [smem:$0x3F9C];
	_ =	sdelay $0x3  }
0x33: {  	p0 =	seq.s32 s10, $0x1;
	s10 =	sld [smem:$0x3F9E];
	_ =	sdelay $0x3  }
0x34: {  	[smem:$0x3F9E] =	sst s10  }
0x35: {  	s10 =	sld [smem:$0x3F9D];
	_ =	sdelay $0x3  }
0x36: {  	p1 =	seq.s32 s10, $0x1;
	s10 =	sld [smem:$0x3F9E];
	_ =	sdelay $0x3  }
0x37: {  	[smem:$0x3F9E] =	sst s10  }
0x38: {  	s10 =	sld [smem:$0x3F9F]  }
0x39: {  	_ = 	snop;
	(pc) =	sbr.ind lr, $3  }
0x3a: {  	_ = 	snop  }
0x3b: {  	_ = 	snop  }
0x3c: {  	p2 =	seq.s32 s10, $0x1;
	s10 =	sld [smem:$0x3F9E]  }
0x3d: {  	_ =	shalt  }
0x3e: {  	_ =	shalt  }
0x3f: {  	_ =	shalt  }
0x40: {  	_ =	shalt  }
0x41: {  	_ =	shalt  }
0x42: {  	_ =	shalt  }
0x43: {  	_ =	shalt  }
0x44: {  	_ =	shalt  }
0x45: {  	_ =	shalt  }
0x46: {  	_ =	shalt  }
0x47: {  	_ =	shalt  }
0x48: {  	_ =	shalt  }
0x49: {  	_ =	shalt  }
0x4a: {  	_ =	shalt  }
0x4b: {  	_ =	shalt  }
0x4c: {  	_ =	shalt  }
0x4d: {  	_ =	shalt  }
0x4e: {  	_ =	shalt  }
0x4f: {  	_ =	shalt  }
0x50: {  	_ =	shalt  }
0x51: {  	_ =	shalt  }
0x52: {  	_ =	shalt  }
0x53: {  	_ =	shalt  }
0x54: {  	_ =	shalt  }
0x55: {  	_ =	shalt  }
0x56: {  	_ =	shalt  }
0x57: {  	_ =	shalt  }
0x58: {  	_ =	shalt  }
0x59: {  	_ =	shalt  }
0x5a: {  	_ =	shalt  }
0x5b: {  	_ =	shalt  }
0x5c: {  	_ =	shalt  }
0x5d: {  	_ =	shalt  }
0x5e: {  	_ =	shalt  }
0x5f: {  	_ =	shalt  }
0x60: {  	_ =	shalt  }
0x61: {  	_ =	shalt  }
0x62: {  	_ =	shalt  }
0x63: {  	_ =	shalt  }
0x64: {  	_ =	shalt  }
0x65: {  	_ =	shalt  }
0x66: {  	_ =	shalt  }
0x67: {  	_ =	shalt  }
0x68: {  	_ =	shalt  }
0x69: {  	_ =	shalt  }
0x6a: {  	_ =	shalt  }
0x6b: {  	_ =	shalt  }
0x6c: {  	_ =	shalt  }
0x6d: {  	_ =	shalt  }
0x6e: {  	_ =	shalt  }
0x6f: {  	_ =	shalt  }
0x70: {  	_ =	shalt  }
0x71: {  	_ =	shalt  }
0x72: {  	_ =	shalt  }
0x73: {  	_ =	shalt  }
0x74: {  	_ =	shalt  }
0x75: {  	_ =	shalt  }
0x76: {  	_ =	shalt  }
0x77: {  	_ =	shalt  }
0x78: {  	_ =	shalt  }
0x79: {  	_ =	shalt  }
0x7a: {  	_ =	shalt  }
0x7b: {  	_ =	shalt  }
0x7c: {  	_ =	shalt  }
0x7d: {  	_ =	shalt  }
0x7e: {  	_ =	shalt  }
0x7f: {  	_ =	shalt  }
0x80: {  	_ =	shalt  }
0x81: {  	_ =	shalt  }
0x82: {  	_ =	shalt  }
0x83: {  	_ =	shalt  }
0x84: {  	_ =	shalt  }
0x85: {  	_ =	shalt  }
0x86: {  	_ =	shalt  }
0x87: {  	_ =	shalt  }
.Lfunc_end0:
.L_simem_size_0:
called_computation.1_lowered:
.L_overlay_start_0:
0x88: {  	s2 =	sld [smem:$0x3FD9]  }
0x89: {  	s3 =	sld [smem:$0x3FFE];
	_ =	sdelay $0x1  }
0x8a: {  	s1 =	srdreg.scid  }
0x8b: {  	s0 =	sand.u32 $0x1, s1  }
0x8c: {  	s16 =	sshll.u32 s0, $0xA;
	s2 =	sadd.s32 s3, s2  }
0x8d: {  	s2 =	sadd.s32 s2, s16  }
0x8e: {  	[smem:$0x3FAA] =	sst s2  }
0x8f: {  	_ = 	snop  }
0x90: {  	(tm) =	ssettm $0x1  }
0x91: {  	s17 =	sld [smem:$0x3FFB];
	_ =	sdelay $0x3  }
0x92: {  	_ =	strace s17  }
0x93: {  	s2 =	sld [smem:$0x3FFC];
	_ =	sdelay $0x3  }
0x94: {  	_ =	strace s2  }
0x95: {  	s2 =	sld [smem:$0x3FFD];
	_ =	sdelay $0x3  }
0x96: {  	_ =	strace s2  }
0x97: {  	_ =	strace $0x8FFFFFFF  }
0x98: {  	s18 =	sld [smem:$0x3FDB];
	_ =	sdelay $0x1  }
0x99: {  	s19 =	simm.s32 $_scs_section_size  }
0x9a: {  	s4 =	simm.s32 $_size__tile_overlayer_lowered;
	s5 =	simm.s32 $_tile_overlayer_lowered  }
0x9b: {  	s22 =	simm.s32 $0x1BFF;
	s21 =	sshll.u32 s5, $0x1;
	s2 =	sadd.s32 s19, s18  }
0x9c: {  	s6 =	simm.s32 $0x0;
	s20 =	sshll.u32 s4, $0x1;
	s4 =	sadd.s32 s21, s2  }
0x9d: {  	[timem:s6], [sflag:s22] =	dma.local [hbm:s4], s20  }
0x9e: {  	_ =	swait.ge [sflag:s22], s20  }
0x9f: {  	s3 =	ssub.s32 $0x0, s20;
	[sflag:s22] =	ssyncset.done $0x0  }
0xa0: {  	[sflag:s22] =	ssyncadd.s32 s3;
	_ =	sdelay $0x1  }
0xa1: {  	s23 =	simm.s32 $0x1B8B  }
0xa2: {  	_ =	swait.ge [sflag:s23], $0x1  }
0xa3: {  	[sflag:s23] =	ssyncset.done $0x0  }
0xa4: {  	s25 =	simm.s32 $0x1B8E;
	s24 =	sld [smem:$0x3FFE];
	[sflag:s23] =	ssyncadd.s32 $0xFFFFFFFF  }
0xa5: {  	s26 =	simm.s32 $execute0_lowered;
	[smem:$0x3FD2] =	sst s25  }
0xa6: {  	s4 =	sshll.u32 s26, $0x1;
	_ =	strace $0x80000049;
	[dreg:$0x1] =	wrdreg $0xFFFFFFFF  }
0xa7: {  	s28 =	simm.s32 $_size_execute0_lowered;
	s2 =	sadd.s32 s2, s4;
	[dreg:$0x0] =	wrdreg $0x0  }
0xa8: {  	s4 =	sshll.u32 s28, $0x1;
	[dreg:$0x2] =	wrdreg s2  }
0xa9: {  	[dreg:$0x3] =	wrdreg s4  }
0xaa: {  	[dreg:$0x4] =	wrdreg $0xC0  }
0xab: {  	_ =	task [dreg:s6], $0x5FFFF  }
0xac: {  	[dreg:$0x1] =	wrdreg $0xFFFFFFFF  }
0xad: {  	[dreg:$0x0] =	wrdreg $0x60  }
0xae: {  	[dreg:$0x2] =	wrdreg s24  }
0xaf: {  	[dreg:$0x3] =	wrdreg $0x9  }
0xb0: {  	_ =	task.clear_ibuf [dreg:s6], $0x4FFFF;
	_ =	strace $0x90000049  }
0xb1: {  	s29 =	simm.s32 $0x9;
	_ =	strace $0x8000004B  }
0xb2: {  	_ =	swait.ge [sflag:s29], $0x1  }
0xb3: {  	[sflag:s29] =	ssyncadd.s32 $0xFFFFFFFF  }
0xb4: {  	_ =	strace $0x9000004B  }
0xb5: {  	_ =	sfence  }
0xb6: {  	s30 =	sld [smem:$0x0];
	_ =	sdelay $0x2  }
0xb7: {  	s31 =	sshll.u32 s1, $0xD;
	s1 =	sshrl.u32 s1, $0x2  }
0xb8: {  	s3 =	sand.u32 $0x4000, s31;
	s1 =	sadd.s32 s1, s30  }
0xb9: {  	s0 =	sor.u32 s3, s0;
	s1 =	sshll.u32 s1, $0x11  }
0xba: {  	s0 =	sor.u32 s1, s0  }
0xbb: {  	s0 =	sadd.s32 $0x8F2B, s0  }
0xbc: {  	[sflag:s0] =	ssyncadd.remote.s32 $0x1  }
0xbd: {  	_ =	sfence.sel $0xFFFF  }
0xbe: {  	[dreg:$0x0] =	wrdreg $0xFFFFFFFF;
	(pc) =	sbr.abs _section_cstart, $3  }
0xbf: {  	[dreg:$0x1] =	wrdreg $0xFFFFFFFF  }
0xc0: {  	_ =	task.clear_ibuf [dreg:s6], $0x2FFFF;
	_ =	strace $0x9FFFFFFF  }
0xc1: {  	(tm) =	ssettm $0x7FFFFFFF  }
tec
execute0_lowered:
.L_overlay_start_1:
0x0: {  	(tag) =	ssettag $0x1  }
0x1: {  	s8 =	rddreg [dreg:$0x0]  }
0x2: {  	s0 =	rddreg [dreg:$0x1];
	s2 =	simm.s32 $0x0;
	s1 =	stileid.u32  }
0x3: {  	s5 =	srdreg.scid;
	s7 =	simm.s32 $0x1;
	s4 =	smul.u32 $0x60, s1  }
0x4: {  	[smem:$0x7FF] =	sst s2;
	s17 =	sadd.s32 $0x1A600, s8;
	s19 =	sand.u32 $0x1, s5  }
0x5: {  	_ =	strace $0x8000004A;
	s5 =	sadd.s32 s17, s4;
	s4 =	simm.s32 $0x2  }
0x6: {  	[tilespmem:s2], [sflag:$0x2] =	stream.linear.gather [hbm4b:s5+s2], $0x80, $0x38;
	[tilespmem:$0x2080] =	vst v63  }
0x7: {  	s3 =	sadd.s32 $0x6C00, s8;
	s6 =	sadd.s32 $0x1B200, s8;
	_ =	swait.ge [sflag:s4], $0x80  }
0x8: {  	s18 =	sadd.s32 $0x2EC00, s8;
	p0 =	seq.s32 s19, $0x1;
	[sflag:s4] =	ssyncset.done $0x0  }
0x9: {  	s3 =	smov.u32 @p0 s6;
	s6 =	simm.s32 $0x80;
	[sflag:s4] =	ssyncadd.s32 $0xFFFFFF80  }
0xa: {  	[tilespmem:s6], [sflag:$0x1] =	stream.indirect.gather [hbm4b:s3+s6], $0x40, s2, s6, $0xb8;
	[tilespmem:$0x2080] =	vst v63  }
0xb: {  	s8 =	sadd.s32 $0x46C00, s8;
	s9 =	smul.u32 $0x1800, s1;
	_ =	swait.ge [sflag:s7], $0x2000  }
0xc: {  	s18 =	smov.u32 @p0 s8;
	[sflag:s7] =	ssyncset.done $0x0  }
0xd: {  	s20 =	smul.u32 $0x6, s1;
	s8 =	sadd.s32 s18, s9;
	[sflag:s7] =	ssyncadd.s32 $0xFFFFE000  }
0xe: {  	[hbm4b:s8+s2] =	stream.linear.scatter [tilespmem:s6], [sflag:$0x2], $0x2000, $0x38;
	[tilespmem:$0x2080] =	vst v63  }
0xf: {  	s10 =	sor.u32 $0x1, s20;
	_ =	swait.ge [sflag:s4], $0x2000  }
0x10: {  	s30 =	sshll.u32 s10, $0x4;
	[sflag:s4] =	ssyncset.done $0x0  }
0x11: {  	s9 =	sadd.s32 s17, s30;
	[sflag:s4] =	ssyncadd.s32 $0xFFFFE000  }
0x12: {  	[tilespmem:s2], [sflag:$0x2] =	stream.linear.gather [hbm4b:s9+s2], $0x80, $0x38;
	[tilespmem:$0x2080] =	vst v63  }
0x13: {  	_ =	swait.ge [sflag:s4], $0x80  }
0x14: {  	[sflag:s4] =	ssyncset.done $0x0  }
0x15: {  	[sflag:s4] =	ssyncadd.s32 $0xFFFFFF80  }
0x16: {  	[tilespmem:s6], [sflag:$0x1] =	stream.indirect.gather [hbm4b:s3+s6], $0x40, s2, s6, $0xb8;
	[tilespmem:$0x2080] =	vst v63  }
0x17: {  	_ =	swait.ge [sflag:s7], $0x2000  }
0x18: {  	s10 =	sshll.u32 s10, $0xA;
	[sflag:s7] =	ssyncset.done $0x0  }
0x19: {  	s10 =	sadd.s32 s18, s10;
	[sflag:s7] =	ssyncadd.s32 $0xFFFFE000  }
0x1a: {  	[hbm4b:s10+s2] =	stream.linear.scatter [tilespmem:s6], [sflag:$0x2], $0x2000, $0x38;
	[tilespmem:$0x2080] =	vst v63  }
0x1b: {  	s12 =	sadd.s32 $0x2, s20;
	_ =	swait.ge [sflag:s4], $0x2000  }
0x1c: {  	s11 =	sshll.u32 s12, $0x4;
	[sflag:s4] =	ssyncset.done $0x0  }
0x1d: {  	s11 =	sadd.s32 s17, s11;
	[sflag:s4] =	ssyncadd.s32 $0xFFFFE000  }
0x1e: {  	[tilespmem:s2], [sflag:$0x2] =	stream.linear.gather [hbm4b:s11+s2], $0x80, $0x38;
	[tilespmem:$0x2080] =	vst v63  }
0x1f: {  	_ =	swait.ge [sflag:s4], $0x80  }
0x20: {  	[sflag:s4] =	ssyncset.done $0x0  }
0x21: {  	[sflag:s4] =	ssyncadd.s32 $0xFFFFFF80  }
0x22: {  	[tilespmem:s6], [sflag:$0x1] =	stream.indirect.gather [hbm4b:s3+s6], $0x40, s2, s6, $0xb8;
	[tilespmem:$0x2080] =	vst v63  }
0x23: {  	_ =	swait.ge [sflag:s7], $0x2000  }
0x24: {  	s12 =	sshll.u32 s12, $0xA;
	[sflag:s7] =	ssyncset.done $0x0  }
0x25: {  	s12 =	sadd.s32 s18, s12;
	[sflag:s7] =	ssyncadd.s32 $0xFFFFE000  }
0x26: {  	[hbm4b:s12+s2] =	stream.linear.scatter [tilespmem:s6], [sflag:$0x2], $0x2000, $0x38;
	[tilespmem:$0x2080] =	vst v63  }
0x27: {  	s14 =	sadd.s32 $0x3, s20;
	_ =	swait.ge [sflag:s4], $0x2000  }
0x28: {  	s13 =	sshll.u32 s14, $0x4;
	[sflag:s4] =	ssyncset.done $0x0  }
0x29: {  	s13 =	sadd.s32 s17, s13;
	[sflag:s4] =	ssyncadd.s32 $0xFFFFE000  }
0x2a: {  	[tilespmem:s2], [sflag:$0x2] =	stream.linear.gather [hbm4b:s13+s2], $0x80, $0x38;
	[tilespmem:$0x2080] =	vst v63  }
0x2b: {  	_ =	swait.ge [sflag:s4], $0x80  }
0x2c: {  	[sflag:s4] =	ssyncset.done $0x0  }
0x2d: {  	[sflag:s4] =	ssyncadd.s32 $0xFFFFFF80  }
0x2e: {  	[tilespmem:s6], [sflag:$0x1] =	stream.indirect.gather [hbm4b:s3+s6], $0x40, s2, s6, $0xb8;
	[tilespmem:$0x2080] =	vst v63  }
0x2f: {  	_ =	swait.ge [sflag:s7], $0x2000  }
0x30: {  	s14 =	sshll.u32 s14, $0xA;
	[sflag:s7] =	ssyncset.done $0x0  }
0x31: {  	s14 =	sadd.s32 s18, s14;
	[sflag:s7] =	ssyncadd.s32 $0xFFFFE000  }
0x32: {  	[hbm4b:s14+s2] =	stream.linear.scatter [tilespmem:s6], [sflag:$0x2], $0x2000, $0x38;
	[tilespmem:$0x2080] =	vst v63  }
0x33: {  	s16 =	sadd.s32 $0x4, s20;
	_ =	swait.ge [sflag:s4], $0x2000  }
0x34: {  	s15 =	sshll.u32 s16, $0x4;
	[sflag:s4] =	ssyncset.done $0x0  }
0x35: {  	s15 =	sadd.s32 s17, s15;
	[sflag:s4] =	ssyncadd.s32 $0xFFFFE000  }
0x36: {  	[tilespmem:s2], [sflag:$0x2] =	stream.linear.gather [hbm4b:s15+s2], $0x80, $0x38;
	[tilespmem:$0x2080] =	vst v63  }
0x37: {  	_ =	swait.ge [sflag:s4], $0x80  }
0x38: {  	[sflag:s4] =	ssyncset.done $0x0  }
0x39: {  	[sflag:s4] =	ssyncadd.s32 $0xFFFFFF80  }
0x3a: {  	[tilespmem:s6], [sflag:$0x1] =	stream.indirect.gather [hbm4b:s3+s6], $0x40, s2, s6, $0xb8;
	[tilespmem:$0x2080] =	vst v63  }
0x3b: {  	_ =	swait.ge [sflag:s7], $0x2000  }
0x3c: {  	s16 =	sshll.u32 s16, $0xA;
	[sflag:s7] =	ssyncset.done $0x0  }
0x3d: {  	s16 =	sadd.s32 s18, s16;
	[sflag:s7] =	ssyncadd.s32 $0xFFFFE000  }
0x3e: {  	[hbm4b:s16+s2] =	stream.linear.scatter [tilespmem:s6], [sflag:$0x2], $0x2000, $0x38;
	[tilespmem:$0x2080] =	vst v63  }
0x3f: {  	s20 =	sadd.s32 $0x5, s20;
	_ =	swait.ge [sflag:s4], $0x2000  }
0x40: {  	s21 =	sshll.u32 s20, $0x4;
	[sflag:s4] =	ssyncset.done $0x0  }
0x41: {  	s19 =	ssub.s32 $0x2, s19;
	s17 =	sadd.s32 s17, s21;
	[sflag:s4] =	ssyncadd.s32 $0xFFFFE000  }
0x42: {  	[tilespmem:s2], [sflag:$0x2] =	stream.linear.gather [hbm4b:s17+s2], $0x80, $0x38;
	[tilespmem:$0x2080] =	vst v63  }
0x43: {  	s31 =	sshrl.u32 s19, $0x1;
	_ =	swait.ge [sflag:s4], $0x80  }
0x44: {  	s19 =	ssub.s32 s19, s31;
	[sflag:s4] =	ssyncset.done $0x0  }
0x45: {  	s19 =	smax.u32 s19, $0x1;
	[sflag:s4] =	ssyncadd.s32 $0xFFFFFF80  }
0x46: {  	[tilespmem:s6], [sflag:$0x1] =	stream.indirect.gather [hbm4b:s3+s6], $0x40, s2, s6, $0xb8;
	[tilespmem:$0x2080] =	vst v63  }
0x47: {  	p0 =	sne.s32 s19, $0x1;
	_ =	swait.ge [sflag:s7], $0x2000  }
.Ltmp0:
0x48: {  	s20 =	sshll.u32 s20, $0xA;
	[sflag:s7] =	ssyncset.done $0x0;
	(pc) =	sbr.rel @!p0 .LBB2_2-.Ltmp0, $4  }
0x49: {  	s18 =	sadd.s32 s18, s20;
	[sflag:s7] =	ssyncadd.s32 $0xFFFFE000  }
0x4a: {  	[hbm4b:s18+s2] =	stream.linear.scatter [tilespmem:s6], [sflag:$0x2], $0x2000, $0x38;
	[tilespmem:$0x2080] =	vst v63  }
0x4b: {  	_ =	swait.ge [sflag:s4], $0x2000  }
0x4c: {  	s19 =	sadd.s32 $0xFFFFFFFF, s19;
	[sflag:s4] =	ssyncset.done $0x0  }
.LBB2_1:
0x4d: {  	p0 =	sne.s32 s19, $0x1;
	s19 =	sadd.s32 $0xFFFFFFFF, s19;
	[sflag:s4] =	ssyncadd.s32 $0xFFFFE000  }
0x4e: {  	[tilespmem:s2], [sflag:$0x2] =	stream.linear.gather [hbm4b:s5+s2], $0x80, $0x38;
	[tilespmem:$0x2080] =	vst v63  }
0x4f: {  	_ =	swait.ge [sflag:s4], $0x80  }
0x50: {  	[sflag:s4] =	ssyncset.done $0x0  }
0x51: {  	[sflag:s4] =	ssyncadd.s32 $0xFFFFFF80  }
0x52: {  	[tilespmem:s6], [sflag:$0x1] =	stream.indirect.gather [hbm4b:s3+s6], $0x40, s2, s6, $0xb8;
	[tilespmem:$0x2080] =	vst v63  }
0x53: {  	_ =	swait.ge [sflag:s7], $0x2000  }
0x54: {  	[sflag:s7] =	ssyncset.done $0x0  }
0x55: {  	[sflag:s7] =	ssyncadd.s32 $0xFFFFE000  }
0x56: {  	[hbm4b:s8+s2] =	stream.linear.scatter [tilespmem:s6], [sflag:$0x2], $0x2000, $0x38;
	[tilespmem:$0x2080] =	vst v63  }
0x57: {  	_ =	swait.ge [sflag:s4], $0x2000  }
0x58: {  	[sflag:s4] =	ssyncset.done $0x0  }
0x59: {  	[sflag:s4] =	ssyncadd.s32 $0xFFFFE000  }
0x5a: {  	[tilespmem:s2], [sflag:$0x2] =	stream.linear.gather [hbm4b:s9+s2], $0x80, $0x38;
	[tilespmem:$0x2080] =	vst v63  }
0x5b: {  	_ =	swait.ge [sflag:s4], $0x80  }
0x5c: {  	[sflag:s4] =	ssyncset.done $0x0  }
0x5d: {  	[sflag:s4] =	ssyncadd.s32 $0xFFFFFF80  }
0x5e: {  	[tilespmem:s6], [sflag:$0x1] =	stream.indirect.gather [hbm4b:s3+s6], $0x40, s2, s6, $0xb8;
	[tilespmem:$0x2080] =	vst v63  }
0x5f: {  	_ =	swait.ge [sflag:s7], $0x2000  }
0x60: {  	[sflag:s7] =	ssyncset.done $0x0  }
0x61: {  	[sflag:s7] =	ssyncadd.s32 $0xFFFFE000  }
0x62: {  	[hbm4b:s10+s2] =	stream.linear.scatter [tilespmem:s6], [sflag:$0x2], $0x2000, $0x38;
	[tilespmem:$0x2080] =	vst v63  }
0x63: {  	_ =	swait.ge [sflag:s4], $0x2000  }
0x64: {  	[sflag:s4] =	ssyncset.done $0x0  }
0x65: {  	[sflag:s4] =	ssyncadd.s32 $0xFFFFE000  }
0x66: {  	[tilespmem:s2], [sflag:$0x2] =	stream.linear.gather [hbm4b:s11+s2], $0x80, $0x38;
	[tilespmem:$0x2080] =	vst v63  }
0x67: {  	_ =	swait.ge [sflag:s4], $0x80  }
0x68: {  	[sflag:s4] =	ssyncset.done $0x0  }
0x69: {  	[sflag:s4] =	ssyncadd.s32 $0xFFFFFF80  }
0x6a: {  	[tilespmem:s6], [sflag:$0x1] =	stream.indirect.gather [hbm4b:s3+s6], $0x40, s2, s6, $0xb8;
	[tilespmem:$0x2080] =	vst v63  }
0x6b: {  	_ =	swait.ge [sflag:s7], $0x2000  }
0x6c: {  	[sflag:s7] =	ssyncset.done $0x0  }
0x6d: {  	[sflag:s7] =	ssyncadd.s32 $0xFFFFE000  }
0x6e: {  	[hbm4b:s12+s2] =	stream.linear.scatter [tilespmem:s6], [sflag:$0x2], $0x2000, $0x38;
	[tilespmem:$0x2080] =	vst v63  }
0x6f: {  	_ =	swait.ge [sflag:s4], $0x2000  }
0x70: {  	[sflag:s4] =	ssyncset.done $0x0  }
0x71: {  	[sflag:s4] =	ssyncadd.s32 $0xFFFFE000  }
0x72: {  	[tilespmem:s2], [sflag:$0x2] =	stream.linear.gather [hbm4b:s13+s2], $0x80, $0x38;
	[tilespmem:$0x2080] =	vst v63  }
0x73: {  	_ =	swait.ge [sflag:s4], $0x80  }
0x74: {  	[sflag:s4] =	ssyncset.done $0x0  }
0x75: {  	[sflag:s4] =	ssyncadd.s32 $0xFFFFFF80  }
0x76: {  	[tilespmem:s6], [sflag:$0x1] =	stream.indirect.gather [hbm4b:s3+s6], $0x40, s2, s6, $0xb8;
	[tilespmem:$0x2080] =	vst v63  }
0x77: {  	_ =	swait.ge [sflag:s7], $0x2000  }
0x78: {  	[sflag:s7] =	ssyncset.done $0x0  }
0x79: {  	[sflag:s7] =	ssyncadd.s32 $0xFFFFE000  }
0x7a: {  	[hbm4b:s14+s2] =	stream.linear.scatter [tilespmem:s6], [sflag:$0x2], $0x2000, $0x38;
	[tilespmem:$0x2080] =	vst v63  }
0x7b: {  	_ =	swait.ge [sflag:s4], $0x2000  }
0x7c: {  	[sflag:s4] =	ssyncset.done $0x0  }
0x7d: {  	[sflag:s4] =	ssyncadd.s32 $0xFFFFE000  }
0x7e: {  	[tilespmem:s2], [sflag:$0x2] =	stream.linear.gather [hbm4b:s15+s2], $0x80, $0x38;
	[tilespmem:$0x2080] =	vst v63  }
0x7f: {  	_ =	swait.ge [sflag:s4], $0x80  }
0x80: {  	[sflag:s4] =	ssyncset.done $0x0  }
0x81: {  	[sflag:s4] =	ssyncadd.s32 $0xFFFFFF80  }
0x82: {  	[tilespmem:s6], [sflag:$0x1] =	stream.indirect.gather [hbm4b:s3+s6], $0x40, s2, s6, $0xb8;
	[tilespmem:$0x2080] =	vst v63  }
0x83: {  	_ =	swait.ge [sflag:s7], $0x2000  }
0x84: {  	[sflag:s7] =	ssyncset.done $0x0  }
0x85: {  	[sflag:s7] =	ssyncadd.s32 $0xFFFFE000  }
0x86: {  	[hbm4b:s16+s2] =	stream.linear.scatter [tilespmem:s6], [sflag:$0x2], $0x2000, $0x38;
	[tilespmem:$0x2080] =	vst v63  }
0x87: {  	_ =	swait.ge [sflag:s4], $0x2000  }
0x88: {  	[sflag:s4] =	ssyncset.done $0x0  }
0x89: {  	[sflag:s4] =	ssyncadd.s32 $0xFFFFE000  }
0x8a: {  	[tilespmem:s2], [sflag:$0x2] =	stream.linear.gather [hbm4b:s17+s2], $0x80, $0x38;
	[tilespmem:$0x2080] =	vst v63  }
0x8b: {  	_ =	swait.ge [sflag:s4], $0x80  }
0x8c: {  	[sflag:s4] =	ssyncset.done $0x0  }
0x8d: {  	[sflag:s4] =	ssyncadd.s32 $0xFFFFFF80  }
0x8e: {  	[tilespmem:s6], [sflag:$0x1] =	stream.indirect.gather [hbm4b:s3+s6], $0x40, s2, s6, $0xb8;
	[tilespmem:$0x2080] =	vst v63  }
0x8f: {  	_ =	swait.ge [sflag:s7], $0x2000  }
.Ltmp1:
0x90: {  	[sflag:s7] =	ssyncset.done $0x0;
	(pc) =	sbr.rel @p0 .LBB2_1-.Ltmp1, $4  }
0x91: {  	[sflag:s7] =	ssyncadd.s32 $0xFFFFE000  }
0x92: {  	[hbm4b:s18+s2] =	stream.linear.scatter [tilespmem:s6], [sflag:$0x2], $0x2000, $0x38;
	[tilespmem:$0x2080] =	vst v63  }
0x93: {  	_ =	swait.ge [sflag:s4], $0x2000  }
0x94: {  	[sflag:s4] =	ssyncset.done $0x0  }
.LBB2_2:
0x95: {  	[sflag:s4] =	ssyncadd.s32 $0xFFFFE000  }
0x96: {  	_ =	sfence.sel $0x180000  }
0x97: {  	[bflag:$0x0] =	sbarrier.arrive $0xFFFF  }
0x98: {  	p0 =	sne.s32 s1, $0x0;
	_ =	strace $0x9000004A  }
0x99: {  	s0 =	sadd.s32 @!p0 $0x100000, s0;
	[bflag:$0x2] =	sbarrier.arrive $0xFFFF  }
0x9a: {  	[sflag:s0] =	ssyncadd.tile.s32 @!p0 $0x1;
	_ =	shalt  }
.Lfunc_end2:
_tile_overlayer_lowered:
.L_overlay_start_2:
0x9b: {  	(tag) =	ssettag $0x2  }
0x9c: {  	s0 =	rddreg [dreg:$0x0];
	s2 =	stileid.u32  }
0x9d: {  	s1 =	rddreg [dreg:$0x1];
	p0 =	sne.s32 s2, $0x0  }
0x9e: {  	s3 =	rddreg [dreg:$0x2];
	[bflag:$0x3] =	sbarrier.arrive $0xFFFF;
	s2 =	simm.s32 @!p0 $0x1C02  }
0x9f: {  	[timem:s3], [sflag:s2] =	dma.local @!p0 [hbm:s0], s1  }
0xa0: {  	s0 =	simm.s32 @!p0 $0x2  }
0xa1: {  	_ =	swait.ge @!p0 [sflag:s0], s1  }
0xa2: {  	s1 =	ssub.s32 @!p0 $0x0, s1;
	[sflag:s0] =	ssyncset.done @!p0 $0x0  }
0xa3: {  	[sflag:s0] =	ssyncadd.s32 @!p0 s1  }
0xa4: {  	[bflag:$0x3] =	sbarrier.arrive $0xFFFF  }
0xa5: {  	_ =	shalt  }

// kernel: kernel.19.cloned.1.call-start
scs
__scs_entry_jumppad:
0x0: {  	(pc) =	sbr.rel $0x88, $3  }
0x1: {  	(tag) =	ssettag $0x0;
	lr =	simm.s32 $0x1  }
0x2: {  	[smem:$0x3F83] =	sst lr;
	_ =	strace $0xD0000000  }
0x3: {  	_ = 	snop  }
0x4: {  	_ = 	snop  }
0x5: {  	_ = 	snop  }
0x6: {  	_ = 	snop  }
0x7: {  	_ = 	snop  }
__scs_overlays_trampoline_lowered:
0x8: {  	[smem:$0x3F92] =	sst s0  }
0x9: {  	[smem:$0x3F93] =	sst s1  }
0xa: {  	[smem:$0x3F94] =	sst s2  }
0xb: {  	[smem:$0x3F95] =	sst s3  }
0xc: {  	[smem:$0x3F96] =	sst s4  }
0xd: {  	[smem:$0x3F97] =	sst s5  }
0xe: {  	[smem:$0x3F98] =	sst s6  }
0xf: {  	[smem:$0x3F99] =	sst s7  }
0x10: {  	[smem:$0x3F9A] =	sst s8  }
0x11: {  	[smem:$0x3F9B] =	sst s9;
	s0 =	simm.s32 @!p0 $0x0  }
0x12: {  	s1 =	sld [smem:$0x3F81];
	s0 =	simm.s32 @p0 $0x1  }
0x13: {  	[smem:$0x3F9C] =	sst s0;
	s0 =	simm.s32 @!p1 $0x0  }
0x14: {  	s2 =	sld [smem:$0x3F80];
	s0 =	simm.s32 @p1 $0x1  }
0x15: {  	[smem:$0x3F9D] =	sst s0;
	s0 =	simm.s32 @!p2 $0x0  }
0x16: {  	s3 =	sld [smem:$0x3FDB];
	s0 =	simm.s32 @p2 $0x1  }
0x17: {  	s4 =	simm.s32 $0x1BF5;
	[smem:$0x3F9F] =	sst s0  }
0x18: {  	s0 =	sld [smem:$0x3F82];
	_ =	swait.ge [sflag:s4], $0x0  }
0x19: {  	s7 =	sld [smem:$0x3F83]  }
0x1a: {  	s8 =	sadd.s32 $0xFFFFE003, lr  }
0x1b: {  	s9 =	sadd.s32 $0xFFFFFEF7, lr;
	s5 =	simm.s32 $0xFFFFFFFF;
	p2 =	slt.u32 s8, $0xFFFFF086  }
0x1c: {  	p1 =	slt.u32 s9, $0xF7A;
	s5 =	simm.s32 @!p2 $0x0  }
0x1d: {  	s5 =	simm.s32 @p1 $0x1;
	p0 =	seq.s32 s7, s2  }
0x1e: {  	s7 =	smul.u32 @!p0 $0xF7A, s2;
	p2 =	seq.s32 @!p0 s5, $0x0  }
0x1f: {  	s9 =	smul.u32 $0xF7A, s1;
	s8 =	simm.s32 @!p0 $0x1BF5;
	p2 =	por !p2, p0  }
0x20: {  	[sflag:s8] =	ssyncset.s32 @!p0 $0xFFFFF086;
	s6 =	sadd.s32 @!p0 s3, s7;
	s7 =	simm.s32 @!p0 $0x108  }
0x21: {  	s3 =	sadd.s32 s3, s9;
	s6 =	sadd.s32 @!p0 $0x88, s6;
	s7 =	simm.s32 @p2 $0x1082  }
0x22: {  	[simem:s7], [sflag:s8] =	dma.local @!p0 [hbm:s6], $0xF7A  }
0x23: {  	s9 =	sor.u32 $0xD0000000, s2;
	s6 =	simm.s32 $0x108;
	_ =	swait.ge @!p0 [sflag:s8], $0x0  }
0x24: {  	s3 =	sadd.s32 $0x88, s3;
	s6 =	simm.s32 @!p1 $0x1082;
	[sflag:s4] =	ssyncset.s32 $0xFFFFF086  }
0x25: {  	[simem:s6], [sflag:s4] =	dma.local [hbm:s3], $0xF7A  }
0x26: {  	[smem:$0x3F83] =	sst s1;
	(tag) =	ssettag s2;
	_ =	strace s9  }
0x27: {  	s1 =	sld [smem:$0x3F93]  }
0x28: {  	s2 =	sld [smem:$0x3F94]  }
0x29: {  	s4 =	sld [smem:$0x3F96]  }
0x2a: {  	p0 =	seq.s32 s5, $0x0;
	s5 =	sld [smem:$0x3F97]  }
0x2b: {  	s6 =	sld [smem:$0x3F98]  }
0x2c: {  	s7 =	sld [smem:$0x3F99]  }
0x2d: {  	s3 =	simm.s32 $0x108;
	s8 =	sld [smem:$0x3F9A]  }
0x2e: {  	s3 =	simm.s32 @!p0 $0x1082;
	s9 =	sld [smem:$0x3F9B]  }
0x2f: {  	lr =	sadd.s32 s0, s3;
	s0 =	sld [smem:$0x3F92]  }
0x30: {  	s3 =	sld [smem:$0x3F95]  }
0x31: {  	[smem:$0x3F9E] =	sst s10  }
0x32: {  	s10 =	sld [smem:$0x3F9C];
	_ =	sdelay $0x3  }
0x33: {  	p0 =	seq.s32 s10, $0x1;
	s10 =	sld [smem:$0x3F9E];
	_ =	sdelay $0x3  }
0x34: {  	[smem:$0x3F9E] =	sst s10  }
0x35: {  	s10 =	sld [smem:$0x3F9D];
	_ =	sdelay $0x3  }
0x36: {  	p1 =	seq.s32 s10, $0x1;
	s10 =	sld [smem:$0x3F9E];
	_ =	sdelay $0x3  }
0x37: {  	[smem:$0x3F9E] =	sst s10  }
0x38: {  	s10 =	sld [smem:$0x3F9F]  }
0x39: {  	_ = 	snop;
	(pc) =	sbr.ind lr, $3  }
0x3a: {  	_ = 	snop  }
0x3b: {  	_ = 	snop  }
0x3c: {  	p2 =	seq.s32 s10, $0x1;
	s10 =	sld [smem:$0x3F9E]  }
0x3d: {  	_ =	shalt  }
0x3e: {  	_ =	shalt  }
0x3f: {  	_ =	shalt  }
0x40: {  	_ =	shalt  }
0x41: {  	_ =	shalt  }
0x42: {  	_ =	shalt  }
0x43: {  	_ =	shalt  }
0x44: {  	_ =	shalt  }
0x45: {  	_ =	shalt  }
0x46: {  	_ =	shalt  }
0x47: {  	_ =	shalt  }
0x48: {  	_ =	shalt  }
0x49: {  	_ =	shalt  }
0x4a: {  	_ =	shalt  }
0x4b: {  	_ =	shalt  }
0x4c: {  	_ =	shalt  }
0x4d: {  	_ =	shalt  }
0x4e: {  	_ =	shalt  }
0x4f: {  	_ =	shalt  }
0x50: {  	_ =	shalt  }
0x51: {  	_ =	shalt  }
0x52: {  	_ =	shalt  }
0x53: {  	_ =	shalt  }
0x54: {  	_ =	shalt  }
0x55: {  	_ =	shalt  }
0x56: {  	_ =	shalt  }
0x57: {  	_ =	shalt  }
0x58: {  	_ =	shalt  }
0x59: {  	_ =	shalt  }
0x5a: {  	_ =	shalt  }
0x5b: {  	_ =	shalt  }
0x5c: {  	_ =	shalt  }
0x5d: {  	_ =	shalt  }
0x5e: {  	_ =	shalt  }
0x5f: {  	_ =	shalt  }
0x60: {  	_ =	shalt  }
0x61: {  	_ =	shalt  }
0x62: {  	_ =	shalt  }
0x63: {  	_ =	shalt  }
0x64: {  	_ =	shalt  }
0x65: {  	_ =	shalt  }
0x66: {  	_ =	shalt  }
0x67: {  	_ =	shalt  }
0x68: {  	_ =	shalt  }
0x69: {  	_ =	shalt  }
0x6a: {  	_ =	shalt  }
0x6b: {  	_ =	shalt  }
0x6c: {  	_ =	shalt  }
0x6d: {  	_ =	shalt  }
0x6e: {  	_ =	shalt  }
0x6f: {  	_ =	shalt  }
0x70: {  	_ =	shalt  }
0x71: {  	_ =	shalt  }
0x72: {  	_ =	shalt  }
0x73: {  	_ =	shalt  }
0x74: {  	_ =	shalt  }
0x75: {  	_ =	shalt  }
0x76: {  	_ =	shalt  }
0x77: {  	_ =	shalt  }
0x78: {  	_ =	shalt  }
0x79: {  	_ =	shalt  }
0x7a: {  	_ =	shalt  }
0x7b: {  	_ =	shalt  }
0x7c: {  	_ =	shalt  }
0x7d: {  	_ =	shalt  }
0x7e: {  	_ =	shalt  }
0x7f: {  	_ =	shalt  }
0x80: {  	_ =	shalt  }
0x81: {  	_ =	shalt  }
0x82: {  	_ =	shalt  }
0x83: {  	_ =	shalt  }
0x84: {  	_ =	shalt  }
0x85: {  	_ =	shalt  }
0x86: {  	_ =	shalt  }
0x87: {  	_ =	shalt  }
.Lfunc_end0:
.L_simem_size_0:
called_computation.2_lowered:
.L_overlay_start_0:
0x88: {  	s2 =	sld [smem:$0x3FD9]  }
0x89: {  	s3 =	sld [smem:$0x3FFE];
	_ =	sdelay $0x1  }
0x8a: {  	s1 =	srdreg.scid  }
0x8b: {  	s0 =	sand.u32 $0x1, s1  }
0x8c: {  	s16 =	sshll.u32 s0, $0xA;
	s2 =	sadd.s32 s3, s2  }
0x8d: {  	s2 =	sadd.s32 s2, s16  }
0x8e: {  	[smem:$0x3FAA] =	sst s2  }
0x8f: {  	_ = 	snop  }
0x90: {  	(tm) =	ssettm $0x1  }
0x91: {  	s17 =	sld [smem:$0x3FFB];
	_ =	sdelay $0x3  }
0x92: {  	_ =	strace s17  }
0x93: {  	s2 =	sld [smem:$0x3FFC];
	_ =	sdelay $0x3  }
0x94: {  	_ =	strace s2  }
0x95: {  	s2 =	sld [smem:$0x3FFD];
	_ =	sdelay $0x3  }
0x96: {  	_ =	strace s2  }
0x97: {  	_ =	strace $0x8FFFFFFF  }
0x98: {  	s18 =	sld [smem:$0x3FDB];
	_ =	sdelay $0x1  }
0x99: {  	s19 =	simm.s32 $_scs_section_size  }
0x9a: {  	s4 =	simm.s32 $_size__tile_overlayer_lowered;
	s5 =	simm.s32 $_tile_overlayer_lowered  }
0x9b: {  	s22 =	simm.s32 $0x1BFF;
	s21 =	sshll.u32 s5, $0x1;
	s2 =	sadd.s32 s19, s18  }
0x9c: {  	s6 =	simm.s32 $0x0;
	s20 =	sshll.u32 s4, $0x1;
	s4 =	sadd.s32 s21, s2  }
0x9d: {  	[timem:s6], [sflag:s22] =	dma.local [hbm:s4], s20  }
0x9e: {  	_ =	swait.ge [sflag:s22], s20  }
0x9f: {  	s3 =	ssub.s32 $0x0, s20;
	[sflag:s22] =	ssyncset.done $0x0  }
0xa0: {  	[sflag:s22] =	ssyncadd.s32 s3;
	_ =	sdelay $0x1  }
0xa1: {  	s23 =	simm.s32 $0x1B8B  }
0xa2: {  	_ =	swait.ge [sflag:s23], $0x1  }
0xa3: {  	[sflag:s23] =	ssyncset.done $0x0  }
0xa4: {  	s25 =	simm.s32 $0x1B8E;
	s24 =	sld [smem:$0x3FFE];
	[sflag:s23] =	ssyncadd.s32 $0xFFFFFFFF  }
0xa5: {  	s26 =	simm.s32 $execute0_lowered;
	[smem:$0x3FD2] =	sst s25  }
0xa6: {  	s4 =	sshll.u32 s26, $0x1;
	_ =	strace $0x8000004C;
	[dreg:$0x1] =	wrdreg $0xFFFFFFFF  }
0xa7: {  	s28 =	simm.s32 $_size_execute0_lowered;
	s2 =	sadd.s32 s2, s4;
	[dreg:$0x0] =	wrdreg $0x0  }
0xa8: {  	s4 =	sshll.u32 s28, $0x1;
	[dreg:$0x2] =	wrdreg s2  }
0xa9: {  	[dreg:$0x3] =	wrdreg s4  }
0xaa: {  	[dreg:$0x4] =	wrdreg $0xC0  }
0xab: {  	_ =	task [dreg:s6], $0x5FFFF  }
0xac: {  	[dreg:$0x1] =	wrdreg $0xFFFFFFFF  }
0xad: {  	[dreg:$0x0] =	wrdreg $0x60  }
0xae: {  	[dreg:$0x2] =	wrdreg s24  }
0xaf: {  	[dreg:$0x3] =	wrdreg $0x21000  }
0xb0: {  	[dreg:$0x4] =	wrdreg $0x9  }
0xb1: {  	_ =	task.clear_ibuf [dreg:s6], $0x5FFFF;
	_ =	strace $0x9000004C  }
0xb2: {  	s29 =	simm.s32 $0x9;
	_ =	strace $0x8000004E  }
0xb3: {  	_ =	swait.ge [sflag:s29], $0x1  }
0xb4: {  	[sflag:s29] =	ssyncadd.s32 $0xFFFFFFFF  }
0xb5: {  	_ =	strace $0x9000004E  }
0xb6: {  	_ =	sfence  }
0xb7: {  	s30 =	sld [smem:$0x0];
	_ =	sdelay $0x2  }
0xb8: {  	s31 =	sshll.u32 s1, $0xD;
	s1 =	sshrl.u32 s1, $0x2  }
0xb9: {  	s3 =	sand.u32 $0x4000, s31;
	s1 =	sadd.s32 s1, s30  }
0xba: {  	s0 =	sor.u32 s3, s0;
	s1 =	sshll.u32 s1, $0x11  }
0xbb: {  	s0 =	sor.u32 s1, s0  }
0xbc: {  	s0 =	sadd.s32 $0x8F2B, s0  }
0xbd: {  	[sflag:s0] =	ssyncadd.remote.s32 $0x1  }
0xbe: {  	_ =	sfence.sel $0xFFFF  }
0xbf: {  	[dreg:$0x0] =	wrdreg $0xFFFFFFFF;
	(pc) =	sbr.abs _section_cstart, $3  }
0xc0: {  	[dreg:$0x1] =	wrdreg $0xFFFFFFFF  }
0xc1: {  	_ =	task.clear_ibuf [dreg:s6], $0x2FFFF;
	_ =	strace $0x9FFFFFFF  }
0xc2: {  	(tm) =	ssettm $0x7FFFFFFF  }
0xc3: {  	_ =	shalt  }
tec
execute0_lowered:
.L_overlay_start_1:
0x0: {  	(tag) =	ssettag $0x1  }
0x1: {  	s8 =	rddreg [dreg:$0x0]  }
0x2: {  	s2 =	rddreg [dreg:$0x1]  }
0x3: {  	s0 =	rddreg [dreg:$0x2]  }
0x4: {  	s3 =	simm.s32 $0x0;
	s1 =	stileid.u32;
	s7 =	srdreg.scid  }
0x5: {  	s16 =	simm.s32 $0x80;
	s17 =	simm.s32 $0x100;
	s18 =	simm.s32 $0x1  }
0x6: {  	s20 =	simm.s32 $0x0;
	[smem:$0x7FF] =	sst s3;
	s6 =	smul.u32 $0x1400, s1  }
0x7: {  	s4 =	sadd.s32 $0x86C00, s8;
	s5 =	sadd.s32 $0xADE00, s8;
	s10 =	smul.u32 $0x4E800, s1  }
0x8: {  	s14 =	sand.u32 $0x1, s7;
	s7 =	sadd.s32 $0xD5000, s8;
	s12 =	smul.u32 $0x13880, s1  }
0x9: {  	s31 =	sshll.u32 s1, $0x6;
	_ =	strace $0x8000004D;
	s9 =	ssub.s32 $0x2, s14  }
0xa: {  	p0 =	sne.s32 s14, $0x0;
	s13 =	sadd.s32 s6, s8;
	s6 =	sadd.s32 $0x54E00, s8  }
.Ltmp0:
0xb: {  	s8 =	sadd.s32 $0xFC200, s8;
	s11 =	sshrl.u32 s9, $0x1;
	(pc) =	sbr.rel .LBB2_1-.Ltmp0, $4  }
0xc: {  	s30 =	sshrl.u32 s10, $0x2;
	s10 =	sshrl.u32 s12, $0x3;
	s19 =	sadd.s32 s12, s2  }
0xd: {  	s11 =	ssub.s32 s9, s11;
	s15 =	sadd.s32 s30, s2;
	s9 =	sor.u32 $0x1C02, s31  }
0xe: {  	s12 =	sadd.s32 $0x72C00, s13;
	s13 =	sadd.s32 $0x5EC00, s13;
	s19 =	sshrl.u32 s19, $0x3  }
0xf: {  	s11 =	smax.u32 s11, $0x1;
	s14 =	sshrl.u32 s15, $0x3;
	s15 =	simm.s32 $0x2  }
.LBB2_7:
0x10: {  	s22 =	sadd.s32 s21, s13;
	[sflag:s15] =	ssyncadd.s32 $0xFFFFE000  }
0x11: {  	[tilespmem:s3], [sflag:$0x2] =	stream.linear.gather [hbm4b:s22+s3], $0x80, $0x38;
	[tilespmem:$0x15B00] =	vst v63  }
0x12: {  	_ =	swait.ge [sflag:s15], $0x80  }
0x13: {  	[sflag:s15] =	ssyncset.done $0x0  }
0x14: {  	s31 =	sadd.s32 s21, s12;
	[sflag:s15] =	ssyncadd.s32 $0xFFFFFF80  }
0x15: {  	[tilespmem:s16], [sflag:$0x2] =	stream.linear.gather [hbm4b:s31+s3], $0x80, $0x38;
	[tilespmem:$0x15B00] =	vst v63  }
0x16: {  	_ =	swait.ge [sflag:s15], $0x80  }
0x17: {  	[sflag:s15] =	ssyncset.done $0x0  }
0x18: {  	[sflag:s15] =	ssyncadd.s32 $0xFFFFFF80  }
0x19: {  	[tilespmem:s17], [sflag:$0x1] =	stream.indirect.gather [hbm4b:s5+s16], $0x40, s3, s16, $0xb8;
	[tilespmem:$0x15B00] =	vst v63  }
0x1a: {  	_ =	swait.ge [sflag:s18], $0x2000  }
0x1b: {  	[sflag:s18] =	ssyncset.done $0x0  }
0x1c: {  	[sflag:s18] =	ssyncadd.s32 $0xFFFFE000  }
0x1d: {  	[spmem:s2] =	stream.indirect.scatter.add.f32 [tilespmem:s17], [sflag:$0x2], $0x40, s16, s16, $0xb8;
	[tilespmem:$0x15B00] =	vst v63  }
0x1e: {  	_ =	swait.ge [sflag:s15], $0x2000  }
0x1f: {  	[sflag:s15] =	ssyncset.done $0x0  }
0x20: {  	s21 =	smov.u32 s8;
	[sflag:s15] =	ssyncadd.s32 $0xFFFFE000  }
.LBB2_8:
0x21: {  	s20 =	sadd.s32 $0x1, s20  }
0x22: {  	p1 =	sne.s32 s20, s11  }
.Ltmp1:
0x23: {  	s21 =	sadd.s32 s21, s10;
	[bflag:$0x0] =	sbarrier.arrive $0xFFFF;
	(pc) =	sbr.rel @!p1 .LBB2_9-.Ltmp1, $4  }
0x24: {  	[hbm:s21], [sflag:s9] =	dma.local [spmem:s19], $0x2710  }
0x25: {  	_ =	swait.ge [sflag:s15], $0x2710  }
0x26: {  	[sflag:s15] =	ssyncset.done $0x0  }
0x27: {  	[sflag:s15] =	ssyncadd.s32 $0xFFFFD8F0  }
.LBB2_1:
0x28: {  	[spmem:s14], [sflag:s9] =	dma.local [hbm:s6], $0x2740  }
.Ltmp2:
0x29: {  	_ =	swait.ge [sflag:s15], $0x2740;
	(pc) =	sbr.rel @p0 .LBB2_5-.Ltmp2, $4  }
0x2a: {  	[sflag:s15] =	ssyncset.done $0x0  }
0x2b: {  	[sflag:s15] =	ssyncadd.s32 $0xFFFFD8C0  }
0x2c: {  	[bflag:$0x0] =	sbarrier.arrive $0xFFFF  }
0x2d: {  	s21 =	sadd.s32 $0x0, s13  }
0x2e: {  	[tilespmem:s3], [sflag:$0x2] =	stream.linear.gather [hbm4b:s21+s3], $0x80, $0x38;
	[tilespmem:$0x15B00] =	vst v63  }
0x2f: {  	_ =	swait.ge [sflag:s15], $0x80  }
0x30: {  	[sflag:s15] =	ssyncset.done $0x0  }
0x31: {  	s31 =	sadd.s32 $0x0, s12;
	[sflag:s15] =	ssyncadd.s32 $0xFFFFFF80  }
0x32: {  	[tilespmem:s16], [sflag:$0x2] =	stream.linear.gather [hbm4b:s31+s3], $0x80, $0x38;
	[tilespmem:$0x15B00] =	vst v63  }
0x33: {  	_ =	swait.ge [sflag:s15], $0x80  }
0x34: {  	[sflag:s15] =	ssyncset.done $0x0  }
0x35: {  	[sflag:s15] =	ssyncadd.s32 $0xFFFFFF80  }
0x36: {  	[tilespmem:s17], [sflag:$0x1] =	stream.indirect.gather [hbm4b:s4+s16], $0x40, s3, s16, $0xb8;
	[tilespmem:$0x15B00] =	vst v63  }
0x37: {  	_ =	swait.ge [sflag:s18], $0x2000  }
0x38: {  	[sflag:s18] =	ssyncset.done $0x0  }
0x39: {  	[sflag:s18] =	ssyncadd.s32 $0xFFFFE000  }
0x3a: {  	[spmem:s2] =	stream.indirect.scatter.add.f32 [tilespmem:s17], [sflag:$0x2], $0x40, s16, s16, $0xb8;
	[tilespmem:$0x15B00] =	vst v63  }
0x3b: {  	_ =	swait.ge [sflag:s15], $0x2000  }
0x3c: {  	s21 =	simm.s32 $0x10;
	s22 =	simm.s32 $0x20;
	[sflag:s15] =	ssyncset.done $0x0  }
.LBB2_3:
0x3d: {  	s23 =	sadd.s32 s21, s13  }
0x3e: {  	[sflag:s15] =	ssyncadd.s32 $0xFFFFE000;
	s24 =	smov.u32 s22;
	s25 =	sadd.s32 $0x10, s22  }
0x3f: {  	[tilespmem:s3], [sflag:$0x2] =	stream.linear.gather [hbm4b:s23+s3], $0x80, $0x38;
	[tilespmem:$0x15B00] =	vst v63  }
0x40: {  	p1 =	seq.s32 s22, $0x13F0;
	_ =	swait.ge [sflag:s15], $0x80  }
0x41: {  	[sflag:s15] =	ssyncset.done $0x0  }
0x42: {  	s22 =	sadd.s32 s21, s12;
	s21 =	smov.u32 s24;
	[sflag:s15] =	ssyncadd.s32 $0xFFFFFF80  }
0x43: {  	[tilespmem:s16], [sflag:$0x2] =	stream.linear.gather [hbm4b:s22+s3], $0x80, $0x38;
	[tilespmem:$0x15B00] =	vst v63  }
0x44: {  	_ =	swait.ge [sflag:s15], $0x80  }
0x45: {  	[sflag:s15] =	ssyncset.done $0x0  }
0x46: {  	[sflag:s15] =	ssyncadd.s32 $0xFFFFFF80  }
0x47: {  	[tilespmem:s17], [sflag:$0x1] =	stream.indirect.gather [hbm4b:s4+s16], $0x40, s3, s16, $0xb8;
	[tilespmem:$0x15B00] =	vst v63  }
0x48: {  	_ =	swait.ge [sflag:s18], $0x2000  }
.Ltmp3:
0x49: {  	[sflag:s18] =	ssyncset.done $0x0;
	(pc) =	sbr.rel @!p1 .LBB2_3-.Ltmp3, $4  }
0x4a: {  	[sflag:s18] =	ssyncadd.s32 $0xFFFFE000  }
0x4b: {  	[spmem:s2] =	stream.indirect.scatter.add.f32 [tilespmem:s17], [sflag:$0x2], $0x40, s16, s16, $0xb8;
	[tilespmem:$0x15B00] =	vst v63  }
0x4c: {  	_ =	swait.ge [sflag:s15], $0x2000  }
0x4d: {  	s22 =	smov.u32 s25;
	[sflag:s15] =	ssyncset.done $0x0  }
0x4e: {  	s22 =	sadd.s32 s21, s13;
	[sflag:s15] =	ssyncadd.s32 $0xFFFFE000  }
0x4f: {  	[tilespmem:s3], [sflag:$0x2] =	stream.linear.gather [hbm4b:s22+s3], $0x80, $0x38;
	[tilespmem:$0x15B00] =	vst v63  }
0x50: {  	_ =	swait.ge [sflag:s15], $0x80  }
0x51: {  	[sflag:s15] =	ssyncset.done $0x0  }
0x52: {  	s31 =	sadd.s32 s21, s12;
	[sflag:s15] =	ssyncadd.s32 $0xFFFFFF80  }
0x53: {  	[tilespmem:s16], [sflag:$0x2] =	stream.linear.gather [hbm4b:s31+s3], $0x80, $0x38;
	[tilespmem:$0x15B00] =	vst v63  }
0x54: {  	_ =	swait.ge [sflag:s15], $0x80  }
0x55: {  	[sflag:s15] =	ssyncset.done $0x0  }
0x56: {  	[sflag:s15] =	ssyncadd.s32 $0xFFFFFF80  }
0x57: {  	[tilespmem:s17], [sflag:$0x1] =	stream.indirect.gather [hbm4b:s4+s16], $0x40, s3, s16, $0xb8;
	[tilespmem:$0x15B00] =	vst v63  }
0x58: {  	_ =	swait.ge [sflag:s18], $0x2000  }
0x59: {  	[sflag:s18] =	ssyncset.done $0x0  }
.Ltmp4:
0x5a: {  	[sflag:s18] =	ssyncadd.s32 $0xFFFFE000;
	(pc) =	sbr.rel .LBB2_8-.Ltmp4, $4  }
0x5b: {  	[spmem:s2] =	stream.indirect.scatter.add.f32 [tilespmem:s17], [sflag:$0x2], $0x40, s16, s16, $0xb8;
	[tilespmem:$0x15B00] =	vst v63  }
0x5c: {  	_ =	swait.ge [sflag:s15], $0x2000  }
0x5d: {  	[sflag:s15] =	ssyncset.done $0x0  }
0x5e: {  	s21 =	smov.u32 s7;
	[sflag:s15] =	ssyncadd.s32 $0xFFFFE000  }
.LBB2_5:
0x5f: {  	[tilespmem:s3], [sflag:$0x2] =	stream.linear.gather [hbm4b:s21+s3], $0x80, $0x38;
	[tilespmem:$0x15B00] =	vst v63  }
0x60: {  	_ =	swait.ge [sflag:s15], $0x80  }
0x61: {  	[sflag:s15] =	ssyncset.done $0x0  }
0x62: {  	s31 =	sadd.s32 $0x0, s12;
	[sflag:s15] =	ssyncadd.s32 $0xFFFFFF80  }
0x63: {  	[tilespmem:s16], [sflag:$0x2] =	stream.linear.gather [hbm4b:s31+s3], $0x80, $0x38;
	[tilespmem:$0x15B00] =	vst v63  }
0x64: {  	_ =	swait.ge [sflag:s15], $0x80  }
0x65: {  	[sflag:s15] =	ssyncset.done $0x0  }
0x66: {  	[sflag:s15] =	ssyncadd.s32 $0xFFFFFF80  }
0x67: {  	[tilespmem:s17], [sflag:$0x1] =	stream.indirect.gather [hbm4b:s5+s16], $0x40, s3, s16, $0xb8;
	[tilespmem:$0x15B00] =	vst v63  }
0x68: {  	_ =	swait.ge [sflag:s18], $0x2000  }
0x69: {  	[sflag:s18] =	ssyncset.done $0x0  }
0x6a: {  	[sflag:s18] =	ssyncadd.s32 $0xFFFFE000  }
0x6b: {  	[spmem:s2] =	stream.indirect.scatter.add.f32 [tilespmem:s17], [sflag:$0x2], $0x40, s16, s16, $0xb8;
	[tilespmem:$0x15B00] =	vst v63  }
0x6c: {  	_ =	swait.ge [sflag:s15], $0x2000  }
0x6d: {  	s21 =	simm.s32 $0x10;
	s22 =	simm.s32 $0x20;
	[sflag:s15] =	ssyncset.done $0x0  }
.LBB2_6:
0x6e: {  	s23 =	sadd.s32 s21, s13  }
0x6f: {  	[sflag:s15] =	ssyncadd.s32 $0xFFFFE000;
	s24 =	smov.u32 s22;
	s25 =	sadd.s32 $0x10, s22  }
0x70: {  	[tilespmem:s3], [sflag:$0x2] =	stream.linear.gather [hbm4b:s23+s3], $0x80, $0x38;
	[tilespmem:$0x15B00] =	vst v63  }
0x71: {  	p1 =	sne.s32 s22, $0x13F0;
	_ =	swait.ge [sflag:s15], $0x80  }
0x72: {  	[sflag:s15] =	ssyncset.done $0x0  }
0x73: {  	s22 =	sadd.s32 s21, s12;
	s21 =	smov.u32 s24;
	[sflag:s15] =	ssyncadd.s32 $0xFFFFFF80  }
0x74: {  	[tilespmem:s16], [sflag:$0x2] =	stream.linear.gather [hbm4b:s22+s3], $0x80, $0x38;
	[tilespmem:$0x15B00] =	vst v63  }
0x75: {  	_ =	swait.ge [sflag:s15], $0x80  }
0x76: {  	[sflag:s15] =	ssyncset.done $0x0  }
0x77: {  	[sflag:s15] =	ssyncadd.s32 $0xFFFFFF80  }
0x78: {  	[tilespmem:s17], [sflag:$0x1] =	stream.indirect.gather [hbm4b:s5+s16], $0x40, s3, s16, $0xb8;
	[tilespmem:$0x15B00] =	vst v63  }
0x79: {  	_ =	swait.ge [sflag:s18], $0x2000  }
.Ltmp5:
0x7a: {  	[sflag:s18] =	ssyncset.done $0x0;
	(pc) =	sbr.rel @p1 .LBB2_6-.Ltmp5, $4  }
0x7b: {  	[sflag:s18] =	ssyncadd.s32 $0xFFFFE000  }
0x7c: {  	[spmem:s2] =	stream.indirect.scatter.add.f32 [tilespmem:s17], [sflag:$0x2], $0x40, s16, s16, $0xb8;
	[tilespmem:$0x15B00] =	vst v63  }
0x7d: {  	_ =	swait.ge [sflag:s15], $0x2000  }
0x7e: {  	s22 =	smov.u32 s25;
	[sflag:s15] =	ssyncset.done $0x0  }
.Ltmp6:
0x7f: {  	_ = 	snop;
	(pc) =	sbr.rel .LBB2_7-.Ltmp6, $1  }
0x80: {  	_ =	sdelay $0x3  }
.LBB2_9:
0x81: {  	_ =	sfence.sel $0x180000  }
0x82: {  	[bflag:$0x0] =	sbarrier.arrive $0xFFFF  }
0x83: {  	p0 =	sne.s32 s1, $0x0;
	_ =	strace $0x9000004D  }
0x84: {  	s0 =	sadd.s32 @!p0 $0x100000, s0;
	[bflag:$0x2] =	sbarrier.arrive $0xFFFF  }
0x85: {  	[sflag:s0] =	ssyncadd.tile.s32 @!p0 $0x1;
	_ =	shalt  }
.Lfunc_end2:
_tile_overlayer_lowered:
.L_overlay_start_2:
0x86: {  	(tag) =	ssettag $0x2  }
0x87: {  	s0 =	rddreg [dreg:$0x0];
	s2 =	stileid.u32  }
0x88: {  	s1 =	rddreg [dreg:$0x1];
	p0 =	sne.s32 s2, $0x0  }
0x89: {  	s3 =	rddreg [dreg:$0x2];
	[bflag:$0x3] =	sbarrier.arrive $0xFFFF;
	s2 =	simm.s32 @!p0 $0x1C02  }
0x8a: {  	[timem:s3], [sflag:s2] =	dma.local @!p0 [hbm:s0], s1  }
0x8b: {  	s0 =	simm.s32 @!p0 $0x2  }
0x8c: {  	_ =	swait.ge @!p0 [sflag:s0], s1  }
0x8d: {  	s1 =	ssub.s32 @!p0 $0x0, s1;
	[sflag:s0] =	ssyncset.done @!p0 $0x0  }
0x8e: {  	[sflag:s0] =	ssyncadd.s32 @!p0 s1  }
0x8f: {  	[bflag:$0x3] =	sbarrier.arrive $0xFFFF  }
0x90: {  	_ =	shalt  }

// kernel: kernel.22.cloned.1.call-start
scs
__scs_entry_jumppad:
0x0: {  	(pc) =	sbr.rel $0x88, $3  }
0x1: {  	(tag) =	ssettag $0x0;
	lr =	simm.s32 $0x1  }
0x2: {  	[smem:$0x3F83] =	sst lr;
	_ =	strace $0xD0000000  }
0x3: {  	_ = 	snop  }
0x4: {  	_ = 	snop  }
0x5: {  	_ = 	snop  }
0x6: {  	_ = 	snop  }
0x7: {  	_ = 	snop  }
__scs_overlays_trampoline_lowered:
0x8: {  	[smem:$0x3F92] =	sst s0  }
0x9: {  	[smem:$0x3F93] =	sst s1  }
0xa: {  	[smem:$0x3F94] =	sst s2  }
0xb: {  	[smem:$0x3F95] =	sst s3  }
0xc: {  	[smem:$0x3F96] =	sst s4  }
0xd: {  	[smem:$0x3F97] =	sst s5  }
0xe: {  	[smem:$0x3F98] =	sst s6  }
0xf: {  	[smem:$0x3F99] =	sst s7  }
0x10: {  	[smem:$0x3F9A] =	sst s8  }
0x11: {  	[smem:$0x3F9B] =	sst s9;
	s0 =	simm.s32 @!p0 $0x0  }
0x12: {  	s1 =	sld [smem:$0x3F81];
	s0 =	simm.s32 @p0 $0x1  }
0x13: {  	[smem:$0x3F9C] =	sst s0;
	s0 =	simm.s32 @!p1 $0x0  }
0x14: {  	s2 =	sld [smem:$0x3F80];
	s0 =	simm.s32 @p1 $0x1  }
0x15: {  	[smem:$0x3F9D] =	sst s0;
	s0 =	simm.s32 @!p2 $0x0  }
0x16: {  	s3 =	sld [smem:$0x3FDB];
	s0 =	simm.s32 @p2 $0x1  }
0x17: {  	s4 =	simm.s32 $0x1BF5;
	[smem:$0x3F9F] =	sst s0  }
0x18: {  	s0 =	sld [smem:$0x3F82];
	_ =	swait.ge [sflag:s4], $0x0  }
0x19: {  	s7 =	sld [smem:$0x3F83]  }
0x1a: {  	s8 =	sadd.s32 $0xFFFFE003, lr  }
0x1b: {  	s9 =	sadd.s32 $0xFFFFFEF7, lr;
	s5 =	simm.s32 $0xFFFFFFFF;
	p2 =	slt.u32 s8, $0xFFFFF086  }
0x1c: {  	p1 =	slt.u32 s9, $0xF7A;
	s5 =	simm.s32 @!p2 $0x0  }
0x1d: {  	s5 =	simm.s32 @p1 $0x1;
	p0 =	seq.s32 s7, s2  }
0x1e: {  	s7 =	smul.u32 @!p0 $0xF7A, s2;
	p2 =	seq.s32 @!p0 s5, $0x0  }
0x1f: {  	s9 =	smul.u32 $0xF7A, s1;
	s8 =	simm.s32 @!p0 $0x1BF5;
	p2 =	por !p2, p0  }
0x20: {  	[sflag:s8] =	ssyncset.s32 @!p0 $0xFFFFF086;
	s6 =	sadd.s32 @!p0 s3, s7;
	s7 =	simm.s32 @!p0 $0x108  }
0x21: {  	s3 =	sadd.s32 s3, s9;
	s6 =	sadd.s32 @!p0 $0x88, s6;
	s7 =	simm.s32 @p2 $0x1082  }
0x22: {  	[simem:s7], [sflag:s8] =	dma.local @!p0 [hbm:s6], $0xF7A  }
0x23: {  	s9 =	sor.u32 $0xD0000000, s2;
	s6 =	simm.s32 $0x108;
	_ =	swait.ge @!p0 [sflag:s8], $0x0  }
0x24: {  	s3 =	sadd.s32 $0x88, s3;
	s6 =	simm.s32 @!p1 $0x1082;
	[sflag:s4] =	ssyncset.s32 $0xFFFFF086  }
0x25: {  	[simem:s6], [sflag:s4] =	dma.local [hbm:s3], $0xF7A  }
0x26: {  	[smem:$0x3F83] =	sst s1;
	(tag) =	ssettag s2;
	_ =	strace s9  }
0x27: {  	s1 =	sld [smem:$0x3F93]  }
0x28: {  	s2 =	sld [smem:$0x3F94]  }
0x29: {  	s4 =	sld [smem:$0x3F96]  }
0x2a: {  	p0 =	seq.s32 s5, $0x0;
	s5 =	sld [smem:$0x3F97]  }
0x2b: {  	s6 =	sld [smem:$0x3F98]  }
0x2c: {  	s7 =	sld [smem:$0x3F99]  }
0x2d: {  	s3 =	simm.s32 $0x108;
	s8 =	sld [smem:$0x3F9A]  }
0x2e: {  	s3 =	simm.s32 @!p0 $0x1082;
	s9 =	sld [smem:$0x3F9B]  }
0x2f: {  	lr =	sadd.s32 s0, s3;
	s0 =	sld [smem:$0x3F92]  }
0x30: {  	s3 =	sld [smem:$0x3F95]  }
0x31: {  	[smem:$0x3F9E] =	sst s10  }
0x32: {  	s10 =	sld [smem:$0x3F9C];
	_ =	sdelay $0x3  }
0x33: {  	p0 =	seq.s32 s10, $0x1;
	s10 =	sld [smem:$0x3F9E];
	_ =	sdelay $0x3  }
0x34: {  	[smem:$0x3F9E] =	sst s10  }
0x35: {  	s10 =	sld [smem:$0x3F9D];
	_ =	sdelay $0x3  }
0x36: {  	p1 =	seq.s32 s10, $0x1;
	s10 =	sld [smem:$0x3F9E];
	_ =	sdelay $0x3  }
0x37: {  	[smem:$0x3F9E] =	sst s10  }
0x38: {  	s10 =	sld [smem:$0x3F9F]  }
0x39: {  	_ = 	snop;
	(pc) =	sbr.ind lr, $3  }
0x3a: {  	_ = 	snop  }
0x3b: {  	_ = 	snop  }
0x3c: {  	p2 =	seq.s32 s10, $0x1;
	s10 =	sld [smem:$0x3F9E]  }
0x3d: {  	_ =	shalt  }
0x3e: {  	_ =	shalt  }
0x3f: {  	_ =	shalt  }
0x40: {  	_ =	shalt  }
0x41: {  	_ =	shalt  }
0x42: {  	_ =	shalt  }
0x43: {  	_ =	shalt  }
0x44: {  	_ =	shalt  }
0x45: {  	_ =	shalt  }
0x46: {  	_ =	shalt  }
0x47: {  	_ =	shalt  }
0x48: {  	_ =	shalt  }
0x49: {  	_ =	shalt  }
0x4a: {  	_ =	shalt  }
0x4b: {  	_ =	shalt  }
0x4c: {  	_ =	shalt  }
0x4d: {  	_ =	shalt  }
0x4e: {  	_ =	shalt  }
0x4f: {  	_ =	shalt  }
0x50: {  	_ =	shalt  }
0x51: {  	_ =	shalt  }
0x52: {  	_ =	shalt  }
0x53: {  	_ =	shalt  }
0x54: {  	_ =	shalt  }
0x55: {  	_ =	shalt  }
0x56: {  	_ =	shalt  }
0x57: {  	_ =	shalt  }
0x58: {  	_ =	shalt  }
0x59: {  	_ =	shalt  }
0x5a: {  	_ =	shalt  }
0x5b: {  	_ =	shalt  }
0x5c: {  	_ =	shalt  }
0x5d: {  	_ =	shalt  }
0x5e: {  	_ =	shalt  }
0x5f: {  	_ =	shalt  }
0x60: {  	_ =	shalt  }
0x61: {  	_ =	shalt  }
0x62: {  	_ =	shalt  }
0x63: {  	_ =	shalt  }
0x64: {  	_ =	shalt  }
0x65: {  	_ =	shalt  }
0x66: {  	_ =	shalt  }
0x67: {  	_ =	shalt  }
0x68: {  	_ =	shalt  }
0x69: {  	_ =	shalt  }
0x6a: {  	_ =	shalt  }
0x6b: {  	_ =	shalt  }
0x6c: {  	_ =	shalt  }
0x6d: {  	_ =	shalt  }
0x6e: {  	_ =	shalt  }
0x6f: {  	_ =	shalt  }
0x70: {  	_ =	shalt  }
0x71: {  	_ =	shalt  }
0x72: {  	_ =	shalt  }
0x73: {  	_ =	shalt  }
0x74: {  	_ =	shalt  }
0x75: {  	_ =	shalt  }
0x76: {  	_ =	shalt  }
0x77: {  	_ =	shalt  }
0x78: {  	_ =	shalt  }
0x79: {  	_ =	shalt  }
0x7a: {  	_ =	shalt  }
0x7b: {  	_ =	shalt  }
0x7c: {  	_ =	shalt  }
0x7d: {  	_ =	shalt  }
0x7e: {  	_ =	shalt  }
0x7f: {  	_ =	shalt  }
0x80: {  	_ =	shalt  }
0x81: {  	_ =	shalt  }
0x82: {  	_ =	shalt  }
0x83: {  	_ =	shalt  }
0x84: {  	_ =	shalt  }
0x85: {  	_ =	shalt  }
0x86: {  	_ =	shalt  }
0x87: {  	_ =	shalt  }
.Lfunc_end0:
.L_simem_size_0:
called_computation.3_lowered:
.L_overlay_start_0:
0x88: {  	s2 =	sld [smem:$0x3FD9]  }
0x89: {  	s3 =	sld [smem:$0x3FFE];
	_ =	sdelay $0x1  }
0x8a: {  	s1 =	srdreg.scid  }
0x8b: {  	s0 =	sand.u32 $0x1, s1  }
0x8c: {  	s16 =	sshll.u32 s0, $0xA;
	s2 =	sadd.s32 s3, s2  }
0x8d: {  	s2 =	sadd.s32 s2, s16  }
0x8e: {  	[smem:$0x3FAA] =	sst s2  }
0x8f: {  	_ = 	snop  }
0x90: {  	(tm) =	ssettm $0x1  }
0x91: {  	s17 =	sld [smem:$0x3FFB];
	_ =	sdelay $0x3  }
0x92: {  	_ =	strace s17  }
0x93: {  	s2 =	sld [smem:$0x3FFC];
	_ =	sdelay $0x3  }
0x94: {  	_ =	strace s2  }
0x95: {  	s2 =	sld [smem:$0x3FFD];
	_ =	sdelay $0x3  }
0x96: {  	_ =	strace s2  }
0x97: {  	_ =	strace $0x8FFFFFFF  }
0x98: {  	s18 =	sld [smem:$0x3FDB];
	_ =	sdelay $0x1  }
0x99: {  	s19 =	simm.s32 $_scs_section_size  }
0x9a: {  	s4 =	simm.s32 $_size__tile_overlayer_lowered;
	s5 =	simm.s32 $_tile_overlayer_lowered  }
0x9b: {  	s22 =	simm.s32 $0x1BFF;
	s21 =	sshll.u32 s5, $0x1;
	s2 =	sadd.s32 s19, s18  }
0x9c: {  	s6 =	simm.s32 $0x0;
	s20 =	sshll.u32 s4, $0x1;
	s4 =	sadd.s32 s21, s2  }
0x9d: {  	[timem:s6], [sflag:s22] =	dma.local [hbm:s4], s20  }
0x9e: {  	_ =	swait.ge [sflag:s22], s20  }
0x9f: {  	s3 =	ssub.s32 $0x0, s20;
	[sflag:s22] =	ssyncset.done $0x0  }
0xa0: {  	[sflag:s22] =	ssyncadd.s32 s3;
	_ =	sdelay $0x1  }
0xa1: {  	s23 =	simm.s32 $0x1B8B  }
0xa2: {  	_ =	swait.ge [sflag:s23], $0x1  }
0xa3: {  	[sflag:s23] =	ssyncset.done $0x0  }
0xa4: {  	s25 =	simm.s32 $0x1B8E;
	s24 =	sld [smem:$0x3FFE];
	[sflag:s23] =	ssyncadd.s32 $0xFFFFFFFF  }
0xa5: {  	s26 =	simm.s32 $execute0_lowered;
	[smem:$0x3FD2] =	sst s25  }
0xa6: {  	s4 =	sshll.u32 s26, $0x1;
	_ =	strace $0x8000004F;
	[dreg:$0x1] =	wrdreg $0xFFFFFFFF  }
0xa7: {  	s28 =	simm.s32 $_size_execute0_lowered;
	s2 =	sadd.s32 s2, s4;
	[dreg:$0x0] =	wrdreg $0x0  }
0xa8: {  	s4 =	sshll.u32 s28, $0x1;
	[dreg:$0x2] =	wrdreg s2  }
0xa9: {  	[dreg:$0x3] =	wrdreg s4  }
0xaa: {  	[dreg:$0x4] =	wrdreg $0xC0  }
0xab: {  	_ =	task [dreg:s6], $0x5FFFF  }
0xac: {  	[dreg:$0x1] =	wrdreg $0xFFFFFFFF  }
0xad: {  	[dreg:$0x0] =	wrdreg $0x60  }
0xae: {  	[dreg:$0x2] =	wrdreg s24  }
0xaf: {  	[dreg:$0x3] =	wrdreg $0x21000  }
0xb0: {  	[dreg:$0x4] =	wrdreg $0x9  }
0xb1: {  	_ =	task.clear_ibuf [dreg:s6], $0x5FFFF;
	_ =	strace $0x9000004F  }
0xb2: {  	s29 =	simm.s32 $0x9;
	_ =	strace $0x80000051  }
0xb3: {  	_ =	swait.ge [sflag:s29], $0x1  }
0xb4: {  	[sflag:s29] =	ssyncadd.s32 $0xFFFFFFFF  }
0xb5: {  	_ =	strace $0x90000051  }
0xb6: {  	_ =	sfence  }
0xb7: {  	s30 =	sld [smem:$0x0];
	_ =	sdelay $0x2  }
0xb8: {  	s31 =	sshll.u32 s1, $0xD;
	s1 =	sshrl.u32 s1, $0x2  }
0xb9: {  	s3 =	sand.u32 $0x4000, s31;
	s1 =	sadd.s32 s1, s30  }
0xba: {  	s0 =	sor.u32 s3, s0;
	s1 =	sshll.u32 s1, $0x11  }
0xbb: {  	s0 =	sor.u32 s1, s0  }
0xbc: {  	s0 =	sadd.s32 $0x8F2B, s0  }
0xbd: {  	[sflag:s0] =	ssyncadd.remote.s32 $0x1  }
0xbe: {  	_ =	sfence.sel $0xFFFF  }
0xbf: {  	[dreg:$0x0] =	wrdreg $0xFFFFFFFF;
	(pc) =	sbr.abs _section_cstart, $3  }
0xc0: {  	[dreg:$0x1] =	wrdreg $0xFFFFFFFF  }
0xc1: {  	_ =	task.clear_ibuf [dreg:s6], $0x2FFFF;
	_ =	strace $0x9FFFFFFF  }
0xc2: {  	(tm) =	ssettm $0x7FFFFFFF  }
0xc3: {  	_ =	shalt  }
tec
execute0_lowered:
.L_overlay_start_1:
0x0: {  	(tag) =	ssettag $0x1  }
0x1: {  	s8 =	rddreg [dreg:$0x0]  }
0x2: {  	s2 =	rddreg [dreg:$0x1]  }
0x3: {  	s0 =	rddreg [dreg:$0x2]  }
0x4: {  	s3 =	simm.s32 $0x0;
	s1 =	stileid.u32;
	s7 =	srdreg.scid  }
0x5: {  	s16 =	simm.s32 $0x80;
	s17 =	simm.s32 $0x100;
	s18 =	simm.s32 $0x1  }
0x6: {  	s20 =	simm.s32 $0x0;
	[smem:$0x7FF] =	sst s3;
	s6 =	smul.u32 $0x1400, s1  }
0x7: {  	s4 =	sadd.s32 $0x86C00, s8;
	s5 =	sadd.s32 $0xADE00, s8;
	s10 =	smul.u32 $0x4E800, s1  }
0x8: {  	s14 =	sand.u32 $0x1, s7;
	s7 =	sadd.s32 $0xD5000, s8;
	s12 =	smul.u32 $0x13880, s1  }
0x9: {  	s31 =	sshll.u32 s1, $0x6;
	_ =	strace $0x80000050;
	s9 =	ssub.s32 $0x2, s14  }
0xa: {  	p0 =	sne.s32 s14, $0x0;
	s13 =	sadd.s32 s6, s8;
	s6 =	sadd.s32 $0x54E00, s8  }
.Ltmp0:
0xb: {  	s8 =	sadd.s32 $0xFC200, s8;
	s11 =	sshrl.u32 s9, $0x1;
	(pc) =	sbr.rel .LBB2_1-.Ltmp0, $4  }
0xc: {  	s30 =	sshrl.u32 s10, $0x2;
	s10 =	sshrl.u32 s12, $0x3;
	s19 =	sadd.s32 s12, s2  }
0xd: {  	s11 =	ssub.s32 s9, s11;
	s15 =	sadd.s32 s30, s2;
	s9 =	sor.u32 $0x1C02, s31  }
0xe: {  	s12 =	sadd.s32 $0x72C00, s13;
	s13 =	sadd.s32 $0x5EC00, s13;
	s19 =	sshrl.u32 s19, $0x3  }
0xf: {  	s11 =	smax.u32 s11, $0x1;
	s14 =	sshrl.u32 s15, $0x3;
	s15 =	simm.s32 $0x2  }
.LBB2_7:
0x10: {  	s22 =	sadd.s32 s21, s13;
	[sflag:s15] =	ssyncadd.s32 $0xFFFFE000  }
0x11: {  	[tilespmem:s3], [sflag:$0x2] =	stream.linear.gather [hbm4b:s22+s3], $0x80, $0x38;
	[tilespmem:$0x15B00] =	vst v63  }
0x12: {  	_ =	swait.ge [sflag:s15], $0x80  }
0x13: {  	[sflag:s15] =	ssyncset.done $0x0  }
0x14: {  	s31 =	sadd.s32 s21, s12;
	[sflag:s15] =	ssyncadd.s32 $0xFFFFFF80  }
0x15: {  	[tilespmem:s16], [sflag:$0x2] =	stream.linear.gather [hbm4b:s31+s3], $0x80, $0x38;
	[tilespmem:$0x15B00] =	vst v63  }
0x16: {  	_ =	swait.ge [sflag:s15], $0x80  }
0x17: {  	[sflag:s15] =	ssyncset.done $0x0  }
0x18: {  	[sflag:s15] =	ssyncadd.s32 $0xFFFFFF80  }
0x19: {  	[tilespmem:s17], [sflag:$0x1] =	stream.indirect.gather [hbm4b:s5+s16], $0x40, s3, s16, $0xb8;
	[tilespmem:$0x15B00] =	vst v63  }
0x1a: {  	_ =	swait.ge [sflag:s18], $0x2000  }
0x1b: {  	[sflag:s18] =	ssyncset.done $0x0  }
0x1c: {  	[sflag:s18] =	ssyncadd.s32 $0xFFFFE000  }
0x1d: {  	[spmem:s2] =	stream.indirect.scatter.add.f32 [tilespmem:s17], [sflag:$0x2], $0x40, s16, s16, $0xb8;
	[tilespmem:$0x15B00] =	vst v63  }
0x1e: {  	_ =	swait.ge [sflag:s15], $0x2000  }
0x1f: {  	[sflag:s15] =	ssyncset.done $0x0  }
0x20: {  	s21 =	smov.u32 s8;
	[sflag:s15] =	ssyncadd.s32 $0xFFFFE000  }
.LBB2_8:
0x21: {  	s20 =	sadd.s32 $0x1, s20  }
0x22: {  	p1 =	sne.s32 s20, s11  }
.Ltmp1:
0x23: {  	s21 =	sadd.s32 s21, s10;
	[bflag:$0x0] =	sbarrier.arrive $0xFFFF;
	(pc) =	sbr.rel @!p1 .LBB2_9-.Ltmp1, $4  }
0x24: {  	[hbm:s21], [sflag:s9] =	dma.local [spmem:s19], $0x2710  }
0x25: {  	_ =	swait.ge [sflag:s15], $0x2710  }
0x26: {  	[sflag:s15] =	ssyncset.done $0x0  }
0x27: {  	[sflag:s15] =	ssyncadd.s32 $0xFFFFD8F0  }
.LBB2_1:
0x28: {  	[spmem:s14], [sflag:s9] =	dma.local [hbm:s6], $0x2740  }
.Ltmp2:
0x29: {  	_ =	swait.ge [sflag:s15], $0x2740;
	(pc) =	sbr.rel @p0 .LBB2_5-.Ltmp2, $4  }
0x2a: {  	[sflag:s15] =	ssyncset.done $0x0  }
0x2b: {  	[sflag:s15] =	ssyncadd.s32 $0xFFFFD8C0  }
0x2c: {  	[bflag:$0x0] =	sbarrier.arrive $0xFFFF  }
0x2d: {  	s21 =	sadd.s32 $0x0, s13  }
0x2e: {  	[tilespmem:s3], [sflag:$0x2] =	stream.linear.gather [hbm4b:s21+s3], $0x80, $0x38;
	[tilespmem:$0x15B00] =	vst v63  }
0x2f: {  	_ =	swait.ge [sflag:s15], $0x80  }
0x30: {  	[sflag:s15] =	ssyncset.done $0x0  }
0x31: {  	s31 =	sadd.s32 $0x0, s12;
	[sflag:s15] =	ssyncadd.s32 $0xFFFFFF80  }
0x32: {  	[tilespmem:s16], [sflag:$0x2] =	stream.linear.gather [hbm4b:s31+s3], $0x80, $0x38;
	[tilespmem:$0x15B00] =	vst v63  }
0x33: {  	_ =	swait.ge [sflag:s15], $0x80  }
0x34: {  	[sflag:s15] =	ssyncset.done $0x0  }
0x35: {  	[sflag:s15] =	ssyncadd.s32 $0xFFFFFF80  }
0x36: {  	[tilespmem:s17], [sflag:$0x1] =	stream.indirect.gather [hbm4b:s4+s16], $0x40, s3, s16, $0xb8;
	[tilespmem:$0x15B00] =	vst v63  }
0x37: {  	_ =	swait.ge [sflag:s18], $0x2000  }
0x38: {  	[sflag:s18] =	ssyncset.done $0x0  }
0x39: {  	[sflag:s18] =	ssyncadd.s32 $0xFFFFE000  }
0x3a: {  	[spmem:s2] =	stream.indirect.scatter.add.f32 [tilespmem:s17], [sflag:$0x2], $0x40, s16, s16, $0xb8;
	[tilespmem:$0x15B00] =	vst v63  }
0x3b: {  	_ =	swait.ge [sflag:s15], $0x2000  }
0x3c: {  	s21 =	simm.s32 $0x10;
	s22 =	simm.s32 $0x20;
	[sflag:s15] =	ssyncset.done $0x0  }
.LBB2_3:
0x3d: {  	s23 =	sadd.s32 s21, s13  }
0x3e: {  	[sflag:s15] =	ssyncadd.s32 $0xFFFFE000;
	s24 =	smov.u32 s22;
	s25 =	sadd.s32 $0x10, s22  }
0x3f: {  	[tilespmem:s3], [sflag:$0x2] =	stream.linear.gather [hbm4b:s23+s3], $0x80, $0x38;
	[tilespmem:$0x15B00] =	vst v63  }
0x40: {  	p1 =	seq.s32 s22, $0x13F0;
	_ =	swait.ge [sflag:s15], $0x80  }
0x41: {  	[sflag:s15] =	ssyncset.done $0x0  }
0x42: {  	s22 =	sadd.s32 s21, s12;
	s21 =	smov.u32 s24;
	[sflag:s15] =	ssyncadd.s32 $0xFFFFFF80  }
0x43: {  	[tilespmem:s16], [sflag:$0x2] =	stream.linear.gather [hbm4b:s22+s3], $0x80, $0x38;
	[tilespmem:$0x15B00] =	vst v63  }
0x44: {  	_ =	swait.ge [sflag:s15], $0x80  }
0x45: {  	[sflag:s15] =	ssyncset.done $0x0  }
0x46: {  	[sflag:s15] =	ssyncadd.s32 $0xFFFFFF80  }
0x47: {  	[tilespmem:s17], [sflag:$0x1] =	stream.indirect.gather [hbm4b:s4+s16], $0x40, s3, s16, $0xb8;
	[tilespmem:$0x15B00] =	vst v63  }
0x48: {  	_ =	swait.ge [sflag:s18], $0x2000  }
.Ltmp3:
0x49: {  	[sflag:s18] =	ssyncset.done $0x0;
	(pc) =	sbr.rel @!p1 .LBB2_3-.Ltmp3, $4  }
0x4a: {  	[sflag:s18] =	ssyncadd.s32 $0xFFFFE000  }
0x4b: {  	[spmem:s2] =	stream.indirect.scatter.add.f32 [tilespmem:s17], [sflag:$0x2], $0x40, s16, s16, $0xb8;
	[tilespmem:$0x15B00] =	vst v63  }
0x4c: {  	_ =	swait.ge [sflag:s15], $0x2000  }
0x4d: {  	s22 =	smov.u32 s25;
	[sflag:s15] =	ssyncset.done $0x0  }
0x4e: {  	s22 =	sadd.s32 s21, s13;
	[sflag:s15] =	ssyncadd.s32 $0xFFFFE000  }
0x4f: {  	[tilespmem:s3], [sflag:$0x2] =	stream.linear.gather [hbm4b:s22+s3], $0x80, $0x38;
	[tilespmem:$0x15B00] =	vst v63  }
0x50: {  	_ =	swait.ge [sflag:s15], $0x80  }
0x51: {  	[sflag:s15] =	ssyncset.done $0x0  }
0x52: {  	s31 =	sadd.s32 s21, s12;
	[sflag:s15] =	ssyncadd.s32 $0xFFFFFF80  }
0x53: {  	[tilespmem:s16], [sflag:$0x2] =	stream.linear.gather [hbm4b:s31+s3], $0x80, $0x38;
	[tilespmem:$0x15B00] =	vst v63  }
0x54: {  	_ =	swait.ge [sflag:s15], $0x80  }
0x55: {  	[sflag:s15] =	ssyncset.done $0x0  }
0x56: {  	[sflag:s15] =	ssyncadd.s32 $0xFFFFFF80  }
0x57: {  	[tilespmem:s17], [sflag:$0x1] =	stream.indirect.gather [hbm4b:s4+s16], $0x40, s3, s16, $0xb8;
	[tilespmem:$0x15B00] =	vst v63  }
0x58: {  	_ =	swait.ge [sflag:s18], $0x2000  }
0x59: {  	[sflag:s18] =	ssyncset.done $0x0  }
.Ltmp4:
0x5a: {  	[sflag:s18] =	ssyncadd.s32 $0xFFFFE000;
	(pc) =	sbr.rel .LBB2_8-.Ltmp4, $4  }
0x5b: {  	[spmem:s2] =	stream.indirect.scatter.add.f32 [tilespmem:s17], [sflag:$0x2], $0x40, s16, s16, $0xb8;
	[tilespmem:$0x15B00] =	vst v63  }
0x5c: {  	_ =	swait.ge [sflag:s15], $0x2000  }
0x5d: {  	[sflag:s15] =	ssyncset.done $0x0  }
0x5e: {  	s21 =	smov.u32 s7;
	[sflag:s15] =	ssyncadd.s32 $0xFFFFE000  }
.LBB2_5:
0x5f: {  	[tilespmem:s3], [sflag:$0x2] =	stream.linear.gather [hbm4b:s21+s3], $0x80, $0x38;
	[tilespmem:$0x15B00] =	vst v63  }
0x60: {  	_ =	swait.ge [sflag:s15], $0x80  }
0x61: {  	[sflag:s15] =	ssyncset.done $0x0  }
0x62: {  	s31 =	sadd.s32 $0x0, s12;
	[sflag:s15] =	ssyncadd.s32 $0xFFFFFF80  }
0x63: {  	[tilespmem:s16], [sflag:$0x2] =	stream.linear.gather [hbm4b:s31+s3], $0x80, $0x38;
	[tilespmem:$0x15B00] =	vst v63  }
0x64: {  	_ =	swait.ge [sflag:s15], $0x80  }
0x65: {  	[sflag:s15] =	ssyncset.done $0x0  }
0x66: {  	[sflag:s15] =	ssyncadd.s32 $0xFFFFFF80  }
0x67: {  	[tilespmem:s17], [sflag:$0x1] =	stream.indirect.gather [hbm4b:s5+s16], $0x40, s3, s16, $0xb8;
	[tilespmem:$0x15B00] =	vst v63  }
0x68: {  	_ =	swait.ge [sflag:s18], $0x2000  }
0x69: {  	[sflag:s18] =	ssyncset.done $0x0  }
0x6a: {  	[sflag:s18] =	ssyncadd.s32 $0xFFFFE000  }
0x6b: {  	[spmem:s2] =	stream.indirect.scatter.add.f32 [tilespmem:s17], [sflag:$0x2], $0x40, s16, s16, $0xb8;
	[tilespmem:$0x15B00] =	vst v63  }
0x6c: {  	_ =	swait.ge [sflag:s15], $0x2000  }
0x6d: {  	s21 =	simm.s32 $0x10;
	s22 =	simm.s32 $0x20;
	[sflag:s15] =	ssyncset.done $0x0  }
.LBB2_6:
0x6e: {  	s23 =	sadd.s32 s21, s13  }
0x6f: {  	[sflag:s15] =	ssyncadd.s32 $0xFFFFE000;
	s24 =	smov.u32 s22;
	s25 =	sadd.s32 $0x10, s22  }
0x70: {  	[tilespmem:s3], [sflag:$0x2] =	stream.linear.gather [hbm4b:s23+s3], $0x80, $0x38;
	[tilespmem:$0x15B00] =	vst v63  }
0x71: {  	p1 =	sne.s32 s22, $0x13F0;
	_ =	swait.ge [sflag:s15], $0x80  }
0x72: {  	[sflag:s15] =	ssyncset.done $0x0  }
0x73: {  	s22 =	sadd.s32 s21, s12;
	s21 =	smov.u32 s24;
	[sflag:s15] =	ssyncadd.s32 $0xFFFFFF80  }
0x74: {  	[tilespmem:s16], [sflag:$0x2] =	stream.linear.gather [hbm4b:s22+s3], $0x80, $0x38;
	[tilespmem:$0x15B00] =	vst v63  }
0x75: {  	_ =	swait.ge [sflag:s15], $0x80  }
0x76: {  	[sflag:s15] =	ssyncset.done $0x0  }
0x77: {  	[sflag:s15] =	ssyncadd.s32 $0xFFFFFF80  }
0x78: {  	[tilespmem:s17], [sflag:$0x1] =	stream.indirect.gather [hbm4b:s5+s16], $0x40, s3, s16, $0xb8;
	[tilespmem:$0x15B00] =	vst v63  }
0x79: {  	_ =	swait.ge [sflag:s18], $0x2000  }
.Ltmp5:
0x7a: {  	[sflag:s18] =	ssyncset.done $0x0;
	(pc) =	sbr.rel @p1 .LBB2_6-.Ltmp5, $4  }
0x7b: {  	[sflag:s18] =	ssyncadd.s32 $0xFFFFE000  }
0x7c: {  	[spmem:s2] =	stream.indirect.scatter.add.f32 [tilespmem:s17], [sflag:$0x2], $0x40, s16, s16, $0xb8;
	[tilespmem:$0x15B00] =	vst v63  }
0x7d: {  	_ =	swait.ge [sflag:s15], $0x2000  }
0x7e: {  	s22 =	smov.u32 s25;
	[sflag:s15] =	ssyncset.done $0x0  }
.Ltmp6:
0x7f: {  	_ = 	snop;
	(pc) =	sbr.rel .LBB2_7-.Ltmp6, $1  }
0x80: {  	_ =	sdelay $0x3  }
.LBB2_9:
0x81: {  	_ =	sfence.sel $0x180000  }
0x82: {  	[bflag:$0x0] =	sbarrier.arrive $0xFFFF  }
0x83: {  	p0 =	sne.s32 s1, $0x0;
	_ =	strace $0x90000050  }
0x84: {  	s0 =	sadd.s32 @!p0 $0x100000, s0;
	[bflag:$0x2] =	sbarrier.arrive $0xFFFF  }
0x85: {  	[sflag:s0] =	ssyncadd.tile.s32 @!p0 $0x1;
	_ =	shalt  }
.Lfunc_end2:
_tile_overlayer_lowered:
.L_overlay_start_2:
0x86: {  	(tag) =	ssettag $0x2  }
0x87: {  	s0 =	rddreg [dreg:$0x0];
	s2 =	stileid.u32  }
0x88: {  	s1 =	rddreg [dreg:$0x1];
	p0 =	sne.s32 s2, $0x0  }
0x89: {  	s3 =	rddreg [dreg:$0x2];
	[bflag:$0x3] =	sbarrier.arrive $0xFFFF;
	s2 =	simm.s32 @!p0 $0x1C02  }
0x8a: {  	[timem:s3], [sflag:s2] =	dma.local @!p0 [hbm:s0], s1  }
0x8b: {  	s0 =	simm.s32 @!p0 $0x2  }
0x8c: {  	_ =	swait.ge @!p0 [sflag:s0], s1  }
0x8d: {  	s1 =	ssub.s32 @!p0 $0x0, s1;
	[sflag:s0] =	ssyncset.done @!p0 $0x0  }
0x8e: {  	[sflag:s0] =	ssyncadd.s32 @!p0 s1  }
0x8f: {  	[bflag:$0x3] =	sbarrier.arrive $0xFFFF  }
0x90: {  	_ =	shalt  }

// kernel: kernel.25.cloned.1.call-start
scs
__scs_entry_jumppad:
0x0: {  	(pc) =	sbr.rel $0x88, $3  }
0x1: {  	(tag) =	ssettag $0x0;
	lr =	simm.s32 $0x1  }
0x2: {  	[smem:$0x3F83] =	sst lr;
	_ =	strace $0xD0000000  }
0x3: {  	_ = 	snop  }
0x4: {  	_ = 	snop  }
0x5: {  	_ = 	snop  }
0x6: {  	_ = 	snop  }
0x7: {  	_ = 	snop  }
__scs_overlays_trampoline_lowered:
0x8: {  	[smem:$0x3F92] =	sst s0  }
0x9: {  	[smem:$0x3F93] =	sst s1  }
0xa: {  	[smem:$0x3F94] =	sst s2  }
0xb: {  	[smem:$0x3F95] =	sst s3  }
0xc: {  	[smem:$0x3F96] =	sst s4  }
0xd: {  	[smem:$0x3F97] =	sst s5  }
0xe: {  	[smem:$0x3F98] =	sst s6  }
0xf: {  	[smem:$0x3F99] =	sst s7  }
0x10: {  	[smem:$0x3F9A] =	sst s8  }
0x11: {  	[smem:$0x3F9B] =	sst s9;
	s0 =	simm.s32 @!p0 $0x0  }
0x12: {  	s1 =	sld [smem:$0x3F81];
	s0 =	simm.s32 @p0 $0x1  }
0x13: {  	[smem:$0x3F9C] =	sst s0;
	s0 =	simm.s32 @!p1 $0x0  }
0x14: {  	s2 =	sld [smem:$0x3F80];
	s0 =	simm.s32 @p1 $0x1  }
0x15: {  	[smem:$0x3F9D] =	sst s0;
	s0 =	simm.s32 @!p2 $0x0  }
0x16: {  	s3 =	sld [smem:$0x3FDB];
	s0 =	simm.s32 @p2 $0x1  }
0x17: {  	s4 =	simm.s32 $0x1BF5;
	[smem:$0x3F9F] =	sst s0  }
0x18: {  	s0 =	sld [smem:$0x3F82];
	_ =	swait.ge [sflag:s4], $0x0  }
0x19: {  	s7 =	sld [smem:$0x3F83]  }
0x1a: {  	s8 =	sadd.s32 $0xFFFFE003, lr  }
0x1b: {  	s9 =	sadd.s32 $0xFFFFFEF7, lr;
	s5 =	simm.s32 $0xFFFFFFFF;
	p2 =	slt.u32 s8, $0xFFFFF086  }
0x1c: {  	p1 =	slt.u32 s9, $0xF7A;
	s5 =	simm.s32 @!p2 $0x0  }
0x1d: {  	s5 =	simm.s32 @p1 $0x1;
	p0 =	seq.s32 s7, s2  }
0x1e: {  	s7 =	smul.u32 @!p0 $0xF7A, s2;
	p2 =	seq.s32 @!p0 s5, $0x0  }
0x1f: {  	s9 =	smul.u32 $0xF7A, s1;
	s8 =	simm.s32 @!p0 $0x1BF5;
	p2 =	por !p2, p0  }
0x20: {  	[sflag:s8] =	ssyncset.s32 @!p0 $0xFFFFF086;
	s6 =	sadd.s32 @!p0 s3, s7;
	s7 =	simm.s32 @!p0 $0x108  }
0x21: {  	s3 =	sadd.s32 s3, s9;
	s6 =	sadd.s32 @!p0 $0x88, s6;
	s7 =	simm.s32 @p2 $0x1082  }
0x22: {  	[simem:s7], [sflag:s8] =	dma.local @!p0 [hbm:s6], $0xF7A  }
0x23: {  	s9 =	sor.u32 $0xD0000000, s2;
	s6 =	simm.s32 $0x108;
	_ =	swait.ge @!p0 [sflag:s8], $0x0  }
0x24: {  	s3 =	sadd.s32 $0x88, s3;
	s6 =	simm.s32 @!p1 $0x1082;
	[sflag:s4] =	ssyncset.s32 $0xFFFFF086  }
0x25: {  	[simem:s6], [sflag:s4] =	dma.local [hbm:s3], $0xF7A  }
0x26: {  	[smem:$0x3F83] =	sst s1;
	(tag) =	ssettag s2;
	_ =	strace s9  }
0x27: {  	s1 =	sld [smem:$0x3F93]  }
0x28: {  	s2 =	sld [smem:$0x3F94]  }
0x29: {  	s4 =	sld [smem:$0x3F96]  }
0x2a: {  	p0 =	seq.s32 s5, $0x0;
	s5 =	sld [smem:$0x3F97]  }
0x2b: {  	s6 =	sld [smem:$0x3F98]  }
0x2c: {  	s7 =	sld [smem:$0x3F99]  }
0x2d: {  	s3 =	simm.s32 $0x108;
	s8 =	sld [smem:$0x3F9A]  }
0x2e: {  	s3 =	simm.s32 @!p0 $0x1082;
	s9 =	sld [smem:$0x3F9B]  }
0x2f: {  	lr =	sadd.s32 s0, s3;
	s0 =	sld [smem:$0x3F92]  }
0x30: {  	s3 =	sld [smem:$0x3F95]  }
0x31: {  	[smem:$0x3F9E] =	sst s10  }
0x32: {  	s10 =	sld [smem:$0x3F9C];
	_ =	sdelay $0x3  }
0x33: {  	p0 =	seq.s32 s10, $0x1;
	s10 =	sld [smem:$0x3F9E];
	_ =	sdelay $0x3  }
0x34: {  	[smem:$0x3F9E] =	sst s10  }
0x35: {  	s10 =	sld [smem:$0x3F9D];
	_ =	sdelay $0x3  }
0x36: {  	p1 =	seq.s32 s10, $0x1;
	s10 =	sld [smem:$0x3F9E];
	_ =	sdelay $0x3  }
0x37: {  	[smem:$0x3F9E] =	sst s10  }
0x38: {  	s10 =	sld [smem:$0x3F9F]  }
0x39: {  	_ = 	snop;
	(pc) =	sbr.ind lr, $3  }
0x3a: {  	_ = 	snop  }
0x3b: {  	_ = 	snop  }
0x3c: {  	p2 =	seq.s32 s10, $0x1;
	s10 =	sld [smem:$0x3F9E]  }
0x3d: {  	_ =	shalt  }
0x3e: {  	_ =	shalt  }
0x3f: {  	_ =	shalt  }
0x40: {  	_ =	shalt  }
0x41: {  	_ =	shalt  }
0x42: {  	_ =	shalt  }
0x43: {  	_ =	shalt  }
0x44: {  	_ =	shalt  }
0x45: {  	_ =	shalt  }
0x46: {  	_ =	shalt  }
0x47: {  	_ =	shalt  }
0x48: {  	_ =	shalt  }
0x49: {  	_ =	shalt  }
0x4a: {  	_ =	shalt  }
0x4b: {  	_ =	shalt  }
0x4c: {  	_ =	shalt  }
0x4d: {  	_ =	shalt  }
0x4e: {  	_ =	shalt  }
0x4f: {  	_ =	shalt  }
0x50: {  	_ =	shalt  }
0x51: {  	_ =	shalt  }
0x52: {  	_ =	shalt  }
0x53: {  	_ =	shalt  }
0x54: {  	_ =	shalt  }
0x55: {  	_ =	shalt  }
0x56: {  	_ =	shalt  }
0x57: {  	_ =	shalt  }
0x58: {  	_ =	shalt  }
0x59: {  	_ =	shalt  }
0x5a: {  	_ =	shalt  }
0x5b: {  	_ =	shalt  }
0x5c: {  	_ =	shalt  }
0x5d: {  	_ =	shalt  }
0x5e: {  	_ =	shalt  }
0x5f: {  	_ =	shalt  }
0x60: {  	_ =	shalt  }
0x61: {  	_ =	shalt  }
0x62: {  	_ =	shalt  }
0x63: {  	_ =	shalt  }
0x64: {  	_ =	shalt  }
0x65: {  	_ =	shalt  }
0x66: {  	_ =	shalt  }
0x67: {  	_ =	shalt  }
0x68: {  	_ =	shalt  }
0x69: {  	_ =	shalt  }
0x6a: {  	_ =	shalt  }
0x6b: {  	_ =	shalt  }
0x6c: {  	_ =	shalt  }
0x6d: {  	_ =	shalt  }
0x6e: {  	_ =	shalt  }
0x6f: {  	_ =	shalt  }
0x70: {  	_ =	shalt  }
0x71: {  	_ =	shalt  }
0x72: {  	_ =	shalt  }
0x73: {  	_ =	shalt  }
0x74: {  	_ =	shalt  }
0x75: {  	_ =	shalt  }
0x76: {  	_ =	shalt  }
0x77: {  	_ =	shalt  }
0x78: {  	_ =	shalt  }
0x79: {  	_ =	shalt  }
0x7a: {  	_ =	shalt  }
0x7b: {  	_ =	shalt  }
0x7c: {  	_ =	shalt  }
0x7d: {  	_ =	shalt  }
0x7e: {  	_ =	shalt  }
0x7f: {  	_ =	shalt  }
0x80: {  	_ =	shalt  }
0x81: {  	_ =	shalt  }
0x82: {  	_ =	shalt  }
0x83: {  	_ =	shalt  }
0x84: {  	_ =	shalt  }
0x85: {  	_ =	shalt  }
0x86: {  	_ =	shalt  }
0x87: {  	_ =	shalt  }
.Lfunc_end0:
.L_simem_size_0:
called_computation.4_lowered:
.L_overlay_start_0:
0x88: {  	s2 =	sld [smem:$0x3FD9]  }
0x89: {  	s3 =	sld [smem:$0x3FFE];
	_ =	sdelay $0x1  }
0x8a: {  	s1 =	srdreg.scid  }
0x8b: {  	s0 =	sand.u32 $0x1, s1  }
0x8c: {  	s16 =	sshll.u32 s0, $0xA;
	s2 =	sadd.s32 s3, s2  }
0x8d: {  	s2 =	sadd.s32 s2, s16  }
0x8e: {  	[smem:$0x3FAA] =	sst s2  }
0x8f: {  	_ = 	snop  }
0x90: {  	(tm) =	ssettm $0x1  }
0x91: {  	s17 =	sld [smem:$0x3FFB];
	_ =	sdelay $0x3  }
0x92: {  	_ =	strace s17  }
0x93: {  	s2 =	sld [smem:$0x3FFC];
	_ =	sdelay $0x3  }
0x94: {  	_ =	strace s2  }
0x95: {  	s2 =	sld [smem:$0x3FFD];
	_ =	sdelay $0x3  }
0x96: {  	_ =	strace s2  }
0x97: {  	_ =	strace $0x8FFFFFFF  }
0x98: {  	s18 =	sld [smem:$0x3FDB];
	_ =	sdelay $0x1  }
0x99: {  	s19 =	simm.s32 $_scs_section_size  }
0x9a: {  	s4 =	simm.s32 $_size__tile_overlayer_lowered;
	s5 =	simm.s32 $_tile_overlayer_lowered  }
0x9b: {  	s22 =	simm.s32 $0x1BFF;
	s21 =	sshll.u32 s5, $0x1;
	s2 =	sadd.s32 s19, s18  }
0x9c: {  	s6 =	simm.s32 $0x0;
	s20 =	sshll.u32 s4, $0x1;
	s4 =	sadd.s32 s21, s2  }
0x9d: {  	[timem:s6], [sflag:s22] =	dma.local [hbm:s4], s20  }
0x9e: {  	_ =	swait.ge [sflag:s22], s20  }
0x9f: {  	s3 =	ssub.s32 $0x0, s20;
	[sflag:s22] =	ssyncset.done $0x0  }
0xa0: {  	[sflag:s22] =	ssyncadd.s32 s3;
	_ =	sdelay $0x1  }
0xa1: {  	s23 =	simm.s32 $0x1B8B  }
0xa2: {  	_ =	swait.ge [sflag:s23], $0x1  }
0xa3: {  	[sflag:s23] =	ssyncset.done $0x0  }
0xa4: {  	s25 =	simm.s32 $0x1B8E;
	s24 =	sld [smem:$0x3FFE];
	[sflag:s23] =	ssyncadd.s32 $0xFFFFFFFF  }
0xa5: {  	s26 =	simm.s32 $execute0_lowered;
	[smem:$0x3FD2] =	sst s25  }
0xa6: {  	s4 =	sshll.u32 s26, $0x1;
	_ =	strace $0x80000052;
	[dreg:$0x1] =	wrdreg $0xFFFFFFFF  }
0xa7: {  	s28 =	simm.s32 $_size_execute0_lowered;
	s2 =	sadd.s32 s2, s4;
	[dreg:$0x0] =	wrdreg $0x0  }
0xa8: {  	s4 =	sshll.u32 s28, $0x1;
	[dreg:$0x2] =	wrdreg s2  }
0xa9: {  	[dreg:$0x3] =	wrdreg s4  }
0xaa: {  	[dreg:$0x4] =	wrdreg $0xC0  }
0xab: {  	_ =	task [dreg:s6], $0x5FFFF  }
0xac: {  	[dreg:$0x1] =	wrdreg $0xFFFFFFFF  }
0xad: {  	[dreg:$0x0] =	wrdreg $0x60  }
0xae: {  	[dreg:$0x2] =	wrdreg s24  }
0xaf: {  	[dreg:$0x3] =	wrdreg $0x21000  }
0xb0: {  	[dreg:$0x4] =	wrdreg $0x9  }
0xb1: {  	_ =	task.clear_ibuf [dreg:s6], $0x5FFFF;
	_ =	strace $0x90000052  }
0xb2: {  	s29 =	simm.s32 $0x9;
	_ =	strace $0x80000054  }
0xb3: {  	_ =	swait.ge [sflag:s29], $0x1  }
0xb4: {  	[sflag:s29] =	ssyncadd.s32 $0xFFFFFFFF  }
0xb5: {  	_ =	strace $0x90000054  }
0xb6: {  	_ =	sfence  }
0xb7: {  	s30 =	sld [smem:$0x0];
	_ =	sdelay $0x2  }
0xb8: {  	s31 =	sshll.u32 s1, $0xD;
	s1 =	sshrl.u32 s1, $0x2  }
0xb9: {  	s3 =	sand.u32 $0x4000, s31;
	s1 =	sadd.s32 s1, s30  }
0xba: {  	s0 =	sor.u32 s3, s0;
	s1 =	sshll.u32 s1, $0x11  }
0xbb: {  	s0 =	sor.u32 s1, s0  }
0xbc: {  	s0 =	sadd.s32 $0x8F2B, s0  }
0xbd: {  	[sflag:s0] =	ssyncadd.remote.s32 $0x1  }
0xbe: {  	_ =	sfence.sel $0xFFFF  }
0xbf: {  	[dreg:$0x0] =	wrdreg $0xFFFFFFFF;
	(pc) =	sbr.abs _section_cstart, $3  }
0xc0: {  	[dreg:$0x1] =	wrdreg $0xFFFFFFFF  }
0xc1: {  	_ =	task.clear_ibuf [dreg:s6], $0x2FFFF;
	_ =	strace $0x9FFFFFFF  }
0xc2: {  	(tm) =	ssettm $0x7FFFFFFF  }
0xc3: {  	_ =	shalt  }
tec
execute0_lowered:
.L_overlay_start_1:
0x0: {  	(tag) =	ssettag $0x1  }
0x1: {  	s8 =	rddreg [dreg:$0x0]  }
0x2: {  	s2 =	rddreg [dreg:$0x1]  }
0x3: {  	s0 =	rddreg [dreg:$0x2]  }
0x4: {  	s3 =	simm.s32 $0x0;
	s1 =	stileid.u32;
	s7 =	srdreg.scid  }
0x5: {  	s16 =	simm.s32 $0x80;
	s17 =	simm.s32 $0x100;
	s18 =	simm.s32 $0x1  }
0x6: {  	s20 =	simm.s32 $0x0;
	[smem:$0x7FF] =	sst s3;
	s6 =	smul.u32 $0x1400, s1  }
0x7: {  	s4 =	sadd.s32 $0x123000, s8;
	s5 =	sadd.s32 $0x14A200, s8;
	s10 =	smul.u32 $0x4E800, s1  }
0x8: {  	s14 =	sand.u32 $0x1, s7;
	s7 =	sadd.s32 $0x171400, s8;
	s12 =	smul.u32 $0x13880, s1  }
0x9: {  	s31 =	sshll.u32 s1, $0x6;
	_ =	strace $0x80000053;
	s9 =	ssub.s32 $0x2, s14  }
0xa: {  	p0 =	sne.s32 s14, $0x0;
	s13 =	sadd.s32 s6, s8;
	s6 =	sadd.s32 $0x54E00, s8  }
.Ltmp0:
0xb: {  	s8 =	sadd.s32 $0x198600, s8;
	s11 =	sshrl.u32 s9, $0x1;
	(pc) =	sbr.rel .LBB2_1-.Ltmp0, $4  }
0xc: {  	s30 =	sshrl.u32 s10, $0x2;
	s10 =	sshrl.u32 s12, $0x3;
	s19 =	sadd.s32 s12, s2  }
0xd: {  	s11 =	ssub.s32 s9, s11;
	s15 =	sadd.s32 s30, s2;
	s9 =	sor.u32 $0x1C02, s31  }
0xe: {  	s12 =	sadd.s32 $0x72C00, s13;
	s13 =	sadd.s32 $0x5EC00, s13;
	s19 =	sshrl.u32 s19, $0x3  }
0xf: {  	s11 =	smax.u32 s11, $0x1;
	s14 =	sshrl.u32 s15, $0x3;
	s15 =	simm.s32 $0x2  }
.LBB2_7:
0x10: {  	s22 =	sadd.s32 s21, s13;
	[sflag:s15] =	ssyncadd.s32 $0xFFFFE000  }
0x11: {  	[tilespmem:s3], [sflag:$0x2] =	stream.linear.gather [hbm4b:s22+s3], $0x80, $0x38;
	[tilespmem:$0x15B00] =	vst v63  }
0x12: {  	_ =	swait.ge [sflag:s15], $0x80  }
0x13: {  	[sflag:s15] =	ssyncset.done $0x0  }
0x14: {  	s31 =	sadd.s32 s21, s12;
	[sflag:s15] =	ssyncadd.s32 $0xFFFFFF80  }
0x15: {  	[tilespmem:s16], [sflag:$0x2] =	stream.linear.gather [hbm4b:s31+s3], $0x80, $0x38;
	[tilespmem:$0x15B00] =	vst v63  }
0x16: {  	_ =	swait.ge [sflag:s15], $0x80  }
0x17: {  	[sflag:s15] =	ssyncset.done $0x0  }
0x18: {  	[sflag:s15] =	ssyncadd.s32 $0xFFFFFF80  }
0x19: {  	[tilespmem:s17], [sflag:$0x1] =	stream.indirect.gather [hbm4b:s5+s16], $0x40, s3, s16, $0xb8;
	[tilespmem:$0x15B00] =	vst v63  }
0x1a: {  	_ =	swait.ge [sflag:s18], $0x2000  }
0x1b: {  	[sflag:s18] =	ssyncset.done $0x0  }
0x1c: {  	[sflag:s18] =	ssyncadd.s32 $0xFFFFE000  }
0x1d: {  	[spmem:s2] =	stream.indirect.scatter.add.f32 [tilespmem:s17], [sflag:$0x2], $0x40, s16, s16, $0xb8;
	[tilespmem:$0x15B00] =	vst v63  }
0x1e: {  	_ =	swait.ge [sflag:s15], $0x2000  }
0x1f: {  	[sflag:s15] =	ssyncset.done $0x0  }
0x20: {  	s21 =	smov.u32 s8;
	[sflag:s15] =	ssyncadd.s32 $0xFFFFE000  }
.LBB2_8:
0x21: {  	s20 =	sadd.s32 $0x1, s20  }
0x22: {  	p1 =	sne.s32 s20, s11  }
.Ltmp1:
0x23: {  	s21 =	sadd.s32 s21, s10;
	[bflag:$0x0] =	sbarrier.arrive $0xFFFF;
	(pc) =	sbr.rel @!p1 .LBB2_9-.Ltmp1, $4  }
0x24: {  	[hbm:s21], [sflag:s9] =	dma.local [spmem:s19], $0x2710  }
0x25: {  	_ =	swait.ge [sflag:s15], $0x2710  }
0x26: {  	[sflag:s15] =	ssyncset.done $0x0  }
0x27: {  	[sflag:s15] =	ssyncadd.s32 $0xFFFFD8F0  }
.LBB2_1:
0x28: {  	[spmem:s14], [sflag:s9] =	dma.local [hbm:s6], $0x2740  }
.Ltmp2:
0x29: {  	_ =	swait.ge [sflag:s15], $0x2740;
	(pc) =	sbr.rel @p0 .LBB2_5-.Ltmp2, $4  }
0x2a: {  	[sflag:s15] =	ssyncset.done $0x0  }
0x2b: {  	[sflag:s15] =	ssyncadd.s32 $0xFFFFD8C0  }
0x2c: {  	[bflag:$0x0] =	sbarrier.arrive $0xFFFF  }
0x2d: {  	s21 =	sadd.s32 $0x0, s13  }
0x2e: {  	[tilespmem:s3], [sflag:$0x2] =	stream.linear.gather [hbm4b:s21+s3], $0x80, $0x38;
	[tilespmem:$0x15B00] =	vst v63  }
0x2f: {  	_ =	swait.ge [sflag:s15], $0x80  }
0x30: {  	[sflag:s15] =	ssyncset.done $0x0  }
0x31: {  	s31 =	sadd.s32 $0x0, s12;
	[sflag:s15] =	ssyncadd.s32 $0xFFFFFF80  }
0x32: {  	[tilespmem:s16], [sflag:$0x2] =	stream.linear.gather [hbm4b:s31+s3], $0x80, $0x38;
	[tilespmem:$0x15B00] =	vst v63  }
0x33: {  	_ =	swait.ge [sflag:s15], $0x80  }
0x34: {  	[sflag:s15] =	ssyncset.done $0x0  }
0x35: {  	[sflag:s15] =	ssyncadd.s32 $0xFFFFFF80  }
0x36: {  	[tilespmem:s17], [sflag:$0x1] =	stream.indirect.gather [hbm4b:s4+s16], $0x40, s3, s16, $0xb8;
	[tilespmem:$0x15B00] =	vst v63  }
0x37: {  	_ =	swait.ge [sflag:s18], $0x2000  }
0x38: {  	[sflag:s18] =	ssyncset.done $0x0  }
0x39: {  	[sflag:s18] =	ssyncadd.s32 $0xFFFFE000  }
0x3a: {  	[spmem:s2] =	stream.indirect.scatter.add.f32 [tilespmem:s17], [sflag:$0x2], $0x40, s16, s16, $0xb8;
	[tilespmem:$0x15B00] =	vst v63  }
0x3b: {  	_ =	swait.ge [sflag:s15], $0x2000  }
0x3c: {  	s21 =	simm.s32 $0x10;
	s22 =	simm.s32 $0x20;
	[sflag:s15] =	ssyncset.done $0x0  }
.LBB2_3:
0x3d: {  	s23 =	sadd.s32 s21, s13  }
0x3e: {  	[sflag:s15] =	ssyncadd.s32 $0xFFFFE000;
	s24 =	smov.u32 s22;
	s25 =	sadd.s32 $0x10, s22  }
0x3f: {  	[tilespmem:s3], [sflag:$0x2] =	stream.linear.gather [hbm4b:s23+s3], $0x80, $0x38;
	[tilespmem:$0x15B00] =	vst v63  }
0x40: {  	p1 =	seq.s32 s22, $0x13F0;
	_ =	swait.ge [sflag:s15], $0x80  }
0x41: {  	[sflag:s15] =	ssyncset.done $0x0  }
0x42: {  	s22 =	sadd.s32 s21, s12;
	s21 =	smov.u32 s24;
	[sflag:s15] =	ssyncadd.s32 $0xFFFFFF80  }
0x43: {  	[tilespmem:s16], [sflag:$0x2] =	stream.linear.gather [hbm4b:s22+s3], $0x80, $0x38;
	[tilespmem:$0x15B00] =	vst v63  }
0x44: {  	_ =	swait.ge [sflag:s15], $0x80  }
0x45: {  	[sflag:s15] =	ssyncset.done $0x0  }
0x46: {  	[sflag:s15] =	ssyncadd.s32 $0xFFFFFF80  }
0x47: {  	[tilespmem:s17], [sflag:$0x1] =	stream.indirect.gather [hbm4b:s4+s16], $0x40, s3, s16, $0xb8;
	[tilespmem:$0x15B00] =	vst v63  }
0x48: {  	_ =	swait.ge [sflag:s18], $0x2000  }
.Ltmp3:
0x49: {  	[sflag:s18] =	ssyncset.done $0x0;
	(pc) =	sbr.rel @!p1 .LBB2_3-.Ltmp3, $4  }
0x4a: {  	[sflag:s18] =	ssyncadd.s32 $0xFFFFE000  }
0x4b: {  	[spmem:s2] =	stream.indirect.scatter.add.f32 [tilespmem:s17], [sflag:$0x2], $0x40, s16, s16, $0xb8;
	[tilespmem:$0x15B00] =	vst v63  }
0x4c: {  	_ =	swait.ge [sflag:s15], $0x2000  }
0x4d: {  	s22 =	smov.u32 s25;
	[sflag:s15] =	ssyncset.done $0x0  }
0x4e: {  	s22 =	sadd.s32 s21, s13;
	[sflag:s15] =	ssyncadd.s32 $0xFFFFE000  }
0x4f: {  	[tilespmem:s3], [sflag:$0x2] =	stream.linear.gather [hbm4b:s22+s3], $0x80, $0x38;
	[tilespmem:$0x15B00] =	vst v63  }
0x50: {  	_ =	swait.ge [sflag:s15], $0x80  }
0x51: {  	[sflag:s15] =	ssyncset.done $0x0  }
0x52: {  	s31 =	sadd.s32 s21, s12;
	[sflag:s15] =	ssyncadd.s32 $0xFFFFFF80  }
0x53: {  	[tilespmem:s16], [sflag:$0x2] =	stream.linear.gather [hbm4b:s31+s3], $0x80, $0x38;
	[tilespmem:$0x15B00] =	vst v63  }
0x54: {  	_ =	swait.ge [sflag:s15], $0x80  }
0x55: {  	[sflag:s15] =	ssyncset.done $0x0  }
0x56: {  	[sflag:s15] =	ssyncadd.s32 $0xFFFFFF80  }
0x57: {  	[tilespmem:s17], [sflag:$0x1] =	stream.indirect.gather [hbm4b:s4+s16], $0x40, s3, s16, $0xb8;
	[tilespmem:$0x15B00] =	vst v63  }
0x58: {  	_ =	swait.ge [sflag:s18], $0x2000  }
0x59: {  	[sflag:s18] =	ssyncset.done $0x0  }
.Ltmp4:
0x5a: {  	[sflag:s18] =	ssyncadd.s32 $0xFFFFE000;
	(pc) =	sbr.rel .LBB2_8-.Ltmp4, $4  }
0x5b: {  	[spmem:s2] =	stream.indirect.scatter.add.f32 [tilespmem:s17], [sflag:$0x2], $0x40, s16, s16, $0xb8;
	[tilespmem:$0x15B00] =	vst v63  }
0x5c: {  	_ =	swait.ge [sflag:s15], $0x2000  }
0x5d: {  	[sflag:s15] =	ssyncset.done $0x0  }
0x5e: {  	s21 =	smov.u32 s7;
	[sflag:s15] =	ssyncadd.s32 $0xFFFFE000  }
.LBB2_5:
0x5f: {  	[tilespmem:s3], [sflag:$0x2] =	stream.linear.gather [hbm4b:s21+s3], $0x80, $0x38;
	[tilespmem:$0x15B00] =	vst v63  }
0x60: {  	_ =	swait.ge [sflag:s15], $0x80  }
0x61: {  	[sflag:s15] =	ssyncset.done $0x0  }
0x62: {  	s31 =	sadd.s32 $0x0, s12;
	[sflag:s15] =	ssyncadd.s32 $0xFFFFFF80  }
0x63: {  	[tilespmem:s16], [sflag:$0x2] =	stream.linear.gather [hbm4b:s31+s3], $0x80, $0x38;
	[tilespmem:$0x15B00] =	vst v63  }
0x64: {  	_ =	swait.ge [sflag:s15], $0x80  }
0x65: {  	[sflag:s15] =	ssyncset.done $0x0  }
0x66: {  	[sflag:s15] =	ssyncadd.s32 $0xFFFFFF80  }
0x67: {  	[tilespmem:s17], [sflag:$0x1] =	stream.indirect.gather [hbm4b:s5+s16], $0x40, s3, s16, $0xb8;
	[tilespmem:$0x15B00] =	vst v63  }
0x68: {  	_ =	swait.ge [sflag:s18], $0x2000  }
0x69: {  	[sflag:s18] =	ssyncset.done $0x0  }
0x6a: {  	[sflag:s18] =	ssyncadd.s32 $0xFFFFE000  }
0x6b: {  	[spmem:s2] =	stream.indirect.scatter.add.f32 [tilespmem:s17], [sflag:$0x2], $0x40, s16, s16, $0xb8;
	[tilespmem:$0x15B00] =	vst v63  }
0x6c: {  	_ =	swait.ge [sflag:s15], $0x2000  }
0x6d: {  	s21 =	simm.s32 $0x10;
	s22 =	simm.s32 $0x20;
	[sflag:s15] =	ssyncset.done $0x0  }
.LBB2_6:
0x6e: {  	s23 =	sadd.s32 s21, s13  }
0x6f: {  	[sflag:s15] =	ssyncadd.s32 $0xFFFFE000;
	s24 =	smov.u32 s22;
	s25 =	sadd.s32 $0x10, s22  }
0x70: {  	[tilespmem:s3], [sflag:$0x2] =	stream.linear.gather [hbm4b:s23+s3], $0x80, $0x38;
	[tilespmem:$0x15B00] =	vst v63  }
0x71: {  	p1 =	sne.s32 s22, $0x13F0;
	_ =	swait.ge [sflag:s15], $0x80  }
0x72: {  	[sflag:s15] =	ssyncset.done $0x0  }
0x73: {  	s22 =	sadd.s32 s21, s12;
	s21 =	smov.u32 s24;
	[sflag:s15] =	ssyncadd.s32 $0xFFFFFF80  }
0x74: {  	[tilespmem:s16], [sflag:$0x2] =	stream.linear.gather [hbm4b:s22+s3], $0x80, $0x38;
	[tilespmem:$0x15B00] =	vst v63  }
0x75: {  	_ =	swait.ge [sflag:s15], $0x80  }
0x76: {  	[sflag:s15] =	ssyncset.done $0x0  }
0x77: {  	[sflag:s15] =	ssyncadd.s32 $0xFFFFFF80  }
0x78: {  	[tilespmem:s17], [sflag:$0x1] =	stream.indirect.gather [hbm4b:s5+s16], $0x40, s3, s16, $0xb8;
	[tilespmem:$0x15B00] =	vst v63  }
0x79: {  	_ =	swait.ge [sflag:s18], $0x2000  }
.Ltmp5:
0x7a: {  	[sflag:s18] =	ssyncset.done $0x0;
	(pc) =	sbr.rel @p1 .LBB2_6-.Ltmp5, $4  }
0x7b: {  	[sflag:s18] =	ssyncadd.s32 $0xFFFFE000  }
0x7c: {  	[spmem:s2] =	stream.indirect.scatter.add.f32 [tilespmem:s17], [sflag:$0x2], $0x40, s16, s16, $0xb8;
	[tilespmem:$0x15B00] =	vst v63  }
0x7d: {  	_ =	swait.ge [sflag:s15], $0x2000  }
0x7e: {  	s22 =	smov.u32 s25;
	[sflag:s15] =	ssyncset.done $0x0  }
.Ltmp6:
0x7f: {  	_ = 	snop;
	(pc) =	sbr.rel .LBB2_7-.Ltmp6, $1  }
0x80: {  	_ =	sdelay $0x3  }
.LBB2_9:
0x81: {  	_ =	sfence.sel $0x180000  }
0x82: {  	[bflag:$0x0] =	sbarrier.arrive $0xFFFF  }
0x83: {  	p0 =	sne.s32 s1, $0x0;
	_ =	strace $0x90000053  }
0x84: {  	s0 =	sadd.s32 @!p0 $0x100000, s0;
	[bflag:$0x2] =	sbarrier.arrive $0xFFFF  }
0x85: {  	[sflag:s0] =	ssyncadd.tile.s32 @!p0 $0x1;
	_ =	shalt  }
.Lfunc_end2:
_tile_overlayer_lowered:
.L_overlay_start_2:
0x86: {  	(tag) =	ssettag $0x2  }
0x87: {  	s0 =	rddreg [dreg:$0x0];
	s2 =	stileid.u32  }
0x88: {  	s1 =	rddreg [dreg:$0x1];
	p0 =	sne.s32 s2, $0x0  }
0x89: {  	s3 =	rddreg [dreg:$0x2];
	[bflag:$0x3] =	sbarrier.arrive $0xFFFF;
	s2 =	simm.s32 @!p0 $0x1C02  }
0x8a: {  	[timem:s3], [sflag:s2] =	dma.local @!p0 [hbm:s0], s1  }
0x8b: {  	s0 =	simm.s32 @!p0 $0x2  }
0x8c: {  	_ =	swait.ge @!p0 [sflag:s0], s1  }
0x8d: {  	s1 =	ssub.s32 @!p0 $0x0, s1;
	[sflag:s0] =	ssyncset.done @!p0 $0x0  }
0x8e: {  	[sflag:s0] =	ssyncadd.s32 @!p0 s1  }
0x8f: {  	[bflag:$0x3] =	sbarrier.arrive $0xFFFF  }
0x90: {  	_ =	shalt  }

// kernel: scatter_offload_async_start
scs
__scs_entry_jumppad:
0x0: {  	(pc) =	sbr.rel $0x88, $3  }
0x1: {  	(tag) =	ssettag $0x0;
	lr =	simm.s32 $0x1  }
0x2: {  	[smem:$0x3F83] =	sst lr;
	_ =	strace $0xD0000000  }
0x3: {  	_ = 	snop  }
0x4: {  	_ = 	snop  }
0x5: {  	_ = 	snop  }
0x6: {  	_ = 	snop  }
0x7: {  	_ = 	snop  }
__scs_overlays_trampoline_lowered:
0x8: {  	[smem:$0x3F92] =	sst s0  }
0x9: {  	[smem:$0x3F93] =	sst s1  }
0xa: {  	[smem:$0x3F94] =	sst s2  }
0xb: {  	[smem:$0x3F95] =	sst s3  }
0xc: {  	[smem:$0x3F96] =	sst s4  }
0xd: {  	[smem:$0x3F97] =	sst s5  }
0xe: {  	[smem:$0x3F98] =	sst s6  }
0xf: {  	[smem:$0x3F99] =	sst s7  }
0x10: {  	[smem:$0x3F9A] =	sst s8  }
0x11: {  	[smem:$0x3F9B] =	sst s9;
	s0 =	simm.s32 @!p0 $0x0  }
0x12: {  	s1 =	sld [smem:$0x3F81];
	s0 =	simm.s32 @p0 $0x1  }
0x13: {  	[smem:$0x3F9C] =	sst s0;
	s0 =	simm.s32 @!p1 $0x0  }
0x14: {  	s2 =	sld [smem:$0x3F80];
	s0 =	simm.s32 @p1 $0x1  }
0x15: {  	[smem:$0x3F9D] =	sst s0;
	s0 =	simm.s32 @!p2 $0x0  }
0x16: {  	s3 =	sld [smem:$0x3FDB];
	s0 =	simm.s32 @p2 $0x1  }
0x17: {  	s4 =	simm.s32 $0x1BF5;
	[smem:$0x3F9F] =	sst s0  }
0x18: {  	s0 =	sld [smem:$0x3F82];
	_ =	swait.ge [sflag:s4], $0x0  }
0x19: {  	s7 =	sld [smem:$0x3F83]  }
0x1a: {  	s8 =	sadd.s32 $0xFFFFE003, lr  }
0x1b: {  	s9 =	sadd.s32 $0xFFFFFEF7, lr;
	s5 =	simm.s32 $0xFFFFFFFF;
	p2 =	slt.u32 s8, $0xFFFFF086  }
0x1c: {  	p1 =	slt.u32 s9, $0xF7A;
	s5 =	simm.s32 @!p2 $0x0  }
0x1d: {  	s5 =	simm.s32 @p1 $0x1;
	p0 =	seq.s32 s7, s2  }
0x1e: {  	s7 =	smul.u32 @!p0 $0xF7A, s2;
	p2 =	seq.s32 @!p0 s5, $0x0  }
0x1f: {  	s9 =	smul.u32 $0xF7A, s1;
	s8 =	simm.s32 @!p0 $0x1BF5;
	p2 =	por !p2, p0  }
0x20: {  	[sflag:s8] =	ssyncset.s32 @!p0 $0xFFFFF086;
	s6 =	sadd.s32 @!p0 s3, s7;
	s7 =	simm.s32 @!p0 $0x108  }
0x21: {  	s3 =	sadd.s32 s3, s9;
	s6 =	sadd.s32 @!p0 $0x88, s6;
	s7 =	simm.s32 @p2 $0x1082  }
0x22: {  	[simem:s7], [sflag:s8] =	dma.local @!p0 [hbm:s6], $0xF7A  }
0x23: {  	s9 =	sor.u32 $0xD0000000, s2;
	s6 =	simm.s32 $0x108;
	_ =	swait.ge @!p0 [sflag:s8], $0x0  }
0x24: {  	s3 =	sadd.s32 $0x88, s3;
	s6 =	simm.s32 @!p1 $0x1082;
	[sflag:s4] =	ssyncset.s32 $0xFFFFF086  }
0x25: {  	[simem:s6], [sflag:s4] =	dma.local [hbm:s3], $0xF7A  }
0x26: {  	[smem:$0x3F83] =	sst s1;
	(tag) =	ssettag s2;
	_ =	strace s9  }
0x27: {  	s1 =	sld [smem:$0x3F93]  }
0x28: {  	s2 =	sld [smem:$0x3F94]  }
0x29: {  	s4 =	sld [smem:$0x3F96]  }
0x2a: {  	p0 =	seq.s32 s5, $0x0;
	s5 =	sld [smem:$0x3F97]  }
0x2b: {  	s6 =	sld [smem:$0x3F98]  }
0x2c: {  	s7 =	sld [smem:$0x3F99]  }
0x2d: {  	s3 =	simm.s32 $0x108;
	s8 =	sld [smem:$0x3F9A]  }
0x2e: {  	s3 =	simm.s32 @!p0 $0x1082;
	s9 =	sld [smem:$0x3F9B]  }
0x2f: {  	lr =	sadd.s32 s0, s3;
	s0 =	sld [smem:$0x3F92]  }
0x30: {  	s3 =	sld [smem:$0x3F95]  }
0x31: {  	[smem:$0x3F9E] =	sst s10  }
0x32: {  	s10 =	sld [smem:$0x3F9C];
	_ =	sdelay $0x3  }
0x33: {  	p0 =	seq.s32 s10, $0x1;
	s10 =	sld [smem:$0x3F9E];
	_ =	sdelay $0x3  }
0x34: {  	[smem:$0x3F9E] =	sst s10  }
0x35: {  	s10 =	sld [smem:$0x3F9D];
	_ =	sdelay $0x3  }
0x36: {  	p1 =	seq.s32 s10, $0x1;
	s10 =	sld [smem:$0x3F9E];
	_ =	sdelay $0x3  }
0x37: {  	[smem:$0x3F9E] =	sst s10  }
0x38: {  	s10 =	sld [smem:$0x3F9F]  }
0x39: {  	_ = 	snop;
	(pc) =	sbr.ind lr, $3  }
0x3a: {  	_ = 	snop  }
0x3b: {  	_ = 	snop  }
0x3c: {  	p2 =	seq.s32 s10, $0x1;
	s10 =	sld [smem:$0x3F9E]  }
0x3d: {  	_ =	shalt  }
0x3e: {  	_ =	shalt  }
0x3f: {  	_ =	shalt  }
0x40: {  	_ =	shalt  }
0x41: {  	_ =	shalt  }
0x42: {  	_ =	shalt  }
0x43: {  	_ =	shalt  }
0x44: {  	_ =	shalt  }
0x45: {  	_ =	shalt  }
0x46: {  	_ =	shalt  }
0x47: {  	_ =	shalt  }
0x48: {  	_ =	shalt  }
0x49: {  	_ =	shalt  }
0x4a: {  	_ =	shalt  }
0x4b: {  	_ =	shalt  }
0x4c: {  	_ =	shalt  }
0x4d: {  	_ =	shalt  }
0x4e: {  	_ =	shalt  }
0x4f: {  	_ =	shalt  }
0x50: {  	_ =	shalt  }
0x51: {  	_ =	shalt  }
0x52: {  	_ =	shalt  }
0x53: {  	_ =	shalt  }
0x54: {  	_ =	shalt  }
0x55: {  	_ =	shalt  }
0x56: {  	_ =	shalt  }
0x57: {  	_ =	shalt  }
0x58: {  	_ =	shalt  }
0x59: {  	_ =	shalt  }
0x5a: {  	_ =	shalt  }
0x5b: {  	_ =	shalt  }
0x5c: {  	_ =	shalt  }
0x5d: {  	_ =	shalt  }
0x5e: {  	_ =	shalt  }
0x5f: {  	_ =	shalt  }
0x60: {  	_ =	shalt  }
0x61: {  	_ =	shalt  }
0x62: {  	_ =	shalt  }
0x63: {  	_ =	shalt  }
0x64: {  	_ =	shalt  }
0x65: {  	_ =	shalt  }
0x66: {  	_ =	shalt  }
0x67: {  	_ =	shalt  }
0x68: {  	_ =	shalt  }
0x69: {  	_ =	shalt  }
0x6a: {  	_ =	shalt  }
0x6b: {  	_ =	shalt  }
0x6c: {  	_ =	shalt  }
0x6d: {  	_ =	shalt  }
0x6e: {  	_ =	shalt  }
0x6f: {  	_ =	shalt  }
0x70: {  	_ =	shalt  }
0x71: {  	_ =	shalt  }
0x72: {  	_ =	shalt  }
0x73: {  	_ =	shalt  }
0x74: {  	_ =	shalt  }
0x75: {  	_ =	shalt  }
0x76: {  	_ =	shalt  }
0x77: {  	_ =	shalt  }
0x78: {  	_ =	shalt  }
0x79: {  	_ =	shalt  }
0x7a: {  	_ =	shalt  }
0x7b: {  	_ =	shalt  }
0x7c: {  	_ =	shalt  }
0x7d: {  	_ =	shalt  }
0x7e: {  	_ =	shalt  }
0x7f: {  	_ =	shalt  }
0x80: {  	_ =	shalt  }
0x81: {  	_ =	shalt  }
0x82: {  	_ =	shalt  }
0x83: {  	_ =	shalt  }
0x84: {  	_ =	shalt  }
0x85: {  	_ =	shalt  }
0x86: {  	_ =	shalt  }
0x87: {  	_ =	shalt  }
.Lfunc_end0:
.L_simem_size_0:
called_computation_lowered:
.L_overlay_start_0:
0x88: {  	s0 =	sld [smem:$0x3FD9]  }
0x89: {  	s1 =	sld [smem:$0x3FFE];
	_ =	sdelay $0x3  }
0x8a: {  	s0 =	sadd.s32 s1, s0  }
0x8b: {  	[smem:$0x3FAA] =	sst s0  }
0x8c: {  	_ = 	snop  }
0x8d: {  	s0 =	sld [smem:$0x3FD0];
	_ =	sdelay $0x2  }
0x8e: {  	s13 =	simm.s32 $0xA;
	s2 =	simm.s32 $0x10  }
0x8f: {  	[smem:s2], [sflag:s13] =	dma.local [hbm:s0], $0x1  }
0x90: {  	_ =	swait.eq [sflag:s13], $0x1  }
0x91: {  	[sflag:s13] =	ssyncset.done $0x0  }
0x92: {  	[sflag:s13] =	ssyncadd.s32 $0xFFFFFFFF  }
0x93: {  	s14 =	sld [smem:$0x14];
	(tm) =	ssettm $0x1  }
0x94: {  	s15 =	sld [smem:$0x3FFB];
	_ =	sdelay $0x3  }
0x95: {  	_ =	strace s15  }
0x96: {  	s1 =	sld [smem:$0x3FFC];
	_ =	sdelay $0x3  }
0x97: {  	_ =	strace s1  }
0x98: {  	s1 =	sld [smem:$0x3FFD];
	_ =	sdelay $0x3  }
0x99: {  	_ =	strace s1  }
0x9a: {  	_ =	strace $0x8FFFFFFF  }
0x9b: {  	s16 =	sld [smem:$0x3FDB];
	_ =	sdelay $0x1  }
0x9c: {  	s17 =	simm.s32 $_scs_section_size  }
0x9d: {  	s3 =	simm.s32 $_size__tile_overlayer_lowered;
	s4 =	simm.s32 $_tile_overlayer_lowered  }
0x9e: {  	s20 =	simm.s32 $0x1BFF;
	s19 =	sshll.u32 s4, $0x1;
	s1 =	sadd.s32 s17, s16  }
0x9f: {  	s5 =	simm.s32 $0x0;
	s18 =	sshll.u32 s3, $0x1;
	s3 =	sadd.s32 s19, s1  }
0xa0: {  	[timem:s5], [sflag:s20] =	dma.local [hbm:s3], s18  }
0xa1: {  	_ =	swait.ge [sflag:s20], s18  }
0xa2: {  	s2 =	ssub.s32 $0x0, s18;
	[sflag:s20] =	ssyncset.done $0x0  }
0xa3: {  	[sflag:s20] =	ssyncadd.s32 s2;
	_ =	sdelay $0x1  }
0xa4: {  	s21 =	simm.s32 $0x1B8B  }
0xa5: {  	_ =	swait.ge [sflag:s21], $0x1  }
0xa6: {  	[sflag:s21] =	ssyncset.done $0x0  }
0xa7: {  	s23 =	simm.s32 $0x1B8E;
	s22 =	sld [smem:$0x3FFE];
	[sflag:s21] =	ssyncadd.s32 $0xFFFFFFFF  }
0xa8: {  	s24 =	simm.s32 $execute0_lowered;
	[smem:$0x3FD2] =	sst s23  }
0xa9: {  	s3 =	sshll.u32 s24, $0x1;
	_ =	strace $0x80000046;
	[dreg:$0x1] =	wrdreg $0xFFFFFFFF  }
0xaa: {  	s25 =	simm.s32 $_size_execute0_lowered;
	s1 =	sadd.s32 s1, s3;
	[dreg:$0x0] =	wrdreg $0x0  }
0xab: {  	s3 =	sshll.u32 s25, $0x1;
	[dreg:$0x2] =	wrdreg s1  }
0xac: {  	[dreg:$0x3] =	wrdreg s3  }
0xad: {  	[dreg:$0x4] =	wrdreg $0xC0  }
0xae: {  	_ =	task [dreg:s5], $0x5FFFF  }
0xaf: {  	[dreg:$0x1] =	wrdreg $0xFFFFFFFF  }
0xb0: {  	[dreg:$0x0] =	wrdreg $0x60  }
0xb1: {  	[dreg:$0x2] =	wrdreg s14  }
0xb2: {  	[dreg:$0x3] =	wrdreg s22  }
0xb3: {  	[dreg:$0x4] =	wrdreg $0x9  }
0xb4: {  	_ =	task.clear_ibuf [dreg:s5], $0x5FFFF;
	_ =	strace $0x90000046  }
0xb5: {  	s26 =	simm.s32 $0x9;
	_ =	strace $0x80000048  }
0xb6: {  	_ =	swait.ge [sflag:s26], $0x1  }
0xb7: {  	[sflag:s26] =	ssyncadd.s32 $0xFFFFFFFF  }
0xb8: {  	_ =	strace $0x90000048  }
0xb9: {  	_ =	sfence  }
0xba: {  	s28 =	sld [smem:$0x0];
	_ =	sdelay $0x1  }
0xbb: {  	s29 =	srdreg.scid  }
0xbc: {  	s30 =	sshll.u32 s29, $0xD;
	s31 =	sshrl.u32 s29, $0x2  }
0xbd: {  	s2 =	sand.u32 $0x4000, s30;
	s1 =	sand.u32 $0x1, s29;
	s0 =	sadd.s32 s31, s28  }
0xbe: {  	s1 =	sor.u32 s2, s1;
	s0 =	sshll.u32 s0, $0x11  }
0xbf: {  	s0 =	sor.u32 s0, s1  }
0xc0: {  	s0 =	sadd.s32 $0x8F2B, s0  }
0xc1: {  	[sflag:s0] =	ssyncadd.remote.s32 $0x1  }
0xc2: {  	_ =	sfence.sel $0xFFFF  }
0xc3: {  	[dreg:$0x0] =	wrdreg $0xFFFFFFFF;
	(pc) =	sbr.abs _section_cstart, $3  }
0xc4: {  	[dreg:$0x1] =	wrdreg $0xFFFFFFFF  }
0xc5: {  	_ =	task.clear_ibuf [dreg:s5], $0x2FFFF;
	_ =	strace $0x9FFFFFFF  }
0xc6: {  	(tm) =	ssettm $0x7FFFFFFF  }
0xc7: {  	_ =	shalt  }
tec
execute0_lowered:
.L_overlay_start_1:
0x0: {  	(tag) =	ssettag $0x1  }
0x1: {  	s1 =	rddreg [dreg:$0x0]  }
0x2: {  	s7 =	rddreg [dreg:$0x1]  }
0x3: {  	s0 =	rddreg [dreg:$0x2]  }
0x4: {  	s3 =	stileid.u32;
	_ =	strace $0x80000047;
	s4 =	simm.s32 $0x3E  }
0x5: {  	p0 =	sne.s32 s3, $0x0;
	[sflag:s4] =	ssyncpa.u1 $0x0  }
0x6: {  	s30 =	smin.u32 s3, $0x9;
	s2 =	simm.s32 @!p0 $0x1C3E;
	s5 =	simm.s32 @!p0 $0x0  }
0x7: {  	[spmem:s5], [sflag:s2] =	dma.local @!p0 [hbm:s1], $0x10  }
0x8: {  	s2 =	sadd.s32 s3, s30  }
0x9: {  	p1 =	slt.u32 s3, $0x9;
	s3 =	simm.s32 $0x320;
	s2 =	smul.u32 $0x190, s2  }
0xa: {  	s3 =	simm.s32 @!p1 $0x190  }
0xb: {  	s3 =	sadd.s32 s3, s2  }
0xc: {  	s3 =	smin.u32 s3, $0x2710  }
0xd: {  	s8 =	ssub.s32 s3, s2  }
0xe: {  	p1 =	sgt.s32 s8, $0x0  }
0xf: {  	s8 =	simm.s32 @!p1 $0x0  }
0x10: {  	s6 =	sand.u32 $0xFFF0, s8  }
0x11: {  	s5 =	simm.s32 @!p0 $0x3E;
	s6 =	sshrl.u32 s6, $0x4  }
0x12: {  	_ =	swait.ge @!p0 [sflag:s5], $0x10;
	s31 =	smul.u32 $0xA3E, s6  }
0x13: {  	[sflag:s5] =	ssyncset.done @!p0 $0x0  }
0x14: {  	[sflag:s5] =	ssyncadd.s32 @!p0 $0xFFFFFFF0;
	s9 =	sshrl.u32 s31, $0x10  }
0x15: {  	s11 =	simm.s32 $0x0;
	[bflag:$0x0] =	sbarrier.arrive $0xFFFF;
	s10 =	smul.u32 $0x190, s9  }
.Ltmp0:
0x16: {  	[sflag:s4] =	ssyncpa.u1 $0x1;
	s4 =	simm.s32 $0x1;
	(pc) =	sbr.rel .LBB2_1-.Ltmp0, $4  }
0x17: {  	s5 =	sadd.s32 $0x1A600, s7;
	s7 =	sadd.s32 $0x1AC00, s7;
	[sflag:s4] =	ssyncpa.u1 $0x0  }
0x18: {  	s6 =	simm.s32 $0x2;
	p1 =	sne.s32 s8, s10;
	s8 =	simm.s32 $0x1  }
0x19: {  	(ifvalue) =	ssetifvalue $0x80;
	[sflag:s6] =	ssyncpa.u1 $0x0;
	s8 =	simm.s32 @!p1 $0x0  }
0x1a: {  	vm0 =	vmmov $0xffff;
	s10 =	smov.u32 s2;
	s8 =	sadd.s32 s9, s8;
	s9 =	simm.s32 $0x0  }
.LBB2_5:
0x1b: {  	p2 =	sne.s32 s11, s8  }
.Ltmp1:
0x1c: {  	_ = 	snop;
	(pc) =	sbr.rel @!p2 .LBB2_6-.Ltmp1, $4  }
0x1d: {  	_ = 	snop  }
0x1e: {  	s12 =	sadd.s32 $0x190, s10  }
0x1f: {  	s10 =	smov.u32 s2;
	s13 =	sadd.s32 $0x1, s11;
	p1 =	slt.s32 s12, s3  }
0x20: {  	s11 =	smov.u32 s13;
	s10 =	smov.u32 @p1 s12  }
.LBB2_1:
0x21: {  	p1 =	sge.u32 s11, s8  }
0x22: {  	s12 =	sxor.u32 @!p1 $0xFFFFFFFF, s11  }
0x23: {  	s12 =	sand.u32 @!p1 $0x1, s12  }
0x24: {  	s12 =	smul.u32 @!p1 $0x190, s12  }
0x25: {  	s13 =	sshrl.u32 @!p1 s10, $0x3  }
0x26: {  	s16 =	sand.u32 @!p1 $0x7, s10;
	s14 =	sadd.s32 @!p1 s5, s13;
	s15 =	sor.u32 @!p1 $0x8, s12  }
0x27: {  	[tilespmem:s15], [sflag:$0x2] =	stream.linear.gather @!p1 [hbm4b:s14+s16], $0x190, $0x38;
	[tilespmem:$0x648] =	vst v63  }
0x28: {  	s13 =	sadd.s32 @!p1 s7, s13;
	s12 =	sadd.s32 @!p1 $0x328, s12  }
0x29: {  	[tilespmem:s12], [sflag:$0x2] =	stream.linear.gather @!p1 [hbm4b:s13+s16], $0x190, $0x38;
	[tilespmem:$0x648] =	vst v63  }
0x2a: {  	p1 =	seq.s32 s11, $0x0  }
.Ltmp2:
0x2b: {  	_ = 	snop;
	(pc) =	sbr.rel @p1 .LBB2_5-.Ltmp2, $1  }
0x2c: {  	_ =	sdelay $0x3  }
0x2d: {  	s12 =	sand.u32 $0x1, s11  }
0x2e: {  	_ =	swait.ge [sflag:s6], $0x320;
	p1 =	seq.s32 s12, $0x1;
	s12 =	simm.s32 $0x190  }
0x2f: {  	[sflag:s6] =	ssyncset.done $0x0;
	s12 =	simm.s32 @!p1 $0x0  }
0x30: {  	[sflag:s6] =	ssyncadd.s32 $0xFFFFFCE0;
	s14 =	sor.u32 $0x8, s12  }
0x31: {  	v0 =	vld.msk [tilespmem:s14+$0x0 ss:$0x1], $0xffff;
	_ =	sdelay $0x4  }
0x32: {  	v0 =	vmin.u32 v0, $0x80;
	_ =	sdelay $0x3  }
0x33: {  	s13 =	simm.s32 $0x0;
	s12 =	sadd.s32 $0x328, s12;
	s14 =	sadd.s32 $0x10, s14  }
0x34: {  	[spmem:s9] =	stream.indirect_vreg.scatter.add.s32 [tilespmem:s12], [sflag:$0x1], $0x1, v0, vm0, $0x4038;
	[tilespmem:$0x648] =	vst v63  }
.LBB2_3:
0x35: {  	v0 =	vld.msk [tilespmem:s14+$0x0 ss:$0x1], $0xffff;
	s13 =	sadd.s32 $0x10, s13  }
0x36: {  	p1 =	slt.u32 s13, $0x180;
	_ =	sdelay $0x4  }
0x37: {  	v0 =	vmin.u32 v0, $0x80  }
.Ltmp3:
0x38: {  	(pc) =	sbr.rel @p1 .LBB2_3-.Ltmp3, $3  }
0x39: {  	_ =	sdelay $0x1  }
0x3a: {  	s14 =	sadd.s32 $0x10, s14;
	s12 =	sadd.s32 $0x10, s12  }
0x3b: {  	[spmem:s9] =	stream.indirect_vreg.scatter.add.s32 [tilespmem:s12], [sflag:$0x1], $0x1, v0, vm0, $0x4038;
	[tilespmem:$0x648] =	vst v63  }
.Ltmp4:
0x3c: {  	(pc) =	sbr.rel .LBB2_5-.Ltmp4, $4  }
0x3d: {  	_ = 	snop  }
0x3e: {  	_ =	swait.ge [sflag:s4], $0x190  }
0x3f: {  	[sflag:s4] =	ssyncset.done $0x0  }
0x40: {  	[sflag:s4] =	ssyncadd.s32 $0xFFFFFE70  }
.LBB2_6:
0x41: {  	_ =	sfence.sel $0x180000  }
0x42: {  	s2 =	simm.s32 $0x2;
	[bflag:$0x0] =	sbarrier.arrive $0xFFFF  }
0x43: {  	s30 =	simm.s32 $0x1;
	[sflag:s2] =	ssyncpa.u1 $0x1  }
0x44: {  	[sflag:s30] =	ssyncpa.u1 $0x1  }
0x45: {  	_ =	sfence.stream.spmem  }
0x46: {  	s31 =	simm.s32 $0x3D;
	[bflag:$0x0] =	sbarrier.arrive $0xFFFF  }
0x47: {  	s2 =	simm.s32 @p0 $0x3D;
	[sflag:s31] =	ssyncpa.u1 $0x0  }
0x48: {  	[sflag:s2] =	ssyncpa.u1 @p0 $0x1  }
0x49: {  	[bflag:$0x0] =	sbarrier.arrive @p0 $0xFFFF  }
0x4a: {  	_ =	strace @p0 $0x90000047  }
0x4b: {  	s3 =	simm.s32 @!p0 $0x1C3D;
	s2 =	simm.s32 @!p0 $0x0;
	[bflag:$0x2] =	sbarrier.arrive @p0 $0xFFFF  }
0x4c: {  	[hbm:s1], [sflag:s3] =	dma.local @!p0 [spmem:s2], $0x10  }
0x4d: {  	s1 =	simm.s32 @!p0 $0x3D  }
0x4e: {  	_ =	swait.ge @!p0 [sflag:s1], $0x10  }
0x4f: {  	[sflag:s1] =	ssyncset.done @!p0 $0x0  }
0x50: {  	[sflag:s1] =	ssyncadd.s32 @!p0 $0xFFFFFFF0  }
0x51: {  	[sflag:s1] =	ssyncpa.u1 @!p0 $0x1  }
0x52: {  	[bflag:$0x0] =	sbarrier.arrive @!p0 $0xFFFF  }
0x53: {  	_ =	strace @!p0 $0x90000047  }
0x54: {  	s0 =	sadd.s32 @!p0 $0x100000, s0;
	[bflag:$0x2] =	sbarrier.arrive @!p0 $0xFFFF  }
0x55: {  	[sflag:s0] =	ssyncadd.tile.s32 @!p0 $0x1;
	_ =	shalt  }
.Lfunc_end2:
_tile_overlayer_lowered:
.L_overlay_start_2:
0x56: {  	(tag) =	ssettag $0x2  }
0x57: {  	s0 =	rddreg [dreg:$0x0];
	s2 =	stileid.u32  }
0x58: {  	s1 =	rddreg [dreg:$0x1];
	p0 =	sne.s32 s2, $0x0  }
0x59: {  	s3 =	rddreg [dreg:$0x2];
	[bflag:$0x3] =	sbarrier.arrive $0xFFFF;
	s2 =	simm.s32 @!p0 $0x1C01  }
0x5a: {  	[timem:s3], [sflag:s2] =	dma.local @!p0 [hbm:s0], s1  }
0x5b: {  	s0 =	simm.s32 @!p0 $0x1  }
0x5c: {  	_ =	swait.ge @!p0 [sflag:s0], s1  }
0x5d: {  	s1 =	ssub.s32 @!p0 $0x0, s1;
	[sflag:s0] =	ssyncset.done @!p0 $0x0  }
0x5e: {  	[sflag:s0] =	ssyncadd.s32 @!p0 s1  }
0x5f: {  	[bflag:$0x3] =	sbarrier.arrive $0xFFFF  }
0x60: {  	_ =	shalt  }

</sc_bundles>
